<compile_context>
chip_gen: v7x
topology: tpu7x:2x2x1
jax: 0.10.2.dev20260603
libtpu: 0.0.44.dev20260713+nightly
codegen_flags: <defaults>
</compile_context>

<pallas_src>
import functools

import jax
import jax.numpy as jnp
from jax import lax
from jax.experimental import pallas as pl
from jax.experimental.pallas import tpu as pltpu
from jax.experimental.pallas import tpu_sc as plsc

_DN_RT = (((1,), (1,)), ((), ()))

_TB = 512
_BEPAD = 24
_NW = 32


def _dispatch_body(x_ref, wr_ref, dest_ref, gp_ref, be_ref):
    T = x_ref.shape[0]
    num_e = wr_ref.shape[0]
    P = 2 * T
    nb = P // _TB + num_e

    z = lax.dot_general(x_ref[...], wr_ref[...], _DN_RT,
                        preferred_element_type=jnp.float32)
    iota = lax.broadcasted_iota(jnp.int32, z.shape, 1)
    m1 = jnp.max(z, axis=1, keepdims=True)
    i1 = jnp.min(jnp.where(z == m1, iota, num_e), axis=1, keepdims=True)
    is1 = iota == i1
    z2 = jnp.where(is1, -jnp.inf, z)
    m2 = jnp.max(z2, axis=1, keepdims=True)
    i2 = jnp.min(jnp.where(z2 == m2, iota, num_e), axis=1, keepdims=True)
    is2 = iota == i2
    t = jnp.exp(m2 - m1)
    gw = gp_ref.shape[1]
    gp_ref[:T] = jnp.broadcast_to(1.0 / (1.0 + t), (T, gw))
    gp_ref[T:] = jnp.broadcast_to(t / (1.0 + t), (T, gw))

    m_oh = jnp.concatenate([is1.astype(jnp.float32),
                            is2.astype(jnp.float32)], axis=0)
    cb = 512
    ir = lax.broadcasted_iota(jnp.int32, (cb, cb), 0)
    ic = lax.broadcasted_iota(jnp.int32, (cb, cb), 1)
    ltri = (ir >= ic).astype(jnp.float32)
    chunks = []
    carry = jnp.zeros((1, num_e), jnp.float32)
    for i in range(P // cb):
        c_i = jnp.dot(ltri, m_oh[i * cb:(i + 1) * cb],
                      preferred_element_type=jnp.float32) + carry
        carry = c_i[cb - 1:cb, :]
        chunks.append(c_i)
    csum = jnp.concatenate(chunks, axis=0)

    counts = csum[P - 1:P, :]
    padded = jnp.floor((counts + (_TB - 1)) * (1.0 / _TB)) * _TB
    er = lax.broadcasted_iota(jnp.int32, (num_e, num_e), 0)
    ec = lax.broadcasted_iota(jnp.int32, (num_e, num_e), 1)
    stri = (er < ec).astype(jnp.float32)
    offs = jnp.dot(padded, stri, preferred_element_type=jnp.float32)

    dest = jnp.sum(m_oh * (csum - 1.0 + offs), axis=1, keepdims=True)
    dest_ref[...] = dest.astype(jnp.int32)

    bi = lax.broadcasted_iota(jnp.int32, (nb, num_e), 0).astype(jnp.float32)
    bstart = bi * _TB
    ei = lax.broadcasted_iota(jnp.int32, (nb, num_e), 1).astype(jnp.float32)
    bmask = (bstart >= offs) & (bstart < offs + padded)
    be = jnp.sum(jnp.where(bmask, ei, 0.0), axis=1, keepdims=True)
    nact = jnp.sum(padded, axis=1, keepdims=True) * (1.0 / _TB)
    pad_rows = be_ref.shape[0] - nb - 1
    be_ref[...] = jnp.concatenate(
        [be, nact, jnp.zeros((pad_rows, 1), jnp.float32)],
        axis=0).astype(jnp.int32)


def _ffn_body(be_ref, xs_ref, w1_hbm, w2_hbm, ys_ref,
              w1_s, w2_s, w1bf_s, w2bf_s, slot_s, sem1, sem2):
    i = pl.program_id(0)
    nb = pl.num_programs(0)
    hidden = w2_hbm.shape[2]
    nact = be_ref[nb]
    active = i < nact
    nxt_active = (i + 1) < nact
    cur = be_ref[i]
    prev = be_ref[jnp.maximum(i - 1, 0)]
    nxt = be_ref[jnp.minimum(i + 1, nb - 1)]

    @pl.when(i == 0)
    def _():
        pltpu.make_async_copy(w1_hbm.at[cur], w1_s.at[0], sem1).start()
        pltpu.make_async_copy(w2_hbm.at[cur], w2_s.at[0], sem2).start()
        pltpu.make_async_copy(w1_hbm.at[cur], w1_s.at[0], sem1).wait()
        pltpu.make_async_copy(w2_hbm.at[cur], w2_s.at[0], sem2).wait()
        w1bf_s[0] = w1_s[0].astype(jnp.bfloat16)
        w2bf_s[0] = w2_s[0].astype(jnp.bfloat16)
        slot_s[0] = 0

    @pl.when(active & (i > 0) & (cur != prev))
    def _():
        sl = 1 - slot_s[0]
        pltpu.make_async_copy(w1_hbm.at[cur], w1_s.at[sl], sem1).wait()
        pltpu.make_async_copy(w2_hbm.at[cur], w2_s.at[sl], sem2).wait()
        w1bf_s[sl] = w1_s[sl].astype(jnp.bfloat16)
        w2bf_s[sl] = w2_s[sl].astype(jnp.bfloat16)
        slot_s[0] = sl

    slot = slot_s[0]

    @pl.when(nxt_active & (nxt != cur))
    def _():
        sl = 1 - slot
        pltpu.make_async_copy(w1_hbm.at[nxt], w1_s.at[sl], sem1).start()
        pltpu.make_async_copy(w2_hbm.at[nxt], w2_s.at[sl], sem2).start()

    @pl.when(active)
    def _():
        xbf = xs_ref[...].astype(jnp.bfloat16)
        h = lax.dot_general(xbf, w1bf_s[slot], _DN_RT,
                            preferred_element_type=jnp.float32)
        a = h[:, :hidden]
        b = h[:, hidden:]
        act = (a * jax.nn.sigmoid(a) * b).astype(jnp.bfloat16)
        ys_ref[...] = lax.dot_general(act, w2bf_s[slot], _DN_RT,
                                      preferred_element_type=jnp.float32)


def _scatter_kernel(T, D, S, mesh):
    ppw = 2 * T // _NW

    @functools.partial(
        pl.kernel,
        out_type=jax.ShapeDtypeStruct((S, D), jnp.float32),
        mesh=mesh,
        scratch_types=[
            pltpu.VMEM((ppw,), jnp.int32),
            pltpu.VMEM((ppw, D), jnp.float32),
            pltpu.SemaphoreType.DMA,
        ],
    )
    def k(x_hbm, dest_hbm, xs_hbm, dest_v, xrows_v, sem1):
        w = lax.axis_index("s") * 2 + lax.axis_index("c")
        p0 = w * ppw
        tok0 = lax.rem(p0, T)
        pltpu.sync_copy(dest_hbm.at[pl.ds(p0, ppw)], dest_v)
        pltpu.sync_copy(x_hbm.at[pl.ds(tok0, ppw)], xrows_v)
        pltpu.async_copy(xrows_v, xs_hbm.at[dest_v], sem1).wait()

    return k


def _combine_kernel(T, D, mesh):
    tpw = T // _NW
    nch = D // 16

    @functools.partial(
        pl.kernel,
        out_type=jax.ShapeDtypeStruct((T, D), jnp.float32),
        mesh=mesh,
        scratch_types=[
            pltpu.VMEM((tpw,), jnp.int32),
            pltpu.VMEM((tpw,), jnp.int32),
            pltpu.VMEM((tpw, 16), jnp.float32),
            pltpu.VMEM((tpw, 16), jnp.float32),
            pltpu.VMEM((tpw, D), jnp.float32),
            pltpu.VMEM((tpw, D), jnp.float32),
            pltpu.SemaphoreType.DMA,
            pltpu.SemaphoreType.DMA,
        ],
    )
    def k(ys_hbm, dest_hbm, gp_hbm, out_hbm,
          d1_v, d2_v, g1_v, g2_v, r1_v, r2_v, sem1, sem2):
        w = lax.axis_index("s") * 2 + lax.axis_index("c")
        t0 = w * tpw
        pltpu.sync_copy(dest_hbm.at[pl.ds(t0, tpw)], d1_v)
        pltpu.sync_copy(dest_hbm.at[pl.ds(T + t0, tpw)], d2_v)
        pltpu.sync_copy(gp_hbm.at[pl.ds(t0, tpw)], g1_v)
        pltpu.sync_copy(gp_hbm.at[pl.ds(T + t0, tpw)], g2_v)
        cp1 = pltpu.async_copy(ys_hbm.at[d1_v], r1_v, sem1)
        cp2 = pltpu.async_copy(ys_hbm.at[d2_v], r2_v, sem2)
        cp1.wait()
        cp2.wait()

        def row_add(j, _):
            gb1 = g1_v[j, :]
            gb2 = g2_v[j, :]
            for c in range(nch):
                sl = pl.ds(c * 16, 16)
                r1_v[j, sl] = gb1 * r1_v[j, sl] + gb2 * r2_v[j, sl]
            return 0

        lax.fori_loop(0, tpw, row_add, 0)
        pltpu.sync_copy(r1_v, out_hbm.at[pl.ds(t0, tpw)])

    return k


def kernel(x, Wr, W1, W2):
    B, T, D = x.shape
    num_e, two_h, _ = W1.shape
    hidden = W2.shape[2]
    P = 2 * T
    S = P + num_e * _TB
    nb = S // _TB
    x2 = x.reshape(T, D)

    dest2d, gp2d, be2d = pl.pallas_call(
        _dispatch_body,
        grid=(1,),
        in_specs=[
            pl.BlockSpec((T, D), lambda i: (0, 0)),
            pl.BlockSpec((num_e, D), lambda i: (0, 0)),
        ],
        out_specs=[
            pl.BlockSpec((P, 1), lambda i: (0, 0)),
            pl.BlockSpec((P, 16), lambda i: (0, 0)),
            pl.BlockSpec((_BEPAD, 1), lambda i: (0, 0)),
        ],
        out_shape=[
            jax.ShapeDtypeStruct((P, 1), jnp.int32),
            jax.ShapeDtypeStruct((P, 16), jnp.float32),
            jax.ShapeDtypeStruct((_BEPAD, 1), jnp.int32),
        ],
    )(x2, Wr)

    dest = dest2d.reshape(P)
    gp = gp2d
    be = be2d.reshape(_BEPAD)

    mesh = plsc.VectorSubcoreMesh(core_axis_name="c", subcore_axis_name="s")
    xs = _scatter_kernel(T, D, S, mesh)(x2, dest)

    ys = pl.pallas_call(
        _ffn_body,
        grid_spec=pltpu.PrefetchScalarGridSpec(
            num_scalar_prefetch=1,
            grid=(nb,),
            in_specs=[
                pl.BlockSpec((_TB, D), lambda i, be: (i, 0)),
                pl.BlockSpec(memory_space=pltpu.MemorySpace.HBM),
                pl.BlockSpec(memory_space=pltpu.MemorySpace.HBM),
            ],
            out_specs=pl.BlockSpec((_TB, D), lambda i, be: (i, 0)),
            scratch_shapes=[
                pltpu.VMEM((2, two_h, D), jnp.float32),
                pltpu.VMEM((2, D, hidden), jnp.float32),
                pltpu.VMEM((2, two_h, D), jnp.bfloat16),
                pltpu.VMEM((2, D, hidden), jnp.bfloat16),
                pltpu.SMEM((1,), jnp.int32),
                pltpu.SemaphoreType.DMA,
                pltpu.SemaphoreType.DMA,
            ],
        ),
        out_shape=jax.ShapeDtypeStruct((S, D), jnp.float32),
    )(be, xs, W1, W2)

    out = _combine_kernel(T, D, mesh)(ys, dest, gp)
    return out.reshape(B, T, D)

# --- scband reference (transcript-rebuilt; emitter-appended) ---
"""Pipeline reference for scband-mo-elayer-38766374813787 (READ-ONLY COPY).

The authoritative reference and input builder live on the scoring server;
editing this copy changes nothing except your own understanding.
"""

import jax, jax.numpy as jnp
import numpy as np

E = 8
TOP_K = 2
D_MODEL = 768
D_HIDDEN = 768


def setup_inputs(seed: int = 0) -> dict:
    key = jax.random.key(seed)
    k1, k2, k3, k4 = jax.random.split(key, 4)
    x = jax.random.normal(k1, (1, 2048, D_MODEL), dtype=jnp.float32)
    # router weight: Linear(d_model -> E, bias=False), torch weight shape [E, d_model]
    Wr = jax.random.normal(k2, (E, D_MODEL), dtype=jnp.float32) * 0.02
    # per-expert swiGLU FFN weights (bias=False), stacked over experts
    # W1: Linear(d_model -> 2*d_hidden), torch weight shape [2*d_hidden, d_model]
    W1 = jax.random.normal(k3, (E, 2 * D_HIDDEN, D_MODEL), dtype=jnp.float32) * 0.02
    # W2: Linear(d_hidden -> d_model), torch weight shape [d_model, d_hidden]
    W2 = jax.random.normal(k4, (E, D_MODEL, D_HIDDEN), dtype=jnp.float32) * 0.02
    return {"x": x, "Wr": Wr, "W1": W1, "W2": W2}


def reference(x, Wr, W1, W2):
    B, T, D = x.shape
    # router logits (noise=0, temp=1.0)
    z = jnp.einsum('btd,ed->bte', x, Wr)
    vals, idx = jax.lax.top_k(z, TOP_K)
    gates = jax.nn.softmax(vals, axis=-1)
    N = B * T
    flat_x = x.reshape(N, D)
    flat_idx = idx.reshape(N, TOP_K)
    flat_g = gates.reshape(N, TOP_K)
    out = jnp.zeros_like(flat_x)
    for e in range(E):
        # per-token gate weight for expert e (0 if not routed here);
        # mathematically identical to torch's sorted sparse dispatch + index_add_
        w_e = jnp.sum(flat_g * (flat_idx == e).astype(flat_g.dtype), axis=-1)
        h = flat_x @ W1[e].T
        a, b = jnp.split(h, 2, axis=-1)
        y = (jax.nn.silu(a) * b) @ W2[e].T
        out = out + w_e[:, None] * y
    return out.reshape(B, T, D)

if __name__ == "__main__":
    import jax
    _d = setup_inputs()
    print(jax.jit(kernel)(*tuple(_d.values())))

</pallas_src>

<mosaic_0001>
#map = affine_map<(d0, d1) -> (0, 0)>
#map1 = affine_map<(d0, d1) -> (0)>
module attributes {stable_mosaic.version = 14 : i64} {
  func.func @k(%arg0: i32, %arg1: i32, %arg2: memref<2048x768xf32, #tpu.memory_space<hbm>>, %arg3: memref<4096xi32, #tpu.memory_space<hbm>>, %arg4: memref<8192x768xf32, #tpu.memory_space<hbm>>, %arg5: memref<128xi32, #tpu.memory_space<vmem>>, %arg6: memref<128x768xf32, #tpu.memory_space<vmem>>, %arg7: memref<!tpu.dma_semaphore, #tpu.memory_space<semaphore_mem>>) attributes {dimension_semantics = [#tpu.dimension_semantics<core_parallel>, #tpu.dimension_semantics<subcore_parallel>], iteration_bounds = array<i64: 2, 16>, scalar_prefetch = 0 : i64, scratch_operands = 3 : i64, tpu.core_type = #tpu.core_type<sc_vector_subcore>, window_params = [{transform_indices = #map}, {transform_indices = #map1}, {transform_indices = #map}]} {
    %mul3A = arith.constant 2 : i32
    %mul3A_0 = arith.muli %arg1, %mul3A : i32
    %add3A = arith.addi %mul3A_0, %arg0 : i32
    %mul3A_1 = arith.constant 128 : i32
    %mul3A_2 = arith.muli %add3A, %mul3A_1 : i32
    %rem3A = arith.constant 2048 : i32
    %rem3A_3 = arith.remsi %mul3A_2, %rem3A : i32
    "tpu.region"() ({
      %run_scoped3A = tpu.sem_alloc : memref<!tpu.dma_semaphore, #tpu.memory_space<semaphore_mem>>
      %dma_start3A_8 = tpu.memref_slice %arg3[%mul3A_2] : memref<4096xi32, #tpu.memory_space<hbm>> -> memref<128xi32, #tpu.memory_space<hbm>>
      %dma_start3A_9 = tpu.memref_slice %arg3[%mul3A_2] : memref<4096xi32, #tpu.memory_space<hbm>> -> memref<128xi32, #tpu.memory_space<hbm>>
      tpu.enqueue_dma source(%dma_start3A_9 : memref<128xi32, #tpu.memory_space<hbm>>) target(%arg5 : memref<128xi32, #tpu.memory_space<vmem>>) target_semaphore(%run_scoped3A : memref<!tpu.dma_semaphore, #tpu.memory_space<semaphore_mem>>)
      %dma_wait3A_10 = tpu.memref_slice %arg3[%mul3A_2] : memref<4096xi32, #tpu.memory_space<hbm>> -> memref<128xi32, #tpu.memory_space<hbm>>
      %dma_wait3A_11 = tpu.memref_slice %arg3[%mul3A_2] : memref<4096xi32, #tpu.memory_space<hbm>> -> memref<128xi32, #tpu.memory_space<hbm>>
      tpu.wait_dma2 semaphore(%run_scoped3A : memref<!tpu.dma_semaphore, #tpu.memory_space<semaphore_mem>>) src(%dma_wait3A_11 : memref<128xi32, #tpu.memory_space<hbm>>) dst(%arg5 : memref<128xi32, #tpu.memory_space<vmem>>)
      tpu.yield
    }) : () -> ()
    "tpu.region"() ({
      %run_scoped3A = tpu.sem_alloc : memref<!tpu.dma_semaphore, #tpu.memory_space<semaphore_mem>>
      %dma_start3A_8 = arith.constant 0 : i32
      %dma_start3A_9 = tpu.memref_slice %arg2[%rem3A_3, %dma_start3A_8] : memref<2048x768xf32, #tpu.memory_space<hbm>> -> memref<128x768xf32, #tpu.memory_space<hbm>>
      %dma_start3A_10 = arith.constant 0 : i32
      %dma_start3A_11 = tpu.memref_slice %arg2[%rem3A_3, %dma_start3A_10] : memref<2048x768xf32, #tpu.memory_space<hbm>> -> memref<128x768xf32, #tpu.memory_space<hbm>>
      tpu.enqueue_dma source(%dma_start3A_11 : memref<128x768xf32, #tpu.memory_space<hbm>>) target(%arg6 : memref<128x768xf32, #tpu.memory_space<vmem>>) target_semaphore(%run_scoped3A : memref<!tpu.dma_semaphore, #tpu.memory_space<semaphore_mem>>)
      %dma_wait3A_12 = arith.constant 0 : i32
      %dma_wait3A_13 = tpu.memref_slice %arg2[%rem3A_3, %dma_wait3A_12] : memref<2048x768xf32, #tpu.memory_space<hbm>> -> memref<128x768xf32, #tpu.memory_space<hbm>>
      %dma_wait3A_14 = arith.constant 0 : i32
      %dma_wait3A_15 = tpu.memref_slice %arg2[%rem3A_3, %dma_wait3A_14] : memref<2048x768xf32, #tpu.memory_space<hbm>> -> memref<128x768xf32, #tpu.memory_space<hbm>>
      tpu.wait_dma2 semaphore(%run_scoped3A : memref<!tpu.dma_semaphore, #tpu.memory_space<semaphore_mem>>) src(%dma_wait3A_15 : memref<128x768xf32, #tpu.memory_space<hbm>>) dst(%arg6 : memref<128x768xf32, #tpu.memory_space<vmem>>)
      tpu.yield
    }) : () -> ()
    %dma_start3A = arith.constant 0 : i32
    %dma_start3A_4 = arith.constant 0 : i32
    %dma_start3A_5 = tpu.memref_slice %arg4[%dma_start3A, %dma_start3A_4] : memref<8192x768xf32, #tpu.memory_space<hbm>> -> memref<8192x768xf32, #tpu.memory_space<hbm>>
    tpu.enqueue_indirect_dma source(%arg6 : memref<128x768xf32, #tpu.memory_space<vmem>>) target(%dma_start3A_5 : memref<8192x768xf32, #tpu.memory_space<hbm>>) offsets(%arg5 : memref<128xi32, #tpu.memory_space<vmem>>) semaphore(%arg7 : memref<!tpu.dma_semaphore, #tpu.memory_space<semaphore_mem>>)
    %dma_wait3A = arith.constant 0 : i32
    %dma_wait3A_6 = arith.constant 0 : i32
    %dma_wait3A_7 = tpu.memref_slice %arg4[%dma_wait3A, %dma_wait3A_6] : memref<8192x768xf32, #tpu.memory_space<hbm>> -> memref<8192x768xf32, #tpu.memory_space<hbm>>
    tpu.wait_indirect_dma semaphore(%arg7 : memref<!tpu.dma_semaphore, #tpu.memory_space<semaphore_mem>>) src(%arg6 : memref<128x768xf32, #tpu.memory_space<vmem>>) dst(%dma_wait3A_7 : memref<8192x768xf32, #tpu.memory_space<hbm>>)
    return
  }
}

#map = affine_map<(d0, d1) -> (0, 0)>
#map1 = affine_map<(d0, d1) -> (0)>
module attributes {stable_mosaic.version = 14 : i64} {
  func.func @k(%arg0: i32, %arg1: i32, %arg2: memref<8192x768xf32, #tpu.memory_space<hbm>>, %arg3: memref<4096xi32, #tpu.memory_space<hbm>>, %arg4: memref<4096x16xf32, #tpu.memory_space<hbm>>, %arg5: memref<2048x768xf32, #tpu.memory_space<hbm>>, %arg6: memref<64xi32, #tpu.memory_space<vmem>>, %arg7: memref<64xi32, #tpu.memory_space<vmem>>, %arg8: memref<64x16xf32, #tpu.memory_space<vmem>>, %arg9: memref<64x16xf32, #tpu.memory_space<vmem>>, %arg10: memref<64x768xf32, #tpu.memory_space<vmem>>, %arg11: memref<64x768xf32, #tpu.memory_space<vmem>>, %arg12: memref<!tpu.dma_semaphore, #tpu.memory_space<semaphore_mem>>, %arg13: memref<!tpu.dma_semaphore, #tpu.memory_space<semaphore_mem>>) attributes {dimension_semantics = [#tpu.dimension_semantics<core_parallel>, #tpu.dimension_semantics<subcore_parallel>], iteration_bounds = array<i64: 2, 16>, scalar_prefetch = 0 : i64, scratch_operands = 8 : i64, tpu.core_type = #tpu.core_type<sc_vector_subcore>, window_params = [{transform_indices = #map}, {transform_indices = #map1}, {transform_indices = #map}, {transform_indices = #map}]} {
    %mul3A = arith.constant 2 : i32
    %mul3A_0 = arith.muli %arg1, %mul3A : i32
    %add3A = arith.addi %mul3A_0, %arg0 : i32
    %mul3A_1 = arith.constant 64 : i32
    %mul3A_2 = arith.muli %add3A, %mul3A_1 : i32
    "tpu.region"() ({
      %run_scoped3A = tpu.sem_alloc : memref<!tpu.dma_semaphore, #tpu.memory_space<semaphore_mem>>
      %dma_start3A_23 = tpu.memref_slice %arg3[%mul3A_2] : memref<4096xi32, #tpu.memory_space<hbm>> -> memref<64xi32, #tpu.memory_space<hbm>>
      %dma_start3A_24 = tpu.memref_slice %arg3[%mul3A_2] : memref<4096xi32, #tpu.memory_space<hbm>> -> memref<64xi32, #tpu.memory_space<hbm>>
      tpu.enqueue_dma source(%dma_start3A_24 : memref<64xi32, #tpu.memory_space<hbm>>) target(%arg6 : memref<64xi32, #tpu.memory_space<vmem>>) target_semaphore(%run_scoped3A : memref<!tpu.dma_semaphore, #tpu.memory_space<semaphore_mem>>)
      %dma_wait3A_25 = tpu.memref_slice %arg3[%mul3A_2] : memref<4096xi32, #tpu.memory_space<hbm>> -> memref<64xi32, #tpu.memory_space<hbm>>
      %dma_wait3A_26 = tpu.memref_slice %arg3[%mul3A_2] : memref<4096xi32, #tpu.memory_space<hbm>> -> memref<64xi32, #tpu.memory_space<hbm>>
      tpu.wait_dma2 semaphore(%run_scoped3A : memref<!tpu.dma_semaphore, #tpu.memory_space<semaphore_mem>>) src(%dma_wait3A_26 : memref<64xi32, #tpu.memory_space<hbm>>) dst(%arg6 : memref<64xi32, #tpu.memory_space<vmem>>)
      tpu.yield
    }) : () -> ()
    %add3A_3 = arith.constant 2048 : i32
    %add3A_4 = arith.addi %add3A_3, %mul3A_2 : i32
    "tpu.region"() ({
      %run_scoped3A = tpu.sem_alloc : memref<!tpu.dma_semaphore, #tpu.memory_space<semaphore_mem>>
      %dma_start3A_23 = tpu.memref_slice %arg3[%add3A_4] : memref<4096xi32, #tpu.memory_space<hbm>> -> memref<64xi32, #tpu.memory_space<hbm>>
      %dma_start3A_24 = tpu.memref_slice %arg3[%add3A_4] : memref<4096xi32, #tpu.memory_space<hbm>> -> memref<64xi32, #tpu.memory_space<hbm>>
      tpu.enqueue_dma source(%dma_start3A_24 : memref<64xi32, #tpu.memory_space<hbm>>) target(%arg7 : memref<64xi32, #tpu.memory_space<vmem>>) target_semaphore(%run_scoped3A : memref<!tpu.dma_semaphore, #tpu.memory_space<semaphore_mem>>)
      %dma_wait3A_25 = tpu.memref_slice %arg3[%add3A_4] : memref<4096xi32, #tpu.memory_space<hbm>> -> memref<64xi32, #tpu.memory_space<hbm>>
      %dma_wait3A_26 = tpu.memref_slice %arg3[%add3A_4] : memref<4096xi32, #tpu.memory_space<hbm>> -> memref<64xi32, #tpu.memory_space<hbm>>
      tpu.wait_dma2 semaphore(%run_scoped3A : memref<!tpu.dma_semaphore, #tpu.memory_space<semaphore_mem>>) src(%dma_wait3A_26 : memref<64xi32, #tpu.memory_space<hbm>>) dst(%arg7 : memref<64xi32, #tpu.memory_space<vmem>>)
      tpu.yield
    }) : () -> ()
    "tpu.region"() ({
      %run_scoped3A = tpu.sem_alloc : memref<!tpu.dma_semaphore, #tpu.memory_space<semaphore_mem>>
      %dma_start3A_23 = arith.constant 0 : i32
      %dma_start3A_24 = tpu.memref_slice %arg4[%mul3A_2, %dma_start3A_23] : memref<4096x16xf32, #tpu.memory_space<hbm>> -> memref<64x16xf32, #tpu.memory_space<hbm>>
      %dma_start3A_25 = arith.constant 0 : i32
      %dma_start3A_26 = tpu.memref_slice %arg4[%mul3A_2, %dma_start3A_25] : memref<4096x16xf32, #tpu.memory_space<hbm>> -> memref<64x16xf32, #tpu.memory_space<hbm>>
      tpu.enqueue_dma source(%dma_start3A_26 : memref<64x16xf32, #tpu.memory_space<hbm>>) target(%arg8 : memref<64x16xf32, #tpu.memory_space<vmem>>) target_semaphore(%run_scoped3A : memref<!tpu.dma_semaphore, #tpu.memory_space<semaphore_mem>>)
      %dma_wait3A_27 = arith.constant 0 : i32
      %dma_wait3A_28 = tpu.memref_slice %arg4[%mul3A_2, %dma_wait3A_27] : memref<4096x16xf32, #tpu.memory_space<hbm>> -> memref<64x16xf32, #tpu.memory_space<hbm>>
      %dma_wait3A_29 = arith.constant 0 : i32
      %dma_wait3A_30 = tpu.memref_slice %arg4[%mul3A_2, %dma_wait3A_29] : memref<4096x16xf32, #tpu.memory_space<hbm>> -> memref<64x16xf32, #tpu.memory_space<hbm>>
      tpu.wait_dma2 semaphore(%run_scoped3A : memref<!tpu.dma_semaphore, #tpu.memory_space<semaphore_mem>>) src(%dma_wait3A_30 : memref<64x16xf32, #tpu.memory_space<hbm>>) dst(%arg8 : memref<64x16xf32, #tpu.memory_space<vmem>>)
      tpu.yield
    }) : () -> ()
    %add3A_5 = arith.constant 2048 : i32
    %add3A_6 = arith.addi %add3A_5, %mul3A_2 : i32
    "tpu.region"() ({
      %run_scoped3A = tpu.sem_alloc : memref<!tpu.dma_semaphore, #tpu.memory_space<semaphore_mem>>
      %dma_start3A_23 = arith.constant 0 : i32
      %dma_start3A_24 = tpu.memref_slice %arg4[%add3A_6, %dma_start3A_23] : memref<4096x16xf32, #tpu.memory_space<hbm>> -> memref<64x16xf32, #tpu.memory_space<hbm>>
      %dma_start3A_25 = arith.constant 0 : i32
      %dma_start3A_26 = tpu.memref_slice %arg4[%add3A_6, %dma_start3A_25] : memref<4096x16xf32, #tpu.memory_space<hbm>> -> memref<64x16xf32, #tpu.memory_space<hbm>>
      tpu.enqueue_dma source(%dma_start3A_26 : memref<64x16xf32, #tpu.memory_space<hbm>>) target(%arg9 : memref<64x16xf32, #tpu.memory_space<vmem>>) target_semaphore(%run_scoped3A : memref<!tpu.dma_semaphore, #tpu.memory_space<semaphore_mem>>)
      %dma_wait3A_27 = arith.constant 0 : i32
      %dma_wait3A_28 = tpu.memref_slice %arg4[%add3A_6, %dma_wait3A_27] : memref<4096x16xf32, #tpu.memory_space<hbm>> -> memref<64x16xf32, #tpu.memory_space<hbm>>
      %dma_wait3A_29 = arith.constant 0 : i32
      %dma_wait3A_30 = tpu.memref_slice %arg4[%add3A_6, %dma_wait3A_29] : memref<4096x16xf32, #tpu.memory_space<hbm>> -> memref<64x16xf32, #tpu.memory_space<hbm>>
      tpu.wait_dma2 semaphore(%run_scoped3A : memref<!tpu.dma_semaphore, #tpu.memory_space<semaphore_mem>>) src(%dma_wait3A_30 : memref<64x16xf32, #tpu.memory_space<hbm>>) dst(%arg9 : memref<64x16xf32, #tpu.memory_space<vmem>>)
      tpu.yield
    }) : () -> ()
    %dma_start3A = arith.constant 0 : i32
    %dma_start3A_7 = arith.constant 0 : i32
    %dma_start3A_8 = tpu.memref_slice %arg2[%dma_start3A, %dma_start3A_7] : memref<8192x768xf32, #tpu.memory_space<hbm>> -> memref<8192x768xf32, #tpu.memory_space<hbm>>
    tpu.enqueue_indirect_dma source(%dma_start3A_8 : memref<8192x768xf32, #tpu.memory_space<hbm>>) target(%arg10 : memref<64x768xf32, #tpu.memory_space<vmem>>) offsets(%arg6 : memref<64xi32, #tpu.memory_space<vmem>>) semaphore(%arg12 : memref<!tpu.dma_semaphore, #tpu.memory_space<semaphore_mem>>)
    %dma_start3A_9 = arith.constant 0 : i32
    %dma_start3A_10 = arith.constant 0 : i32
    %dma_start3A_11 = tpu.memref_slice %arg2[%dma_start3A_9, %dma_start3A_10] : memref<8192x768xf32, #tpu.memory_space<hbm>> -> memref<8192x768xf32, #tpu.memory_space<hbm>>
    tpu.enqueue_indirect_dma source(%dma_start3A_11 : memref<8192x768xf32, #tpu.memory_space<hbm>>) target(%arg11 : memref<64x768xf32, #tpu.memory_space<vmem>>) offsets(%arg7 : memref<64xi32, #tpu.memory_space<vmem>>) semaphore(%arg13 : memref<!tpu.dma_semaphore, #tpu.memory_space<semaphore_mem>>)
    %dma_wait3A = arith.constant 0 : i32
    %dma_wait3A_12 = arith.constant 0 : i32
    %dma_wait3A_13 = tpu.memref_slice %arg2[%dma_wait3A, %dma_wait3A_12] : memref<8192x768xf32, #tpu.memory_space<hbm>> -> memref<8192x768xf32, #tpu.memory_space<hbm>>
    tpu.wait_indirect_dma semaphore(%arg12 : memref<!tpu.dma_semaphore, #tpu.memory_space<semaphore_mem>>) src(%dma_wait3A_13 : memref<8192x768xf32, #tpu.memory_space<hbm>>) dst(%arg10 : memref<64x768xf32, #tpu.memory_space<vmem>>)
    %dma_wait3A_14 = arith.constant 0 : i32
    %dma_wait3A_15 = arith.constant 0 : i32
    %dma_wait3A_16 = tpu.memref_slice %arg2[%dma_wait3A_14, %dma_wait3A_15] : memref<8192x768xf32, #tpu.memory_space<hbm>> -> memref<8192x768xf32, #tpu.memory_space<hbm>>
    tpu.wait_indirect_dma semaphore(%arg13 : memref<!tpu.dma_semaphore, #tpu.memory_space<semaphore_mem>>) src(%dma_wait3A_16 : memref<8192x768xf32, #tpu.memory_space<hbm>>) dst(%arg11 : memref<64x768xf32, #tpu.memory_space<vmem>>)
    %scan3A = arith.constant 0 : i32
    %scan3A_17 = arith.constant 0 : i32
    %scan3A_18 = arith.constant 64 : i32
    %scan3A_19 = arith.addi %scan3A_17, %scan3A_18 : i32
    %scan3A_20 = arith.constant 1 : i32
    %scan3A_21 = scf.for %scan3A_23 = %scan3A_17 to %scan3A_19 step %scan3A_20 iter_args(%scan3A_24 = %scan3A) -> (i32)  : i32 {
      %get3A = arith.index_cast %scan3A_23 : i32 to index
      %get3A_25 = arith.constant 0 : index
      %get3A_26 = tpu.vector_load %arg8[%get3A, %get3A_25] {strides = array<i32>} : memref<64x16xf32, #tpu.memory_space<vmem>>, vector<1x16xf32>,
      %get3A_27 = vector.shape_cast %get3A_26 : vector<1x16xf32> to vector<16xf32>
      %get3A_28 = arith.index_cast %scan3A_23 : i32 to index
      %get3A_29 = arith.constant 0 : index
      %get3A_30 = tpu.vector_load %arg9[%get3A_28, %get3A_29] {strides = array<i32>} : memref<64x16xf32, #tpu.memory_space<vmem>>, vector<1x16xf32>,
      %get3A_31 = vector.shape_cast %get3A_30 : vector<1x16xf32> to vector<16xf32>
      %get3A_32 = arith.index_cast %scan3A_23 : i32 to index
      %get3A_33 = arith.constant 0 : index
      %get3A_34 = tpu.vector_load %arg10[%get3A_32, %get3A_33] {strides = array<i32>} : memref<64x768xf32, #tpu.memory_space<vmem>>, vector<1x16xf32>,
      %get3A_35 = vector.shape_cast %get3A_34 : vector<1x16xf32> to vector<16xf32>
      %mul3A_36 = arith.mulf %get3A_27, %get3A_35 : vector<16xf32>
      %get3A_37 = arith.index_cast %scan3A_23 : i32 to index
      %get3A_38 = arith.constant 0 : index
      %get3A_39 = tpu.vector_load %arg11[%get3A_37, %get3A_38] {strides = array<i32>} : memref<64x768xf32, #tpu.memory_space<vmem>>, vector<1x16xf32>,
      %get3A_40 = vector.shape_cast %get3A_39 : vector<1x16xf32> to vector<16xf32>
      %mul3A_41 = arith.mulf %get3A_31, %get3A_40 : vector<16xf32>
      %add3A_42 = arith.addf %mul3A_36, %mul3A_41 : vector<16xf32>
      %swap3A = arith.index_cast %scan3A_23 : i32 to index
      %swap3A_43 = arith.constant 0 : index
      %swap3A_44 = tpu.vector_load %arg10[%swap3A, %swap3A_43] {strides = array<i32>} : memref<64x768xf32, #tpu.memory_space<vmem>>, vector<1x16xf32>,
      %swap3A_45 = vector.shape_cast %swap3A_44 : vector<1x16xf32> to vector<16xf32>
      %swap3A_46 = vector.shape_cast %add3A_42 : vector<16xf32> to vector<1x16xf32>
      tpu.vector_store %arg10[%swap3A, %swap3A_43], %swap3A_46 {strides = array<i32>} : memref<64x768xf32, #tpu.memory_space<vmem>>, vector<1x16xf32>,
      %get3A_47 = arith.index_cast %scan3A_23 : i32 to index
      %get3A_48 = arith.constant 16 : index
      %get3A_49 = tpu.vector_load %arg10[%get3A_47, %get3A_48] {strides = array<i32>} : memref<64x768xf32, #tpu.memory_space<vmem>>, vector<1x16xf32>,
      %get3A_50 = vector.shape_cast %get3A_49 : vector<1x16xf32> to vector<16xf32>
      %mul3A_51 = arith.mulf %get3A_27, %get3A_50 : vector<16xf32>
      %get3A_52 = arith.index_cast %scan3A_23 : i32 to index
      %get3A_53 = arith.constant 16 : index
      %get3A_54 = tpu.vector_load %arg11[%get3A_52, %get3A_53] {strides = array<i32>} : memref<64x768xf32, #tpu.memory_space<vmem>>, vector<1x16xf32>,
      %get3A_55 = vector.shape_cast %get3A_54 : vector<1x16xf32> to vector<16xf32>
      %mul3A_56 = arith.mulf %get3A_31, %get3A_55 : vector<16xf32>
      %add3A_57 = arith.addf %mul3A_51, %mul3A_56 : vector<16xf32>
      %swap3A_58 = arith.index_cast %scan3A_23 : i32 to index
      %swap3A_59 = arith.constant 16 : index
      %swap3A_60 = tpu.vector_load %arg10[%swap3A_58, %swap3A_59] {strides = array<i32>} : memref<64x768xf32, #tpu.memory_space<vmem>>, vector<1x16xf32>,
      %swap3A_61 = vector.shape_cast %swap3A_60 : vector<1x16xf32> to vector<16xf32>
      %swap3A_62 = vector.shape_cast %add3A_57 : vector<16xf32> to vector<1x16xf32>
      tpu.vector_store %arg10[%swap3A_58, %swap3A_59], %swap3A_62 {strides = array<i32>} : memref<64x768xf32, #tpu.memory_space<vmem>>, vector<1x16xf32>,
      %get3A_63 = arith.index_cast %scan3A_23 : i32 to index
      %get3A_64 = arith.constant 32 : index
      %get3A_65 = tpu.vector_load %arg10[%get3A_63, %get3A_64] {strides = array<i32>} : memref<64x768xf32, #tpu.memory_space<vmem>>, vector<1x16xf32>,
      %get3A_66 = vector.shape_cast %get3A_65 : vector<1x16xf32> to vector<16xf32>
      %mul3A_67 = arith.mulf %get3A_27, %get3A_66 : vector<16xf32>
      %get3A_68 = arith.index_cast %scan3A_23 : i32 to index
      %get3A_69 = arith.constant 32 : index
      %get3A_70 = tpu.vector_load %arg11[%get3A_68, %get3A_69] {strides = array<i32>} : memref<64x768xf32, #tpu.memory_space<vmem>>, vector<1x16xf32>,
      %get3A_71 = vector.shape_cast %get3A_70 : vector<1x16xf32> to vector<16xf32>
      %mul3A_72 = arith.mulf %get3A_31, %get3A_71 : vector<16xf32>
      %add3A_73 = arith.addf %mul3A_67, %mul3A_72 : vector<16xf32>
      %swap3A_74 = arith.index_cast %scan3A_23 : i32 to index
      %swap3A_75 = arith.constant 32 : index
      %swap3A_76 = tpu.vector_load %arg10[%swap3A_74, %swap3A_75] {strides = array<i32>} : memref<64x768xf32, #tpu.memory_space<vmem>>, vector<1x16xf32>,
      %swap3A_77 = vector.shape_cast %swap3A_76 : vector<1x16xf32> to vector<16xf32>
      %swap3A_78 = vector.shape_cast %add3A_73 : vector<16xf32> to vector<1x16xf32>
      tpu.vector_store %arg10[%swap3A_74, %swap3A_75], %swap3A_78 {strides = array<i32>} : memref<64x768xf32, #tpu.memory_space<vmem>>, vector<1x16xf32>,
      %get3A_79 = arith.index_cast %scan3A_23 : i32 to index
      %get3A_80 = arith.constant 48 : index
      %get3A_81 = tpu.vector_load %arg10[%get3A_79, %get3A_80] {strides = array<i32>} : memref<64x768xf32, #tpu.memory_space<vmem>>, vector<1x16xf32>,
      %get3A_82 = vector.shape_cast %get3A_81 : vector<1x16xf32> to vector<16xf32>
      %mul3A_83 = arith.mulf %get3A_27, %get3A_82 : vector<16xf32>
      %get3A_84 = arith.index_cast %scan3A_23 : i32 to index
      %get3A_85 = arith.constant 48 : index
      %get3A_86 = tpu.vector_load %arg11[%get3A_84, %get3A_85] {strides = array<i32>} : memref<64x768xf32, #tpu.memory_space<vmem>>, vector<1x16xf32>,
      %get3A_87 = vector.shape_cast %get3A_86 : vector<1x16xf32> to vector<16xf32>
      %mul3A_88 = arith.mulf %get3A_31, %get3A_87 : vector<16xf32>
      %add3A_89 = arith.addf %mul3A_83, %mul3A_88 : vector<16xf32>
      %swap3A_90 = arith.index_cast %scan3A_23 : i32 to index
      %swap3A_91 = arith.constant 48 : index
      %swap3A_92 = tpu.vector_load %arg10[%swap3A_90, %swap3A_91] {strides = array<i32>} : memref<64x768xf32, #tpu.memory_space<vmem>>, vector<1x16xf32>,
      %swap3A_93 = vector.shape_cast %swap3A_92 : vector<1x16xf32> to vector<16xf32>
      %swap3A_94 = vector.shape_cast %add3A_89 : vector<16xf32> to vector<1x16xf32>
      tpu.vector_store %arg10[%swap3A_90, %swap3A_91], %swap3A_94 {strides = array<i32>} : memref<64x768xf32, #tpu.memory_space<vmem>>, vector<1x16xf32>,
      %get3A_95 = arith.index_cast %scan3A_23 : i32 to index
      %get3A_96 = arith.constant 64 : index
      %get3A_97 = tpu.vector_load %arg10[%get3A_95, %get3A_96] {strides = array<i32>} : memref<64x768xf32, #tpu.memory_space<vmem>>, vector<1x16xf32>,
      %get3A_98 = vector.shape_cast %get3A_97 : vector<1x16xf32> to vector<16xf32>
      %mul3A_99 = arith.mulf %get3A_27, %get3A_98 : vector<16xf32>
      %get3A_100 = arith.index_cast %scan3A_23 : i32 to index
      %get3A_101 = arith.constant 64 : index
      %get3A_102 = tpu.vector_load %arg11[%get3A_100, %get3A_101] {strides = array<i32>} : memref<64x768xf32, #tpu.memory_space<vmem>>, vector<1x16xf32>,
      %get3A_103 = vector.shape_cast %get3A_102 : vector<1x16xf32> to vector<16xf32>
      %mul3A_104 = arith.mulf %get3A_31, %get3A_103 : vector<16xf32>
      %add3A_105 = arith.addf %mul3A_99, %mul3A_104 : vector<16xf32>
      %swap3A_106 = arith.index_cast %scan3A_23 : i32 to index
      %swap3A_107 = arith.constant 64 : index
      %swap3A_108 = tpu.vector_load %arg10[%swap3A_106, %swap3A_107] {strides = array<i32>} : memref<64x768xf32, #tpu.memory_space<vmem>>, vector<1x16xf32>,
      %swap3A_109 = vector.shape_cast %swap3A_108 : vector<1x16xf32> to vector<16xf32>
      %swap3A_110 = vector.shape_cast %add3A_105 : vector<16xf32> to vector<1x16xf32>
      tpu.vector_store %arg10[%swap3A_106, %swap3A_107], %swap3A_110 {strides = array<i32>} : memref<64x768xf32, #tpu.memory_space<vmem>>, vector<1x16xf32>,
      %get3A_111 = arith.index_cast %scan3A_23 : i32 to index
      %get3A_112 = arith.constant 80 : index
      %get3A_113 = tpu.vector_load %arg10[%get3A_111, %get3A_112] {strides = array<i32>} : memref<64x768xf32, #tpu.memory_space<vmem>>, vector<1x16xf32>,
      %get3A_114 = vector.shape_cast %get3A_113 : vector<1x16xf32> to vector<16xf32>
      %mul3A_115 = arith.mulf %get3A_27, %get3A_114 : vector<16xf32>
      %get3A_116 = arith.index_cast %scan3A_23 : i32 to index
      %get3A_117 = arith.constant 80 : index
      %get3A_118 = tpu.vector_load %arg11[%get3A_116, %get3A_117] {strides = array<i32>} : memref<64x768xf32, #tpu.memory_space<vmem>>, vector<1x16xf32>,
      %get3A_119 = vector.shape_cast %get3A_118 : vector<1x16xf32> to vector<16xf32>
      %mul3A_120 = arith.mulf %get3A_31, %get3A_119 : vector<16xf32>
      %add3A_121 = arith.addf %mul3A_115, %mul3A_120 : vector<16xf32>
      %swap3A_122 = arith.index_cast %scan3A_23 : i32 to index
      %swap3A_123 = arith.constant 80 : index
      %swap3A_124 = tpu.vector_load %arg10[%swap3A_122, %swap3A_123] {strides = array<i32>} : memref<64x768xf32, #tpu.memory_space<vmem>>, vector<1x16xf32>,
      %swap3A_125 = vector.shape_cast %swap3A_124 : vector<1x16xf32> to vector<16xf32>
      %swap3A_126 = vector.shape_cast %add3A_121 : vector<16xf32> to vector<1x16xf32>
      tpu.vector_store %arg10[%swap3A_122, %swap3A_123], %swap3A_126 {strides = array<i32>} : memref<64x768xf32, #tpu.memory_space<vmem>>, vector<1x16xf32>,
      %get3A_127 = arith.index_cast %scan3A_23 : i32 to index
      %get3A_128 = arith.constant 96 : index
      %get3A_129 = tpu.vector_load %arg10[%get3A_127, %get3A_128] {strides = array<i32>} : memref<64x768xf32, #tpu.memory_space<vmem>>, vector<1x16xf32>,
      %get3A_130 = vector.shape_cast %get3A_129 : vector<1x16xf32> to vector<16xf32>
      %mul3A_131 = arith.mulf %get3A_27, %get3A_130 : vector<16xf32>
      %get3A_132 = arith.index_cast %scan3A_23 : i32 to index
      %get3A_133 = arith.constant 96 : index
      %get3A_134 = tpu.vector_load %arg11[%get3A_132, %get3A_133] {strides = array<i32>} : memref<64x768xf32, #tpu.memory_space<vmem>>, vector<1x16xf32>,
      %get3A_135 = vector.shape_cast %get3A_134 : vector<1x16xf32> to vector<16xf32>
      %mul3A_136 = arith.mulf %get3A_31, %get3A_135 : vector<16xf32>
      %add3A_137 = arith.addf %mul3A_131, %mul3A_136 : vector<16xf32>
      %swap3A_138 = arith.index_cast %scan3A_23 : i32 to index
      %swap3A_139 = arith.constant 96 : index
      %swap3A_140 = tpu.vector_load %arg10[%swap3A_138, %swap3A_139] {strides = array<i32>} : memref<64x768xf32, #tpu.memory_space<vmem>>, vector<1x16xf32>,
      %swap3A_141 = vector.shape_cast %swap3A_140 : vector<1x16xf32> to vector<16xf32>
      %swap3A_142 = vector.shape_cast %add3A_137 : vector<16xf32> to vector<1x16xf32>
      tpu.vector_store %arg10[%swap3A_138, %swap3A_139], %swap3A_142 {strides = array<i32>} : memref<64x768xf32, #tpu.memory_space<vmem>>, vector<1x16xf32>,
      %get3A_143 = arith.index_cast %scan3A_23 : i32 to index
      %get3A_144 = arith.constant 112 : index
      %get3A_145 = tpu.vector_load %arg10[%get3A_143, %get3A_144] {strides = array<i32>} : memref<64x768xf32, #tpu.memory_space<vmem>>, vector<1x16xf32>,
      %get3A_146 = vector.shape_cast %get3A_145 : vector<1x16xf32> to vector<16xf32>
      %mul3A_147 = arith.mulf %get3A_27, %get3A_146 : vector<16xf32>
      %get3A_148 = arith.index_cast %scan3A_23 : i32 to index
      %get3A_149 = arith.constant 112 : index
      %get3A_150 = tpu.vector_load %arg11[%get3A_148, %get3A_149] {strides = array<i32>} : memref<64x768xf32, #tpu.memory_space<vmem>>, vector<1x16xf32>,
      %get3A_151 = vector.shape_cast %get3A_150 : vector<1x16xf32> to vector<16xf32>
      %mul3A_152 = arith.mulf %get3A_31, %get3A_151 : vector<16xf32>
      %add3A_153 = arith.addf %mul3A_147, %mul3A_152 : vector<16xf32>
      %swap3A_154 = arith.index_cast %scan3A_23 : i32 to index
      %swap3A_155 = arith.constant 112 : index
      %swap3A_156 = tpu.vector_load %arg10[%swap3A_154, %swap3A_155] {strides = array<i32>} : memref<64x768xf32, #tpu.memory_space<vmem>>, vector<1x16xf32>,
      %swap3A_157 = vector.shape_cast %swap3A_156 : vector<1x16xf32> to vector<16xf32>
      %swap3A_158 = vector.shape_cast %add3A_153 : vector<16xf32> to vector<1x16xf32>
      tpu.vector_store %arg10[%swap3A_154, %swap3A_155], %swap3A_158 {strides = array<i32>} : memref<64x768xf32, #tpu.memory_space<vmem>>, vector<1x16xf32>,
      %get3A_159 = arith.index_cast %scan3A_23 : i32 to index
      %get3A_160 = arith.constant 128 : index
      %get3A_161 = tpu.vector_load %arg10[%get3A_159, %get3A_160] {strides = array<i32>} : memref<64x768xf32, #tpu.memory_space<vmem>>, vector<1x16xf32>,
      %get3A_162 = vector.shape_cast %get3A_161 : vector<1x16xf32> to vector<16xf32>
      %mul3A_163 = arith.mulf %get3A_27, %get3A_162 : vector<16xf32>
      %get3A_164 = arith.index_cast %scan3A_23 : i32 to index
      %get3A_165 = arith.constant 128 : index
      %get3A_166 = tpu.vector_load %arg11[%get3A_164, %get3A_165] {strides = array<i32>} : memref<64x768xf32, #tpu.memory_space<vmem>>, vector<1x16xf32>,
      %get3A_167 = vector.shape_cast %get3A_166 : vector<1x16xf32> to vector<16xf32>
      %mul3A_168 = arith.mulf %get3A_31, %get3A_167 : vector<16xf32>
      %add3A_169 = arith.addf %mul3A_163, %mul3A_168 : vector<16xf32>
      %swap3A_170 = arith.index_cast %scan3A_23 : i32 to index
      %swap3A_171 = arith.constant 128 : index
      %swap3A_172 = tpu.vector_load %arg10[%swap3A_170, %swap3A_171] {strides = array<i32>} : memref<64x768xf32, #tpu.memory_space<vmem>>, vector<1x16xf32>,
      %swap3A_173 = vector.shape_cast %swap3A_172 : vector<1x16xf32> to vector<16xf32>
      %swap3A_174 = vector.shape_cast %add3A_169 : vector<16xf32> to vector<1x16xf32>
      tpu.vector_store %arg10[%swap3A_170, %swap3A_171], %swap3A_174 {strides = array<i32>} : memref<64x768xf32, #tpu.memory_space<vmem>>, vector<1x16xf32>,
      %get3A_175 = arith.index_cast %scan3A_23 : i32 to index
      %get3A_176 = arith.constant 144 : index
      %get3A_177 = tpu.vector_load %arg10[%get3A_175, %get3A_176] {strides = array<i32>} : memref<64x768xf32, #tpu.memory_space<vmem>>, vector<1x16xf32>,
      %get3A_178 = vector.shape_cast %get3A_177 : vector<1x16xf32> to vector<16xf32>
      %mul3A_179 = arith.mulf %get3A_27, %get3A_178 : vector<16xf32>
      %get3A_180 = arith.index_cast %scan3A_23 : i32 to index
      %get3A_181 = arith.constant 144 : index
      %get3A_182 = tpu.vector_load %arg11[%get3A_180, %get3A_181] {strides = array<i32>} : memref<64x768xf32, #tpu.memory_space<vmem>>, vector<1x16xf32>,
      %get3A_183 = vector.shape_cast %get3A_182 : vector<1x16xf32> to vector<16xf32>
      %mul3A_184 = arith.mulf %get3A_31, %get3A_183 : vector<16xf32>
      %add3A_185 = arith.addf %mul3A_179, %mul3A_184 : vector<16xf32>
      %swap3A_186 = arith.index_cast %scan3A_23 : i32 to index
      %swap3A_187 = arith.constant 144 : index
      %swap3A_188 = tpu.vector_load %arg10[%swap3A_186, %swap3A_187] {strides = array<i32>} : memref<64x768xf32, #tpu.memory_space<vmem>>, vector<1x16xf32>,
      %swap3A_189 = vector.shape_cast %swap3A_188 : vector<1x16xf32> to vector<16xf32>
      %swap3A_190 = vector.shape_cast %add3A_185 : vector<16xf32> to vector<1x16xf32>
      tpu.vector_store %arg10[%swap3A_186, %swap3A_187], %swap3A_190 {strides = array<i32>} : memref<64x768xf32, #tpu.memory_space<vmem>>, vector<1x16xf32>,
      %get3A_191 = arith.index_cast %scan3A_23 : i32 to index
      %get3A_192 = arith.constant 160 : index
      %get3A_193 = tpu.vector_load %arg10[%get3A_191, %get3A_192] {strides = array<i32>} : memref<64x768xf32, #tpu.memory_space<vmem>>, vector<1x16xf32>,
      %get3A_194 = vector.shape_cast %get3A_193 : vector<1x16xf32> to vector<16xf32>
      %mul3A_195 = arith.mulf %get3A_27, %get3A_194 : vector<16xf32>
      %get3A_196 = arith.index_cast %scan3A_23 : i32 to index
      %get3A_197 = arith.constant 160 : index
      %get3A_198 = tpu.vector_load %arg11[%get3A_196, %get3A_197] {strides = array<i32>} : memref<64x768xf32, #tpu.memory_space<vmem>>, vector<1x16xf32>,
      %get3A_199 = vector.shape_cast %get3A_198 : vector<1x16xf32> to vector<16xf32>
      %mul3A_200 = arith.mulf %get3A_31, %get3A_199 : vector<16xf32>
      %add3A_201 = arith.addf %mul3A_195, %mul3A_200 : vector<16xf32>
      %swap3A_202 = arith.index_cast %scan3A_23 : i32 to index
      %swap3A_203 = arith.constant 160 : index
      %swap3A_204 = tpu.vector_load %arg10[%swap3A_202, %swap3A_203] {strides = array<i32>} : memref<64x768xf32, #tpu.memory_space<vmem>>, vector<1x16xf32>,
      %swap3A_205 = vector.shape_cast %swap3A_204 : vector<1x16xf32> to vector<16xf32>
      %swap3A_206 = vector.shape_cast %add3A_201 : vector<16xf32> to vector<1x16xf32>
      tpu.vector_store %arg10[%swap3A_202, %swap3A_203], %swap3A_206 {strides = array<i32>} : memref<64x768xf32, #tpu.memory_space<vmem>>, vector<1x16xf32>,
      %get3A_207 = arith.index_cast %scan3A_23 : i32 to index
      %get3A_208 = arith.constant 176 : index
      %get3A_209 = tpu.vector_load %arg10[%get3A_207, %get3A_208] {strides = array<i32>} : memref<64x768xf32, #tpu.memory_space<vmem>>, vector<1x16xf32>,
      %get3A_210 = vector.shape_cast %get3A_209 : vector<1x16xf32> to vector<16xf32>
      %mul3A_211 = arith.mulf %get3A_27, %get3A_210 : vector<16xf32>
      %get3A_212 = arith.index_cast %scan3A_23 : i32 to index
      %get3A_213 = arith.constant 176 : index
      %get3A_214 = tpu.vector_load %arg11[%get3A_212, %get3A_213] {strides = array<i32>} : memref<64x768xf32, #tpu.memory_space<vmem>>, vector<1x16xf32>,
      %get3A_215 = vector.shape_cast %get3A_214 : vector<1x16xf32> to vector<16xf32>
      %mul3A_216 = arith.mulf %get3A_31, %get3A_215 : vector<16xf32>
      %add3A_217 = arith.addf %mul3A_211, %mul3A_216 : vector<16xf32>
      %swap3A_218 = arith.index_cast %scan3A_23 : i32 to index
      %swap3A_219 = arith.constant 176 : index
      %swap3A_220 = tpu.vector_load %arg10[%swap3A_218, %swap3A_219] {strides = array<i32>} : memref<64x768xf32, #tpu.memory_space<vmem>>, vector<1x16xf32>,
      %swap3A_221 = vector.shape_cast %swap3A_220 : vector<1x16xf32> to vector<16xf32>
      %swap3A_222 = vector.shape_cast %add3A_217 : vector<16xf32> to vector<1x16xf32>
      tpu.vector_store %arg10[%swap3A_218, %swap3A_219], %swap3A_222 {strides = array<i32>} : memref<64x768xf32, #tpu.memory_space<vmem>>, vector<1x16xf32>,
      %get3A_223 = arith.index_cast %scan3A_23 : i32 to index
      %get3A_224 = arith.constant 192 : index
      %get3A_225 = tpu.vector_load %arg10[%get3A_223, %get3A_224] {strides = array<i32>} : memref<64x768xf32, #tpu.memory_space<vmem>>, vector<1x16xf32>,
      %get3A_226 = vector.shape_cast %get3A_225 : vector<1x16xf32> to vector<16xf32>
      %mul3A_227 = arith.mulf %get3A_27, %get3A_226 : vector<16xf32>
      %get3A_228 = arith.index_cast %scan3A_23 : i32 to index
      %get3A_229 = arith.constant 192 : index
      %get3A_230 = tpu.vector_load %arg11[%get3A_228, %get3A_229] {strides = array<i32>} : memref<64x768xf32, #tpu.memory_space<vmem>>, vector<1x16xf32>,
      %get3A_231 = vector.shape_cast %get3A_230 : vector<1x16xf32> to vector<16xf32>
      %mul3A_232 = arith.mulf %get3A_31, %get3A_231 : vector<16xf32>
      %add3A_233 = arith.addf %mul3A_227, %mul3A_232 : vector<16xf32>
      %swap3A_234 = arith.index_cast %scan3A_23 : i32 to index
      %swap3A_235 = arith.constant 192 : index
      %swap3A_236 = tpu.vector_load %arg10[%swap3A_234, %swap3A_235] {strides = array<i32>} : memref<64x768xf32, #tpu.memory_space<vmem>>, vector<1x16xf32>,
      %swap3A_237 = vector.shape_cast %swap3A_236 : vector<1x16xf32> to vector<16xf32>
      %swap3A_238 = vector.shape_cast %add3A_233 : vector<16xf32> to vector<1x16xf32>
      tpu.vector_store %arg10[%swap3A_234, %swap3A_235], %swap3A_238 {strides = array<i32>} : memref<64x768xf32, #tpu.memory_space<vmem>>, vector<1x16xf32>,
      %get3A_239 = arith.index_cast %scan3A_23 : i32 to index
      %get3A_240 = arith.constant 208 : index
      %get3A_241 = tpu.vector_load %arg10[%get3A_239, %get3A_240] {strides = array<i32>} : memref<64x768xf32, #tpu.memory_space<vmem>>, vector<1x16xf32>,
      %get3A_242 = vector.shape_cast %get3A_241 : vector<1x16xf32> to vector<16xf32>
      %mul3A_243 = arith.mulf %get3A_27, %get3A_242 : vector<16xf32>
      %get3A_244 = arith.index_cast %scan3A_23 : i32 to index
      %get3A_245 = arith.constant 208 : index
      %get3A_246 = tpu.vector_load %arg11[%get3A_244, %get3A_245] {strides = array<i32>} : memref<64x768xf32, #tpu.memory_space<vmem>>, vector<1x16xf32>,
      %get3A_247 = vector.shape_cast %get3A_246 : vector<1x16xf32> to vector<16xf32>
      %mul3A_248 = arith.mulf %get3A_31, %get3A_247 : vector<16xf32>
      %add3A_249 = arith.addf %mul3A_243, %mul3A_248 : vector<16xf32>
      %swap3A_250 = arith.index_cast %scan3A_23 : i32 to index
      %swap3A_251 = arith.constant 208 : index
      %swap3A_252 = tpu.vector_load %arg10[%swap3A_250, %swap3A_251] {strides = array<i32>} : memref<64x768xf32, #tpu.memory_space<vmem>>, vector<1x16xf32>,
      %swap3A_253 = vector.shape_cast %swap3A_252 : vector<1x16xf32> to vector<16xf32>
      %swap3A_254 = vector.shape_cast %add3A_249 : vector<16xf32> to vector<1x16xf32>
      tpu.vector_store %arg10[%swap3A_250, %swap3A_251], %swap3A_254 {strides = array<i32>} : memref<64x768xf32, #tpu.memory_space<vmem>>, vector<1x16xf32>,
      %get3A_255 = arith.index_cast %scan3A_23 : i32 to index
      %get3A_256 = arith.constant 224 : index
      %get3A_257 = tpu.vector_load %arg10[%get3A_255, %get3A_256] {strides = array<i32>} : memref<64x768xf32, #tpu.memory_space<vmem>>, vector<1x16xf32>,
      %get3A_258 = vector.shape_cast %get3A_257 : vector<1x16xf32> to vector<16xf32>
      %mul3A_259 = arith.mulf %get3A_27, %get3A_258 : vector<16xf32>
      %get3A_260 = arith.index_cast %scan3A_23 : i32 to index
      %get3A_261 = arith.constant 224 : index
      %get3A_262 = tpu.vector_load %arg11[%get3A_260, %get3A_261] {strides = array<i32>} : memref<64x768xf32, #tpu.memory_space<vmem>>, vector<1x16xf32>,
      %get3A_263 = vector.shape_cast %get3A_262 : vector<1x16xf32> to vector<16xf32>
      %mul3A_264 = arith.mulf %get3A_31, %get3A_263 : vector<16xf32>
      %add3A_265 = arith.addf %mul3A_259, %mul3A_264 : vector<16xf32>
      %swap3A_266 = arith.index_cast %scan3A_23 : i32 to index
      %swap3A_267 = arith.constant 224 : index
      %swap3A_268 = tpu.vector_load %arg10[%swap3A_266, %swap3A_267] {strides = array<i32>} : memref<64x768xf32, #tpu.memory_space<vmem>>, vector<1x16xf32>,
      %swap3A_269 = vector.shape_cast %swap3A_268 : vector<1x16xf32> to vector<16xf32>
      %swap3A_270 = vector.shape_cast %add3A_265 : vector<16xf32> to vector<1x16xf32>
      tpu.vector_store %arg10[%swap3A_266, %swap3A_267], %swap3A_270 {strides = array<i32>} : memref<64x768xf32, #tpu.memory_space<vmem>>, vector<1x16xf32>,
      %get3A_271 = arith.index_cast %scan3A_23 : i32 to index
      %get3A_272 = arith.constant 240 : index
      %get3A_273 = tpu.vector_load %arg10[%get3A_271, %get3A_272] {strides = array<i32>} : memref<64x768xf32, #tpu.memory_space<vmem>>, vector<1x16xf32>,
      %get3A_274 = vector.shape_cast %get3A_273 : vector<1x16xf32> to vector<16xf32>
      %mul3A_275 = arith.mulf %get3A_27, %get3A_274 : vector<16xf32>
      %get3A_276 = arith.index_cast %scan3A_23 : i32 to index
      %get3A_277 = arith.constant 240 : index
      %get3A_278 = tpu.vector_load %arg11[%get3A_276, %get3A_277] {strides = array<i32>} : memref<64x768xf32, #tpu.memory_space<vmem>>, vector<1x16xf32>,
      %get3A_279 = vector.shape_cast %get3A_278 : vector<1x16xf32> to vector<16xf32>
      %mul3A_280 = arith.mulf %get3A_31, %get3A_279 : vector<16xf32>
      %add3A_281 = arith.addf %mul3A_275, %mul3A_280 : vector<16xf32>
      %swap3A_282 = arith.index_cast %scan3A_23 : i32 to index
      %swap3A_283 = arith.constant 240 : index
      %swap3A_284 = tpu.vector_load %arg10[%swap3A_282, %swap3A_283] {strides = array<i32>} : memref<64x768xf32, #tpu.memory_space<vmem>>, vector<1x16xf32>,
      %swap3A_285 = vector.shape_cast %swap3A_284 : vector<1x16xf32> to vector<16xf32>
      %swap3A_286 = vector.shape_cast %add3A_281 : vector<16xf32> to vector<1x16xf32>
      tpu.vector_store %arg10[%swap3A_282, %swap3A_283], %swap3A_286 {strides = array<i32>} : memref<64x768xf32, #tpu.memory_space<vmem>>, vector<1x16xf32>,
      %get3A_287 = arith.index_cast %scan3A_23 : i32 to index
      %get3A_288 = arith.constant 256 : index
      %get3A_289 = tpu.vector_load %arg10[%get3A_287, %get3A_288] {strides = array<i32>} : memref<64x768xf32, #tpu.memory_space<vmem>>, vector<1x16xf32>,
      %get3A_290 = vector.shape_cast %get3A_289 : vector<1x16xf32> to vector<16xf32>
      %mul3A_291 = arith.mulf %get3A_27, %get3A_290 : vector<16xf32>
      %get3A_292 = arith.index_cast %scan3A_23 : i32 to index
      %get3A_293 = arith.constant 256 : index
      %get3A_294 = tpu.vector_load %arg11[%get3A_292, %get3A_293] {strides = array<i32>} : memref<64x768xf32, #tpu.memory_space<vmem>>, vector<1x16xf32>,
      %get3A_295 = vector.shape_cast %get3A_294 : vector<1x16xf32> to vector<16xf32>
      %mul3A_296 = arith.mulf %get3A_31, %get3A_295 : vector<16xf32>
      %add3A_297 = arith.addf %mul3A_291, %mul3A_296 : vector<16xf32>
      %swap3A_298 = arith.index_cast %scan3A_23 : i32 to index
      %swap3A_299 = arith.constant 256 : index
      %swap3A_300 = tpu.vector_load %arg10[%swap3A_298, %swap3A_299] {strides = array<i32>} : memref<64x768xf32, #tpu.memory_space<vmem>>, vector<1x16xf32>,
      %swap3A_301 = vector.shape_cast %swap3A_300 : vector<1x16xf32> to vector<16xf32>
      %swap3A_302 = vector.shape_cast %add3A_297 : vector<16xf32> to vector<1x16xf32>
      tpu.vector_store %arg10[%swap3A_298, %swap3A_299], %swap3A_302 {strides = array<i32>} : memref<64x768xf32, #tpu.memory_space<vmem>>, vector<1x16xf32>,
      %get3A_303 = arith.index_cast %scan3A_23 : i32 to index
      %get3A_304 = arith.constant 272 : index
      %get3A_305 = tpu.vector_load %arg10[%get3A_303, %get3A_304] {strides = array<i32>} : memref<64x768xf32, #tpu.memory_space<vmem>>, vector<1x16xf32>,
      %get3A_306 = vector.shape_cast %get3A_305 : vector<1x16xf32> to vector<16xf32>
      %mul3A_307 = arith.mulf %get3A_27, %get3A_306 : vector<16xf32>
      %get3A_308 = arith.index_cast %scan3A_23 : i32 to index
      %get3A_309 = arith.constant 272 : index
      %get3A_310 = tpu.vector_load %arg11[%get3A_308, %get3A_309] {strides = array<i32>} : memref<64x768xf32, #tpu.memory_space<vmem>>, vector<1x16xf32>,
      %get3A_311 = vector.shape_cast %get3A_310 : vector<1x16xf32> to vector<16xf32>
      %mul3A_312 = arith.mulf %get3A_31, %get3A_311 : vector<16xf32>
      %add3A_313 = arith.addf %mul3A_307, %mul3A_312 : vector<16xf32>
      %swap3A_314 = arith.index_cast %scan3A_23 : i32 to index
      %swap3A_315 = arith.constant 272 : index
      %swap3A_316 = tpu.vector_load %arg10[%swap3A_314, %swap3A_315] {strides = array<i32>} : memref<64x768xf32, #tpu.memory_space<vmem>>, vector<1x16xf32>,
      %swap3A_317 = vector.shape_cast %swap3A_316 : vector<1x16xf32> to vector<16xf32>
      %swap3A_318 = vector.shape_cast %add3A_313 : vector<16xf32> to vector<1x16xf32>
      tpu.vector_store %arg10[%swap3A_314, %swap3A_315], %swap3A_318 {strides = array<i32>} : memref<64x768xf32, #tpu.memory_space<vmem>>, vector<1x16xf32>,
      %get3A_319 = arith.index_cast %scan3A_23 : i32 to index
      %get3A_320 = arith.constant 288 : index
      %get3A_321 = tpu.vector_load %arg10[%get3A_319, %get3A_320] {strides = array<i32>} : memref<64x768xf32, #tpu.memory_space<vmem>>, vector<1x16xf32>,
      %get3A_322 = vector.shape_cast %get3A_321 : vector<1x16xf32> to vector<16xf32>
      %mul3A_323 = arith.mulf %get3A_27, %get3A_322 : vector<16xf32>
      %get3A_324 = arith.index_cast %scan3A_23 : i32 to index
      %get3A_325 = arith.constant 288 : index
      %get3A_326 = tpu.vector_load %arg11[%get3A_324, %get3A_325] {strides = array<i32>} : memref<64x768xf32, #tpu.memory_space<vmem>>, vector<1x16xf32>,
      %get3A_327 = vector.shape_cast %get3A_326 : vector<1x16xf32> to vector<16xf32>
      %mul3A_328 = arith.mulf %get3A_31, %get3A_327 : vector<16xf32>
      %add3A_329 = arith.addf %mul3A_323, %mul3A_328 : vector<16xf32>
      %swap3A_330 = arith.index_cast %scan3A_23 : i32 to index
      %swap3A_331 = arith.constant 288 : index
      %swap3A_332 = tpu.vector_load %arg10[%swap3A_330, %swap3A_331] {strides = array<i32>} : memref<64x768xf32, #tpu.memory_space<vmem>>, vector<1x16xf32>,
      %swap3A_333 = vector.shape_cast %swap3A_332 : vector<1x16xf32> to vector<16xf32>
      %swap3A_334 = vector.shape_cast %add3A_329 : vector<16xf32> to vector<1x16xf32>
      tpu.vector_store %arg10[%swap3A_330, %swap3A_331], %swap3A_334 {strides = array<i32>} : memref<64x768xf32, #tpu.memory_space<vmem>>, vector<1x16xf32>,
      %get3A_335 = arith.index_cast %scan3A_23 : i32 to index
      %get3A_336 = arith.constant 304 : index
      %get3A_337 = tpu.vector_load %arg10[%get3A_335, %get3A_336] {strides = array<i32>} : memref<64x768xf32, #tpu.memory_space<vmem>>, vector<1x16xf32>,
      %get3A_338 = vector.shape_cast %get3A_337 : vector<1x16xf32> to vector<16xf32>
      %mul3A_339 = arith.mulf %get3A_27, %get3A_338 : vector<16xf32>
      %get3A_340 = arith.index_cast %scan3A_23 : i32 to index
      %get3A_341 = arith.constant 304 : index
      %get3A_342 = tpu.vector_load %arg11[%get3A_340, %get3A_341] {strides = array<i32>} : memref<64x768xf32, #tpu.memory_space<vmem>>, vector<1x16xf32>,
      %get3A_343 = vector.shape_cast %get3A_342 : vector<1x16xf32> to vector<16xf32>
      %mul3A_344 = arith.mulf %get3A_31, %get3A_343 : vector<16xf32>
      %add3A_345 = arith.addf %mul3A_339, %mul3A_344 : vector<16xf32>
      %swap3A_346 = arith.index_cast %scan3A_23 : i32 to index
      %swap3A_347 = arith.constant 304 : index
      %swap3A_348 = tpu.vector_load %arg10[%swap3A_346, %swap3A_347] {strides = array<i32>} : memref<64x768xf32, #tpu.memory_space<vmem>>, vector<1x16xf32>,
      %swap3A_349 = vector.shape_cast %swap3A_348 : vector<1x16xf32> to vector<16xf32>
      %swap3A_350 = vector.shape_cast %add3A_345 : vector<16xf32> to vector<1x16xf32>
      tpu.vector_store %arg10[%swap3A_346, %swap3A_347], %swap3A_350 {strides = array<i32>} : memref<64x768xf32, #tpu.memory_space<vmem>>, vector<1x16xf32>,
      %get3A_351 = arith.index_cast %scan3A_23 : i32 to index
      %get3A_352 = arith.constant 320 : index
      %get3A_353 = tpu.vector_load %arg10[%get3A_351, %get3A_352] {strides = array<i32>} : memref<64x768xf32, #tpu.memory_space<vmem>>, vector<1x16xf32>,
      %get3A_354 = vector.shape_cast %get3A_353 : vector<1x16xf32> to vector<16xf32>
      %mul3A_355 = arith.mulf %get3A_27, %get3A_354 : vector<16xf32>
      %get3A_356 = arith.index_cast %scan3A_23 : i32 to index
      %get3A_357 = arith.constant 320 : index
      %get3A_358 = tpu.vector_load %arg11[%get3A_356, %get3A_357] {strides = array<i32>} : memref<64x768xf32, #tpu.memory_space<vmem>>, vector<1x16xf32>,
      %get3A_359 = vector.shape_cast %get3A_358 : vector<1x16xf32> to vector<16xf32>
      %mul3A_360 = arith.mulf %get3A_31, %get3A_359 : vector<16xf32>
      %add3A_361 = arith.addf %mul3A_355, %mul3A_360 : vector<16xf32>
      %swap3A_362 = arith.index_cast %scan3A_23 : i32 to index
      %swap3A_363 = arith.constant 320 : index
      %swap3A_364 = tpu.vector_load %arg10[%swap3A_362, %swap3A_363] {strides = array<i32>} : memref<64x768xf32, #tpu.memory_space<vmem>>, vector<1x16xf32>,
      %swap3A_365 = vector.shape_cast %swap3A_364 : vector<1x16xf32> to vector<16xf32>
      %swap3A_366 = vector.shape_cast %add3A_361 : vector<16xf32> to vector<1x16xf32>
      tpu.vector_store %arg10[%swap3A_362, %swap3A_363], %swap3A_366 {strides = array<i32>} : memref<64x768xf32, #tpu.memory_space<vmem>>, vector<1x16xf32>,
      %get3A_367 = arith.index_cast %scan3A_23 : i32 to index
      %get3A_368 = arith.constant 336 : index
      %get3A_369 = tpu.vector_load %arg10[%get3A_367, %get3A_368] {strides = array<i32>} : memref<64x768xf32, #tpu.memory_space<vmem>>, vector<1x16xf32>,
      %get3A_370 = vector.shape_cast %get3A_369 : vector<1x16xf32> to vector<16xf32>
      %mul3A_371 = arith.mulf %get3A_27, %get3A_370 : vector<16xf32>
      %get3A_372 = arith.index_cast %scan3A_23 : i32 to index
      %get3A_373 = arith.constant 336 : index
      %get3A_374 = tpu.vector_load %arg11[%get3A_372, %get3A_373] {strides = array<i32>} : memref<64x768xf32, #tpu.memory_space<vmem>>, vector<1x16xf32>,
      %get3A_375 = vector.shape_cast %get3A_374 : vector<1x16xf32> to vector<16xf32>
      %mul3A_376 = arith.mulf %get3A_31, %get3A_375 : vector<16xf32>
      %add3A_377 = arith.addf %mul3A_371, %mul3A_376 : vector<16xf32>
      %swap3A_378 = arith.index_cast %scan3A_23 : i32 to index
      %swap3A_379 = arith.constant 336 : index
      %swap3A_380 = tpu.vector_load %arg10[%swap3A_378, %swap3A_379] {strides = array<i32>} : memref<64x768xf32, #tpu.memory_space<vmem>>, vector<1x16xf32>,
      %swap3A_381 = vector.shape_cast %swap3A_380 : vector<1x16xf32> to vector<16xf32>
      %swap3A_382 = vector.shape_cast %add3A_377 : vector<16xf32> to vector<1x16xf32>
      tpu.vector_store %arg10[%swap3A_378, %swap3A_379], %swap3A_382 {strides = array<i32>} : memref<64x768xf32, #tpu.memory_space<vmem>>, vector<1x16xf32>,
      %get3A_383 = arith.index_cast %scan3A_23 : i32 to index
      %get3A_384 = arith.constant 352 : index
      %get3A_385 = tpu.vector_load %arg10[%get3A_383, %get3A_384] {strides = array<i32>} : memref<64x768xf32, #tpu.memory_space<vmem>>, vector<1x16xf32>,
      %get3A_386 = vector.shape_cast %get3A_385 : vector<1x16xf32> to vector<16xf32>
      %mul3A_387 = arith.mulf %get3A_27, %get3A_386 : vector<16xf32>
      %get3A_388 = arith.index_cast %scan3A_23 : i32 to index
      %get3A_389 = arith.constant 352 : index
      %get3A_390 = tpu.vector_load %arg11[%get3A_388, %get3A_389] {strides = array<i32>} : memref<64x768xf32, #tpu.memory_space<vmem>>, vector<1x16xf32>,
      %get3A_391 = vector.shape_cast %get3A_390 : vector<1x16xf32> to vector<16xf32>
      %mul3A_392 = arith.mulf %get3A_31, %get3A_391 : vector<16xf32>
      %add3A_393 = arith.addf %mul3A_387, %mul3A_392 : vector<16xf32>
      %swap3A_394 = arith.index_cast %scan3A_23 : i32 to index
      %swap3A_395 = arith.constant 352 : index
      %swap3A_396 = tpu.vector_load %arg10[%swap3A_394, %swap3A_395] {strides = array<i32>} : memref<64x768xf32, #tpu.memory_space<vmem>>, vector<1x16xf32>,
      %swap3A_397 = vector.shape_cast %swap3A_396 : vector<1x16xf32> to vector<16xf32>
      %swap3A_398 = vector.shape_cast %add3A_393 : vector<16xf32> to vector<1x16xf32>
      tpu.vector_store %arg10[%swap3A_394, %swap3A_395], %swap3A_398 {strides = array<i32>} : memref<64x768xf32, #tpu.memory_space<vmem>>, vector<1x16xf32>,
      %get3A_399 = arith.index_cast %scan3A_23 : i32 to index
      %get3A_400 = arith.constant 368 : index
      %get3A_401 = tpu.vector_load %arg10[%get3A_399, %get3A_400] {strides = array<i32>} : memref<64x768xf32, #tpu.memory_space<vmem>>, vector<1x16xf32>,
      %get3A_402 = vector.shape_cast %get3A_401 : vector<1x16xf32> to vector<16xf32>
      %mul3A_403 = arith.mulf %get3A_27, %get3A_402 : vector<16xf32>
      %get3A_404 = arith.index_cast %scan3A_23 : i32 to index
      %get3A_405 = arith.constant 368 : index
      %get3A_406 = tpu.vector_load %arg11[%get3A_404, %get3A_405] {strides = array<i32>} : memref<64x768xf32, #tpu.memory_space<vmem>>, vector<1x16xf32>,
      %get3A_407 = vector.shape_cast %get3A_406 : vector<1x16xf32> to vector<16xf32>
      %mul3A_408 = arith.mulf %get3A_31, %get3A_407 : vector<16xf32>
      %add3A_409 = arith.addf %mul3A_403, %mul3A_408 : vector<16xf32>
      %swap3A_410 = arith.index_cast %scan3A_23 : i32 to index
      %swap3A_411 = arith.constant 368 : index
      %swap3A_412 = tpu.vector_load %arg10[%swap3A_410, %swap3A_411] {strides = array<i32>} : memref<64x768xf32, #tpu.memory_space<vmem>>, vector<1x16xf32>,
      %swap3A_413 = vector.shape_cast %swap3A_412 : vector<1x16xf32> to vector<16xf32>
      %swap3A_414 = vector.shape_cast %add3A_409 : vector<16xf32> to vector<1x16xf32>
      tpu.vector_store %arg10[%swap3A_410, %swap3A_411], %swap3A_414 {strides = array<i32>} : memref<64x768xf32, #tpu.memory_space<vmem>>, vector<1x16xf32>,
      %get3A_415 = arith.index_cast %scan3A_23 : i32 to index
      %get3A_416 = arith.constant 384 : index
      %get3A_417 = tpu.vector_load %arg10[%get3A_415, %get3A_416] {strides = array<i32>} : memref<64x768xf32, #tpu.memory_space<vmem>>, vector<1x16xf32>,
      %get3A_418 = vector.shape_cast %get3A_417 : vector<1x16xf32> to vector<16xf32>
      %mul3A_419 = arith.mulf %get3A_27, %get3A_418 : vector<16xf32>
      %get3A_420 = arith.index_cast %scan3A_23 : i32 to index
      %get3A_421 = arith.constant 384 : index
      %get3A_422 = tpu.vector_load %arg11[%get3A_420, %get3A_421] {strides = array<i32>} : memref<64x768xf32, #tpu.memory_space<vmem>>, vector<1x16xf32>,
      %get3A_423 = vector.shape_cast %get3A_422 : vector<1x16xf32> to vector<16xf32>
      %mul3A_424 = arith.mulf %get3A_31, %get3A_423 : vector<16xf32>
      %add3A_425 = arith.addf %mul3A_419, %mul3A_424 : vector<16xf32>
      %swap3A_426 = arith.index_cast %scan3A_23 : i32 to index
      %swap3A_427 = arith.constant 384 : index
      %swap3A_428 = tpu.vector_load %arg10[%swap3A_426, %swap3A_427] {strides = array<i32>} : memref<64x768xf32, #tpu.memory_space<vmem>>, vector<1x16xf32>,
      %swap3A_429 = vector.shape_cast %swap3A_428 : vector<1x16xf32> to vector<16xf32>
      %swap3A_430 = vector.shape_cast %add3A_425 : vector<16xf32> to vector<1x16xf32>
      tpu.vector_store %arg10[%swap3A_426, %swap3A_427], %swap3A_430 {strides = array<i32>} : memref<64x768xf32, #tpu.memory_space<vmem>>, vector<1x16xf32>,
      %get3A_431 = arith.index_cast %scan3A_23 : i32 to index
      %get3A_432 = arith.constant 400 : index
      %get3A_433 = tpu.vector_load %arg10[%get3A_431, %get3A_432] {strides = array<i32>} : memref<64x768xf32, #tpu.memory_space<vmem>>, vector<1x16xf32>,
      %get3A_434 = vector.shape_cast %get3A_433 : vector<1x16xf32> to vector<16xf32>
      %mul3A_435 = arith.mulf %get3A_27, %get3A_434 : vector<16xf32>
      %get3A_436 = arith.index_cast %scan3A_23 : i32 to index
      %get3A_437 = arith.constant 400 : index
      %get3A_438 = tpu.vector_load %arg11[%get3A_436, %get3A_437] {strides = array<i32>} : memref<64x768xf32, #tpu.memory_space<vmem>>, vector<1x16xf32>,
      %get3A_439 = vector.shape_cast %get3A_438 : vector<1x16xf32> to vector<16xf32>
      %mul3A_440 = arith.mulf %get3A_31, %get3A_439 : vector<16xf32>
      %add3A_441 = arith.addf %mul3A_435, %mul3A_440 : vector<16xf32>
      %swap3A_442 = arith.index_cast %scan3A_23 : i32 to index
      %swap3A_443 = arith.constant 400 : index
      %swap3A_444 = tpu.vector_load %arg10[%swap3A_442, %swap3A_443] {strides = array<i32>} : memref<64x768xf32, #tpu.memory_space<vmem>>, vector<1x16xf32>,
      %swap3A_445 = vector.shape_cast %swap3A_444 : vector<1x16xf32> to vector<16xf32>
      %swap3A_446 = vector.shape_cast %add3A_441 : vector<16xf32> to vector<1x16xf32>
      tpu.vector_store %arg10[%swap3A_442, %swap3A_443], %swap3A_446 {strides = array<i32>} : memref<64x768xf32, #tpu.memory_space<vmem>>, vector<1x16xf32>,
      %get3A_447 = arith.index_cast %scan3A_23 : i32 to index
      %get3A_448 = arith.constant 416 : index
      %get3A_449 = tpu.vector_load %arg10[%get3A_447, %get3A_448] {strides = array<i32>} : memref<64x768xf32, #tpu.memory_space<vmem>>, vector<1x16xf32>,
      %get3A_450 = vector.shape_cast %get3A_449 : vector<1x16xf32> to vector<16xf32>
      %mul3A_451 = arith.mulf %get3A_27, %get3A_450 : vector<16xf32>
      %get3A_452 = arith.index_cast %scan3A_23 : i32 to index
      %get3A_453 = arith.constant 416 : index
      %get3A_454 = tpu.vector_load %arg11[%get3A_452, %get3A_453] {strides = array<i32>} : memref<64x768xf32, #tpu.memory_space<vmem>>, vector<1x16xf32>,
      %get3A_455 = vector.shape_cast %get3A_454 : vector<1x16xf32> to vector<16xf32>
      %mul3A_456 = arith.mulf %get3A_31, %get3A_455 : vector<16xf32>
      %add3A_457 = arith.addf %mul3A_451, %mul3A_456 : vector<16xf32>
      %swap3A_458 = arith.index_cast %scan3A_23 : i32 to index
      %swap3A_459 = arith.constant 416 : index
      %swap3A_460 = tpu.vector_load %arg10[%swap3A_458, %swap3A_459] {strides = array<i32>} : memref<64x768xf32, #tpu.memory_space<vmem>>, vector<1x16xf32>,
      %swap3A_461 = vector.shape_cast %swap3A_460 : vector<1x16xf32> to vector<16xf32>
      %swap3A_462 = vector.shape_cast %add3A_457 : vector<16xf32> to vector<1x16xf32>
      tpu.vector_store %arg10[%swap3A_458, %swap3A_459], %swap3A_462 {strides = array<i32>} : memref<64x768xf32, #tpu.memory_space<vmem>>, vector<1x16xf32>,
      %get3A_463 = arith.index_cast %scan3A_23 : i32 to index
      %get3A_464 = arith.constant 432 : index
      %get3A_465 = tpu.vector_load %arg10[%get3A_463, %get3A_464] {strides = array<i32>} : memref<64x768xf32, #tpu.memory_space<vmem>>, vector<1x16xf32>,
      %get3A_466 = vector.shape_cast %get3A_465 : vector<1x16xf32> to vector<16xf32>
      %mul3A_467 = arith.mulf %get3A_27, %get3A_466 : vector<16xf32>
      %get3A_468 = arith.index_cast %scan3A_23 : i32 to index
      %get3A_469 = arith.constant 432 : index
      %get3A_470 = tpu.vector_load %arg11[%get3A_468, %get3A_469] {strides = array<i32>} : memref<64x768xf32, #tpu.memory_space<vmem>>, vector<1x16xf32>,
      %get3A_471 = vector.shape_cast %get3A_470 : vector<1x16xf32> to vector<16xf32>
      %mul3A_472 = arith.mulf %get3A_31, %get3A_471 : vector<16xf32>
      %add3A_473 = arith.addf %mul3A_467, %mul3A_472 : vector<16xf32>
      %swap3A_474 = arith.index_cast %scan3A_23 : i32 to index
      %swap3A_475 = arith.constant 432 : index
      %swap3A_476 = tpu.vector_load %arg10[%swap3A_474, %swap3A_475] {strides = array<i32>} : memref<64x768xf32, #tpu.memory_space<vmem>>, vector<1x16xf32>,
      %swap3A_477 = vector.shape_cast %swap3A_476 : vector<1x16xf32> to vector<16xf32>
      %swap3A_478 = vector.shape_cast %add3A_473 : vector<16xf32> to vector<1x16xf32>
      tpu.vector_store %arg10[%swap3A_474, %swap3A_475], %swap3A_478 {strides = array<i32>} : memref<64x768xf32, #tpu.memory_space<vmem>>, vector<1x16xf32>,
      %get3A_479 = arith.index_cast %scan3A_23 : i32 to index
      %get3A_480 = arith.constant 448 : index
      %get3A_481 = tpu.vector_load %arg10[%get3A_479, %get3A_480] {strides = array<i32>} : memref<64x768xf32, #tpu.memory_space<vmem>>, vector<1x16xf32>,
      %get3A_482 = vector.shape_cast %get3A_481 : vector<1x16xf32> to vector<16xf32>
      %mul3A_483 = arith.mulf %get3A_27, %get3A_482 : vector<16xf32>
      %get3A_484 = arith.index_cast %scan3A_23 : i32 to index
      %get3A_485 = arith.constant 448 : index
      %get3A_486 = tpu.vector_load %arg11[%get3A_484, %get3A_485] {strides = array<i32>} : memref<64x768xf32, #tpu.memory_space<vmem>>, vector<1x16xf32>,
      %get3A_487 = vector.shape_cast %get3A_486 : vector<1x16xf32> to vector<16xf32>
      %mul3A_488 = arith.mulf %get3A_31, %get3A_487 : vector<16xf32>
      %add3A_489 = arith.addf %mul3A_483, %mul3A_488 : vector<16xf32>
      %swap3A_490 = arith.index_cast %scan3A_23 : i32 to index
      %swap3A_491 = arith.constant 448 : index
      %swap3A_492 = tpu.vector_load %arg10[%swap3A_490, %swap3A_491] {strides = array<i32>} : memref<64x768xf32, #tpu.memory_space<vmem>>, vector<1x16xf32>,
      %swap3A_493 = vector.shape_cast %swap3A_492 : vector<1x16xf32> to vector<16xf32>
      %swap3A_494 = vector.shape_cast %add3A_489 : vector<16xf32> to vector<1x16xf32>
      tpu.vector_store %arg10[%swap3A_490, %swap3A_491], %swap3A_494 {strides = array<i32>} : memref<64x768xf32, #tpu.memory_space<vmem>>, vector<1x16xf32>,
      %get3A_495 = arith.index_cast %scan3A_23 : i32 to index
      %get3A_496 = arith.constant 464 : index
      %get3A_497 = tpu.vector_load %arg10[%get3A_495, %get3A_496] {strides = array<i32>} : memref<64x768xf32, #tpu.memory_space<vmem>>, vector<1x16xf32>,
      %get3A_498 = vector.shape_cast %get3A_497 : vector<1x16xf32> to vector<16xf32>
      %mul3A_499 = arith.mulf %get3A_27, %get3A_498 : vector<16xf32>
      %get3A_500 = arith.index_cast %scan3A_23 : i32 to index
      %get3A_501 = arith.constant 464 : index
      %get3A_502 = tpu.vector_load %arg11[%get3A_500, %get3A_501] {strides = array<i32>} : memref<64x768xf32, #tpu.memory_space<vmem>>, vector<1x16xf32>,
      %get3A_503 = vector.shape_cast %get3A_502 : vector<1x16xf32> to vector<16xf32>
      %mul3A_504 = arith.mulf %get3A_31, %get3A_503 : vector<16xf32>
      %add3A_505 = arith.addf %mul3A_499, %mul3A_504 : vector<16xf32>
      %swap3A_506 = arith.index_cast %scan3A_23 : i32 to index
      %swap3A_507 = arith.constant 464 : index
      %swap3A_508 = tpu.vector_load %arg10[%swap3A_506, %swap3A_507] {strides = array<i32>} : memref<64x768xf32, #tpu.memory_space<vmem>>, vector<1x16xf32>,
      %swap3A_509 = vector.shape_cast %swap3A_508 : vector<1x16xf32> to vector<16xf32>
      %swap3A_510 = vector.shape_cast %add3A_505 : vector<16xf32> to vector<1x16xf32>
      tpu.vector_store %arg10[%swap3A_506, %swap3A_507], %swap3A_510 {strides = array<i32>} : memref<64x768xf32, #tpu.memory_space<vmem>>, vector<1x16xf32>,
      %get3A_511 = arith.index_cast %scan3A_23 : i32 to index
      %get3A_512 = arith.constant 480 : index
      %get3A_513 = tpu.vector_load %arg10[%get3A_511, %get3A_512] {strides = array<i32>} : memref<64x768xf32, #tpu.memory_space<vmem>>, vector<1x16xf32>,
      %get3A_514 = vector.shape_cast %get3A_513 : vector<1x16xf32> to vector<16xf32>
      %mul3A_515 = arith.mulf %get3A_27, %get3A_514 : vector<16xf32>
      %get3A_516 = arith.index_cast %scan3A_23 : i32 to index
      %get3A_517 = arith.constant 480 : index
      %get3A_518 = tpu.vector_load %arg11[%get3A_516, %get3A_517] {strides = array<i32>} : memref<64x768xf32, #tpu.memory_space<vmem>>, vector<1x16xf32>,
      %get3A_519 = vector.shape_cast %get3A_518 : vector<1x16xf32> to vector<16xf32>
      %mul3A_520 = arith.mulf %get3A_31, %get3A_519 : vector<16xf32>
      %add3A_521 = arith.addf %mul3A_515, %mul3A_520 : vector<16xf32>
      %swap3A_522 = arith.index_cast %scan3A_23 : i32 to index
      %swap3A_523 = arith.constant 480 : index
      %swap3A_524 = tpu.vector_load %arg10[%swap3A_522, %swap3A_523] {strides = array<i32>} : memref<64x768xf32, #tpu.memory_space<vmem>>, vector<1x16xf32>,
      %swap3A_525 = vector.shape_cast %swap3A_524 : vector<1x16xf32> to vector<16xf32>
      %swap3A_526 = vector.shape_cast %add3A_521 : vector<16xf32> to vector<1x16xf32>
      tpu.vector_store %arg10[%swap3A_522, %swap3A_523], %swap3A_526 {strides = array<i32>} : memref<64x768xf32, #tpu.memory_space<vmem>>, vector<1x16xf32>,
      %get3A_527 = arith.index_cast %scan3A_23 : i32 to index
      %get3A_528 = arith.constant 496 : index
      %get3A_529 = tpu.vector_load %arg10[%get3A_527, %get3A_528] {strides = array<i32>} : memref<64x768xf32, #tpu.memory_space<vmem>>, vector<1x16xf32>,
      %get3A_530 = vector.shape_cast %get3A_529 : vector<1x16xf32> to vector<16xf32>
      %mul3A_531 = arith.mulf %get3A_27, %get3A_530 : vector<16xf32>
      %get3A_532 = arith.index_cast %scan3A_23 : i32 to index
      %get3A_533 = arith.constant 496 : index
      %get3A_534 = tpu.vector_load %arg11[%get3A_532, %get3A_533] {strides = array<i32>} : memref<64x768xf32, #tpu.memory_space<vmem>>, vector<1x16xf32>,
      %get3A_535 = vector.shape_cast %get3A_534 : vector<1x16xf32> to vector<16xf32>
      %mul3A_536 = arith.mulf %get3A_31, %get3A_535 : vector<16xf32>
      %add3A_537 = arith.addf %mul3A_531, %mul3A_536 : vector<16xf32>
      %swap3A_538 = arith.index_cast %scan3A_23 : i32 to index
      %swap3A_539 = arith.constant 496 : index
      %swap3A_540 = tpu.vector_load %arg10[%swap3A_538, %swap3A_539] {strides = array<i32>} : memref<64x768xf32, #tpu.memory_space<vmem>>, vector<1x16xf32>,
      %swap3A_541 = vector.shape_cast %swap3A_540 : vector<1x16xf32> to vector<16xf32>
      %swap3A_542 = vector.shape_cast %add3A_537 : vector<16xf32> to vector<1x16xf32>
      tpu.vector_store %arg10[%swap3A_538, %swap3A_539], %swap3A_542 {strides = array<i32>} : memref<64x768xf32, #tpu.memory_space<vmem>>, vector<1x16xf32>,
      %get3A_543 = arith.index_cast %scan3A_23 : i32 to index
      %get3A_544 = arith.constant 512 : index
      %get3A_545 = tpu.vector_load %arg10[%get3A_543, %get3A_544] {strides = array<i32>} : memref<64x768xf32, #tpu.memory_space<vmem>>, vector<1x16xf32>,
      %get3A_546 = vector.shape_cast %get3A_545 : vector<1x16xf32> to vector<16xf32>
      %mul3A_547 = arith.mulf %get3A_27, %get3A_546 : vector<16xf32>
      %get3A_548 = arith.index_cast %scan3A_23 : i32 to index
      %get3A_549 = arith.constant 512 : index
      %get3A_550 = tpu.vector_load %arg11[%get3A_548, %get3A_549] {strides = array<i32>} : memref<64x768xf32, #tpu.memory_space<vmem>>, vector<1x16xf32>,
      %get3A_551 = vector.shape_cast %get3A_550 : vector<1x16xf32> to vector<16xf32>
      %mul3A_552 = arith.mulf %get3A_31, %get3A_551 : vector<16xf32>
      %add3A_553 = arith.addf %mul3A_547, %mul3A_552 : vector<16xf32>
      %swap3A_554 = arith.index_cast %scan3A_23 : i32 to index
      %swap3A_555 = arith.constant 512 : index
      %swap3A_556 = tpu.vector_load %arg10[%swap3A_554, %swap3A_555] {strides = array<i32>} : memref<64x768xf32, #tpu.memory_space<vmem>>, vector<1x16xf32>,
      %swap3A_557 = vector.shape_cast %swap3A_556 : vector<1x16xf32> to vector<16xf32>
      %swap3A_558 = vector.shape_cast %add3A_553 : vector<16xf32> to vector<1x16xf32>
      tpu.vector_store %arg10[%swap3A_554, %swap3A_555], %swap3A_558 {strides = array<i32>} : memref<64x768xf32, #tpu.memory_space<vmem>>, vector<1x16xf32>,
      %get3A_559 = arith.index_cast %scan3A_23 : i32 to index
      %get3A_560 = arith.constant 528 : index
      %get3A_561 = tpu.vector_load %arg10[%get3A_559, %get3A_560] {strides = array<i32>} : memref<64x768xf32, #tpu.memory_space<vmem>>, vector<1x16xf32>,
      %get3A_562 = vector.shape_cast %get3A_561 : vector<1x16xf32> to vector<16xf32>
      %mul3A_563 = arith.mulf %get3A_27, %get3A_562 : vector<16xf32>
      %get3A_564 = arith.index_cast %scan3A_23 : i32 to index
      %get3A_565 = arith.constant 528 : index
      %get3A_566 = tpu.vector_load %arg11[%get3A_564, %get3A_565] {strides = array<i32>} : memref<64x768xf32, #tpu.memory_space<vmem>>, vector<1x16xf32>,
      %get3A_567 = vector.shape_cast %get3A_566 : vector<1x16xf32> to vector<16xf32>
      %mul3A_568 = arith.mulf %get3A_31, %get3A_567 : vector<16xf32>
      %add3A_569 = arith.addf %mul3A_563, %mul3A_568 : vector<16xf32>
      %swap3A_570 = arith.index_cast %scan3A_23 : i32 to index
      %swap3A_571 = arith.constant 528 : index
      %swap3A_572 = tpu.vector_load %arg10[%swap3A_570, %swap3A_571] {strides = array<i32>} : memref<64x768xf32, #tpu.memory_space<vmem>>, vector<1x16xf32>,
      %swap3A_573 = vector.shape_cast %swap3A_572 : vector<1x16xf32> to vector<16xf32>
      %swap3A_574 = vector.shape_cast %add3A_569 : vector<16xf32> to vector<1x16xf32>
      tpu.vector_store %arg10[%swap3A_570, %swap3A_571], %swap3A_574 {strides = array<i32>} : memref<64x768xf32, #tpu.memory_space<vmem>>, vector<1x16xf32>,
      %get3A_575 = arith.index_cast %scan3A_23 : i32 to index
      %get3A_576 = arith.constant 544 : index
      %get3A_577 = tpu.vector_load %arg10[%get3A_575, %get3A_576] {strides = array<i32>} : memref<64x768xf32, #tpu.memory_space<vmem>>, vector<1x16xf32>,
      %get3A_578 = vector.shape_cast %get3A_577 : vector<1x16xf32> to vector<16xf32>
      %mul3A_579 = arith.mulf %get3A_27, %get3A_578 : vector<16xf32>
      %get3A_580 = arith.index_cast %scan3A_23 : i32 to index
      %get3A_581 = arith.constant 544 : index
      %get3A_582 = tpu.vector_load %arg11[%get3A_580, %get3A_581] {strides = array<i32>} : memref<64x768xf32, #tpu.memory_space<vmem>>, vector<1x16xf32>,
      %get3A_583 = vector.shape_cast %get3A_582 : vector<1x16xf32> to vector<16xf32>
      %mul3A_584 = arith.mulf %get3A_31, %get3A_583 : vector<16xf32>
      %add3A_585 = arith.addf %mul3A_579, %mul3A_584 : vector<16xf32>
      %swap3A_586 = arith.index_cast %scan3A_23 : i32 to index
      %swap3A_587 = arith.constant 544 : index
      %swap3A_588 = tpu.vector_load %arg10[%swap3A_586, %swap3A_587] {strides = array<i32>} : memref<64x768xf32, #tpu.memory_space<vmem>>, vector<1x16xf32>,
      %swap3A_589 = vector.shape_cast %swap3A_588 : vector<1x16xf32> to vector<16xf32>
      %swap3A_590 = vector.shape_cast %add3A_585 : vector<16xf32> to vector<1x16xf32>
      tpu.vector_store %arg10[%swap3A_586, %swap3A_587], %swap3A_590 {strides = array<i32>} : memref<64x768xf32, #tpu.memory_space<vmem>>, vector<1x16xf32>,
      %get3A_591 = arith.index_cast %scan3A_23 : i32 to index
      %get3A_592 = arith.constant 560 : index
      %get3A_593 = tpu.vector_load %arg10[%get3A_591, %get3A_592] {strides = array<i32>} : memref<64x768xf32, #tpu.memory_space<vmem>>, vector<1x16xf32>,
      %get3A_594 = vector.shape_cast %get3A_593 : vector<1x16xf32> to vector<16xf32>
      %mul3A_595 = arith.mulf %get3A_27, %get3A_594 : vector<16xf32>
      %get3A_596 = arith.index_cast %scan3A_23 : i32 to index
      %get3A_597 = arith.constant 560 : index
      %get3A_598 = tpu.vector_load %arg11[%get3A_596, %get3A_597] {strides = array<i32>} : memref<64x768xf32, #tpu.memory_space<vmem>>, vector<1x16xf32>,
      %get3A_599 = vector.shape_cast %get3A_598 : vector<1x16xf32> to vector<16xf32>
      %mul3A_600 = arith.mulf %get3A_31, %get3A_599 : vector<16xf32>
      %add3A_601 = arith.addf %mul3A_595, %mul3A_600 : vector<16xf32>
      %swap3A_602 = arith.index_cast %scan3A_23 : i32 to index
      %swap3A_603 = arith.constant 560 : index
      %swap3A_604 = tpu.vector_load %arg10[%swap3A_602, %swap3A_603] {strides = array<i32>} : memref<64x768xf32, #tpu.memory_space<vmem>>, vector<1x16xf32>,
      %swap3A_605 = vector.shape_cast %swap3A_604 : vector<1x16xf32> to vector<16xf32>
      %swap3A_606 = vector.shape_cast %add3A_601 : vector<16xf32> to vector<1x16xf32>
      tpu.vector_store %arg10[%swap3A_602, %swap3A_603], %swap3A_606 {strides = array<i32>} : memref<64x768xf32, #tpu.memory_space<vmem>>, vector<1x16xf32>,
      %get3A_607 = arith.index_cast %scan3A_23 : i32 to index
      %get3A_608 = arith.constant 576 : index
      %get3A_609 = tpu.vector_load %arg10[%get3A_607, %get3A_608] {strides = array<i32>} : memref<64x768xf32, #tpu.memory_space<vmem>>, vector<1x16xf32>,
      %get3A_610 = vector.shape_cast %get3A_609 : vector<1x16xf32> to vector<16xf32>
      %mul3A_611 = arith.mulf %get3A_27, %get3A_610 : vector<16xf32>
      %get3A_612 = arith.index_cast %scan3A_23 : i32 to index
      %get3A_613 = arith.constant 576 : index
      %get3A_614 = tpu.vector_load %arg11[%get3A_612, %get3A_613] {strides = array<i32>} : memref<64x768xf32, #tpu.memory_space<vmem>>, vector<1x16xf32>,
      %get3A_615 = vector.shape_cast %get3A_614 : vector<1x16xf32> to vector<16xf32>
      %mul3A_616 = arith.mulf %get3A_31, %get3A_615 : vector<16xf32>
      %add3A_617 = arith.addf %mul3A_611, %mul3A_616 : vector<16xf32>
      %swap3A_618 = arith.index_cast %scan3A_23 : i32 to index
      %swap3A_619 = arith.constant 576 : index
      %swap3A_620 = tpu.vector_load %arg10[%swap3A_618, %swap3A_619] {strides = array<i32>} : memref<64x768xf32, #tpu.memory_space<vmem>>, vector<1x16xf32>,
      %swap3A_621 = vector.shape_cast %swap3A_620 : vector<1x16xf32> to vector<16xf32>
      %swap3A_622 = vector.shape_cast %add3A_617 : vector<16xf32> to vector<1x16xf32>
      tpu.vector_store %arg10[%swap3A_618, %swap3A_619], %swap3A_622 {strides = array<i32>} : memref<64x768xf32, #tpu.memory_space<vmem>>, vector<1x16xf32>,
      %get3A_623 = arith.index_cast %scan3A_23 : i32 to index
      %get3A_624 = arith.constant 592 : index
      %get3A_625 = tpu.vector_load %arg10[%get3A_623, %get3A_624] {strides = array<i32>} : memref<64x768xf32, #tpu.memory_space<vmem>>, vector<1x16xf32>,
      %get3A_626 = vector.shape_cast %get3A_625 : vector<1x16xf32> to vector<16xf32>
      %mul3A_627 = arith.mulf %get3A_27, %get3A_626 : vector<16xf32>
      %get3A_628 = arith.index_cast %scan3A_23 : i32 to index
      %get3A_629 = arith.constant 592 : index
      %get3A_630 = tpu.vector_load %arg11[%get3A_628, %get3A_629] {strides = array<i32>} : memref<64x768xf32, #tpu.memory_space<vmem>>, vector<1x16xf32>,
      %get3A_631 = vector.shape_cast %get3A_630 : vector<1x16xf32> to vector<16xf32>
      %mul3A_632 = arith.mulf %get3A_31, %get3A_631 : vector<16xf32>
      %add3A_633 = arith.addf %mul3A_627, %mul3A_632 : vector<16xf32>
      %swap3A_634 = arith.index_cast %scan3A_23 : i32 to index
      %swap3A_635 = arith.constant 592 : index
      %swap3A_636 = tpu.vector_load %arg10[%swap3A_634, %swap3A_635] {strides = array<i32>} : memref<64x768xf32, #tpu.memory_space<vmem>>, vector<1x16xf32>,
      %swap3A_637 = vector.shape_cast %swap3A_636 : vector<1x16xf32> to vector<16xf32>
      %swap3A_638 = vector.shape_cast %add3A_633 : vector<16xf32> to vector<1x16xf32>
      tpu.vector_store %arg10[%swap3A_634, %swap3A_635], %swap3A_638 {strides = array<i32>} : memref<64x768xf32, #tpu.memory_space<vmem>>, vector<1x16xf32>,
      %get3A_639 = arith.index_cast %scan3A_23 : i32 to index
      %get3A_640 = arith.constant 608 : index
      %get3A_641 = tpu.vector_load %arg10[%get3A_639, %get3A_640] {strides = array<i32>} : memref<64x768xf32, #tpu.memory_space<vmem>>, vector<1x16xf32>,
      %get3A_642 = vector.shape_cast %get3A_641 : vector<1x16xf32> to vector<16xf32>
      %mul3A_643 = arith.mulf %get3A_27, %get3A_642 : vector<16xf32>
      %get3A_644 = arith.index_cast %scan3A_23 : i32 to index
      %get3A_645 = arith.constant 608 : index
      %get3A_646 = tpu.vector_load %arg11[%get3A_644, %get3A_645] {strides = array<i32>} : memref<64x768xf32, #tpu.memory_space<vmem>>, vector<1x16xf32>,
      %get3A_647 = vector.shape_cast %get3A_646 : vector<1x16xf32> to vector<16xf32>
      %mul3A_648 = arith.mulf %get3A_31, %get3A_647 : vector<16xf32>
      %add3A_649 = arith.addf %mul3A_643, %mul3A_648 : vector<16xf32>
      %swap3A_650 = arith.index_cast %scan3A_23 : i32 to index
      %swap3A_651 = arith.constant 608 : index
      %swap3A_652 = tpu.vector_load %arg10[%swap3A_650, %swap3A_651] {strides = array<i32>} : memref<64x768xf32, #tpu.memory_space<vmem>>, vector<1x16xf32>,
      %swap3A_653 = vector.shape_cast %swap3A_652 : vector<1x16xf32> to vector<16xf32>
      %swap3A_654 = vector.shape_cast %add3A_649 : vector<16xf32> to vector<1x16xf32>
      tpu.vector_store %arg10[%swap3A_650, %swap3A_651], %swap3A_654 {strides = array<i32>} : memref<64x768xf32, #tpu.memory_space<vmem>>, vector<1x16xf32>,
      %get3A_655 = arith.index_cast %scan3A_23 : i32 to index
      %get3A_656 = arith.constant 624 : index
      %get3A_657 = tpu.vector_load %arg10[%get3A_655, %get3A_656] {strides = array<i32>} : memref<64x768xf32, #tpu.memory_space<vmem>>, vector<1x16xf32>,
      %get3A_658 = vector.shape_cast %get3A_657 : vector<1x16xf32> to vector<16xf32>
      %mul3A_659 = arith.mulf %get3A_27, %get3A_658 : vector<16xf32>
      %get3A_660 = arith.index_cast %scan3A_23 : i32 to index
      %get3A_661 = arith.constant 624 : index
      %get3A_662 = tpu.vector_load %arg11[%get3A_660, %get3A_661] {strides = array<i32>} : memref<64x768xf32, #tpu.memory_space<vmem>>, vector<1x16xf32>,
      %get3A_663 = vector.shape_cast %get3A_662 : vector<1x16xf32> to vector<16xf32>
      %mul3A_664 = arith.mulf %get3A_31, %get3A_663 : vector<16xf32>
      %add3A_665 = arith.addf %mul3A_659, %mul3A_664 : vector<16xf32>
      %swap3A_666 = arith.index_cast %scan3A_23 : i32 to index
      %swap3A_667 = arith.constant 624 : index
      %swap3A_668 = tpu.vector_load %arg10[%swap3A_666, %swap3A_667] {strides = array<i32>} : memref<64x768xf32, #tpu.memory_space<vmem>>, vector<1x16xf32>,
      %swap3A_669 = vector.shape_cast %swap3A_668 : vector<1x16xf32> to vector<16xf32>
      %swap3A_670 = vector.shape_cast %add3A_665 : vector<16xf32> to vector<1x16xf32>
      tpu.vector_store %arg10[%swap3A_666, %swap3A_667], %swap3A_670 {strides = array<i32>} : memref<64x768xf32, #tpu.memory_space<vmem>>, vector<1x16xf32>,
      %get3A_671 = arith.index_cast %scan3A_23 : i32 to index
      %get3A_672 = arith.constant 640 : index
      %get3A_673 = tpu.vector_load %arg10[%get3A_671, %get3A_672] {strides = array<i32>} : memref<64x768xf32, #tpu.memory_space<vmem>>, vector<1x16xf32>,
      %get3A_674 = vector.shape_cast %get3A_673 : vector<1x16xf32> to vector<16xf32>
      %mul3A_675 = arith.mulf %get3A_27, %get3A_674 : vector<16xf32>
      %get3A_676 = arith.index_cast %scan3A_23 : i32 to index
      %get3A_677 = arith.constant 640 : index
      %get3A_678 = tpu.vector_load %arg11[%get3A_676, %get3A_677] {strides = array<i32>} : memref<64x768xf32, #tpu.memory_space<vmem>>, vector<1x16xf32>,
      %get3A_679 = vector.shape_cast %get3A_678 : vector<1x16xf32> to vector<16xf32>
      %mul3A_680 = arith.mulf %get3A_31, %get3A_679 : vector<16xf32>
      %add3A_681 = arith.addf %mul3A_675, %mul3A_680 : vector<16xf32>
      %swap3A_682 = arith.index_cast %scan3A_23 : i32 to index
      %swap3A_683 = arith.constant 640 : index
      %swap3A_684 = tpu.vector_load %arg10[%swap3A_682, %swap3A_683] {strides = array<i32>} : memref<64x768xf32, #tpu.memory_space<vmem>>, vector<1x16xf32>,
      %swap3A_685 = vector.shape_cast %swap3A_684 : vector<1x16xf32> to vector<16xf32>
      %swap3A_686 = vector.shape_cast %add3A_681 : vector<16xf32> to vector<1x16xf32>
      tpu.vector_store %arg10[%swap3A_682, %swap3A_683], %swap3A_686 {strides = array<i32>} : memref<64x768xf32, #tpu.memory_space<vmem>>, vector<1x16xf32>,
      %get3A_687 = arith.index_cast %scan3A_23 : i32 to index
      %get3A_688 = arith.constant 656 : index
      %get3A_689 = tpu.vector_load %arg10[%get3A_687, %get3A_688] {strides = array<i32>} : memref<64x768xf32, #tpu.memory_space<vmem>>, vector<1x16xf32>,
      %get3A_690 = vector.shape_cast %get3A_689 : vector<1x16xf32> to vector<16xf32>
      %mul3A_691 = arith.mulf %get3A_27, %get3A_690 : vector<16xf32>
      %get3A_692 = arith.index_cast %scan3A_23 : i32 to index
      %get3A_693 = arith.constant 656 : index
      %get3A_694 = tpu.vector_load %arg11[%get3A_692, %get3A_693] {strides = array<i32>} : memref<64x768xf32, #tpu.memory_space<vmem>>, vector<1x16xf32>,
      %get3A_695 = vector.shape_cast %get3A_694 : vector<1x16xf32> to vector<16xf32>
      %mul3A_696 = arith.mulf %get3A_31, %get3A_695 : vector<16xf32>
      %add3A_697 = arith.addf %mul3A_691, %mul3A_696 : vector<16xf32>
      %swap3A_698 = arith.index_cast %scan3A_23 : i32 to index
      %swap3A_699 = arith.constant 656 : index
      %swap3A_700 = tpu.vector_load %arg10[%swap3A_698, %swap3A_699] {strides = array<i32>} : memref<64x768xf32, #tpu.memory_space<vmem>>, vector<1x16xf32>,
      %swap3A_701 = vector.shape_cast %swap3A_700 : vector<1x16xf32> to vector<16xf32>
      %swap3A_702 = vector.shape_cast %add3A_697 : vector<16xf32> to vector<1x16xf32>
      tpu.vector_store %arg10[%swap3A_698, %swap3A_699], %swap3A_702 {strides = array<i32>} : memref<64x768xf32, #tpu.memory_space<vmem>>, vector<1x16xf32>,
      %get3A_703 = arith.index_cast %scan3A_23 : i32 to index
      %get3A_704 = arith.constant 672 : index
      %get3A_705 = tpu.vector_load %arg10[%get3A_703, %get3A_704] {strides = array<i32>} : memref<64x768xf32, #tpu.memory_space<vmem>>, vector<1x16xf32>,
      %get3A_706 = vector.shape_cast %get3A_705 : vector<1x16xf32> to vector<16xf32>
      %mul3A_707 = arith.mulf %get3A_27, %get3A_706 : vector<16xf32>
      %get3A_708 = arith.index_cast %scan3A_23 : i32 to index
      %get3A_709 = arith.constant 672 : index
      %get3A_710 = tpu.vector_load %arg11[%get3A_708, %get3A_709] {strides = array<i32>} : memref<64x768xf32, #tpu.memory_space<vmem>>, vector<1x16xf32>,
      %get3A_711 = vector.shape_cast %get3A_710 : vector<1x16xf32> to vector<16xf32>
      %mul3A_712 = arith.mulf %get3A_31, %get3A_711 : vector<16xf32>
      %add3A_713 = arith.addf %mul3A_707, %mul3A_712 : vector<16xf32>
      %swap3A_714 = arith.index_cast %scan3A_23 : i32 to index
      %swap3A_715 = arith.constant 672 : index
      %swap3A_716 = tpu.vector_load %arg10[%swap3A_714, %swap3A_715] {strides = array<i32>} : memref<64x768xf32, #tpu.memory_space<vmem>>, vector<1x16xf32>,
      %swap3A_717 = vector.shape_cast %swap3A_716 : vector<1x16xf32> to vector<16xf32>
      %swap3A_718 = vector.shape_cast %add3A_713 : vector<16xf32> to vector<1x16xf32>
      tpu.vector_store %arg10[%swap3A_714, %swap3A_715], %swap3A_718 {strides = array<i32>} : memref<64x768xf32, #tpu.memory_space<vmem>>, vector<1x16xf32>,
      %get3A_719 = arith.index_cast %scan3A_23 : i32 to index
      %get3A_720 = arith.constant 688 : index
      %get3A_721 = tpu.vector_load %arg10[%get3A_719, %get3A_720] {strides = array<i32>} : memref<64x768xf32, #tpu.memory_space<vmem>>, vector<1x16xf32>,
      %get3A_722 = vector.shape_cast %get3A_721 : vector<1x16xf32> to vector<16xf32>
      %mul3A_723 = arith.mulf %get3A_27, %get3A_722 : vector<16xf32>
      %get3A_724 = arith.index_cast %scan3A_23 : i32 to index
      %get3A_725 = arith.constant 688 : index
      %get3A_726 = tpu.vector_load %arg11[%get3A_724, %get3A_725] {strides = array<i32>} : memref<64x768xf32, #tpu.memory_space<vmem>>, vector<1x16xf32>,
      %get3A_727 = vector.shape_cast %get3A_726 : vector<1x16xf32> to vector<16xf32>
      %mul3A_728 = arith.mulf %get3A_31, %get3A_727 : vector<16xf32>
      %add3A_729 = arith.addf %mul3A_723, %mul3A_728 : vector<16xf32>
      %swap3A_730 = arith.index_cast %scan3A_23 : i32 to index
      %swap3A_731 = arith.constant 688 : index
      %swap3A_732 = tpu.vector_load %arg10[%swap3A_730, %swap3A_731] {strides = array<i32>} : memref<64x768xf32, #tpu.memory_space<vmem>>, vector<1x16xf32>,
      %swap3A_733 = vector.shape_cast %swap3A_732 : vector<1x16xf32> to vector<16xf32>
      %swap3A_734 = vector.shape_cast %add3A_729 : vector<16xf32> to vector<1x16xf32>
      tpu.vector_store %arg10[%swap3A_730, %swap3A_731], %swap3A_734 {strides = array<i32>} : memref<64x768xf32, #tpu.memory_space<vmem>>, vector<1x16xf32>,
      %get3A_735 = arith.index_cast %scan3A_23 : i32 to index
      %get3A_736 = arith.constant 704 : index
      %get3A_737 = tpu.vector_load %arg10[%get3A_735, %get3A_736] {strides = array<i32>} : memref<64x768xf32, #tpu.memory_space<vmem>>, vector<1x16xf32>,
      %get3A_738 = vector.shape_cast %get3A_737 : vector<1x16xf32> to vector<16xf32>
      %mul3A_739 = arith.mulf %get3A_27, %get3A_738 : vector<16xf32>
      %get3A_740 = arith.index_cast %scan3A_23 : i32 to index
      %get3A_741 = arith.constant 704 : index
      %get3A_742 = tpu.vector_load %arg11[%get3A_740, %get3A_741] {strides = array<i32>} : memref<64x768xf32, #tpu.memory_space<vmem>>, vector<1x16xf32>,
      %get3A_743 = vector.shape_cast %get3A_742 : vector<1x16xf32> to vector<16xf32>
      %mul3A_744 = arith.mulf %get3A_31, %get3A_743 : vector<16xf32>
      %add3A_745 = arith.addf %mul3A_739, %mul3A_744 : vector<16xf32>
      %swap3A_746 = arith.index_cast %scan3A_23 : i32 to index
      %swap3A_747 = arith.constant 704 : index
      %swap3A_748 = tpu.vector_load %arg10[%swap3A_746, %swap3A_747] {strides = array<i32>} : memref<64x768xf32, #tpu.memory_space<vmem>>, vector<1x16xf32>,
      %swap3A_749 = vector.shape_cast %swap3A_748 : vector<1x16xf32> to vector<16xf32>
      %swap3A_750 = vector.shape_cast %add3A_745 : vector<16xf32> to vector<1x16xf32>
      tpu.vector_store %arg10[%swap3A_746, %swap3A_747], %swap3A_750 {strides = array<i32>} : memref<64x768xf32, #tpu.memory_space<vmem>>, vector<1x16xf32>,
      %get3A_751 = arith.index_cast %scan3A_23 : i32 to index
      %get3A_752 = arith.constant 720 : index
      %get3A_753 = tpu.vector_load %arg10[%get3A_751, %get3A_752] {strides = array<i32>} : memref<64x768xf32, #tpu.memory_space<vmem>>, vector<1x16xf32>,
      %get3A_754 = vector.shape_cast %get3A_753 : vector<1x16xf32> to vector<16xf32>
      %mul3A_755 = arith.mulf %get3A_27, %get3A_754 : vector<16xf32>
      %get3A_756 = arith.index_cast %scan3A_23 : i32 to index
      %get3A_757 = arith.constant 720 : index
      %get3A_758 = tpu.vector_load %arg11[%get3A_756, %get3A_757] {strides = array<i32>} : memref<64x768xf32, #tpu.memory_space<vmem>>, vector<1x16xf32>,
      %get3A_759 = vector.shape_cast %get3A_758 : vector<1x16xf32> to vector<16xf32>
      %mul3A_760 = arith.mulf %get3A_31, %get3A_759 : vector<16xf32>
      %add3A_761 = arith.addf %mul3A_755, %mul3A_760 : vector<16xf32>
      %swap3A_762 = arith.index_cast %scan3A_23 : i32 to index
      %swap3A_763 = arith.constant 720 : index
      %swap3A_764 = tpu.vector_load %arg10[%swap3A_762, %swap3A_763] {strides = array<i32>} : memref<64x768xf32, #tpu.memory_space<vmem>>, vector<1x16xf32>,
      %swap3A_765 = vector.shape_cast %swap3A_764 : vector<1x16xf32> to vector<16xf32>
      %swap3A_766 = vector.shape_cast %add3A_761 : vector<16xf32> to vector<1x16xf32>
      tpu.vector_store %arg10[%swap3A_762, %swap3A_763], %swap3A_766 {strides = array<i32>} : memref<64x768xf32, #tpu.memory_space<vmem>>, vector<1x16xf32>,
      %get3A_767 = arith.index_cast %scan3A_23 : i32 to index
      %get3A_768 = arith.constant 736 : index
      %get3A_769 = tpu.vector_load %arg10[%get3A_767, %get3A_768] {strides = array<i32>} : memref<64x768xf32, #tpu.memory_space<vmem>>, vector<1x16xf32>,
      %get3A_770 = vector.shape_cast %get3A_769 : vector<1x16xf32> to vector<16xf32>
      %mul3A_771 = arith.mulf %get3A_27, %get3A_770 : vector<16xf32>
      %get3A_772 = arith.index_cast %scan3A_23 : i32 to index
      %get3A_773 = arith.constant 736 : index
      %get3A_774 = tpu.vector_load %arg11[%get3A_772, %get3A_773] {strides = array<i32>} : memref<64x768xf32, #tpu.memory_space<vmem>>, vector<1x16xf32>,
      %get3A_775 = vector.shape_cast %get3A_774 : vector<1x16xf32> to vector<16xf32>
      %mul3A_776 = arith.mulf %get3A_31, %get3A_775 : vector<16xf32>
      %add3A_777 = arith.addf %mul3A_771, %mul3A_776 : vector<16xf32>
      %swap3A_778 = arith.index_cast %scan3A_23 : i32 to index
      %swap3A_779 = arith.constant 736 : index
      %swap3A_780 = tpu.vector_load %arg10[%swap3A_778, %swap3A_779] {strides = array<i32>} : memref<64x768xf32, #tpu.memory_space<vmem>>, vector<1x16xf32>,
      %swap3A_781 = vector.shape_cast %swap3A_780 : vector<1x16xf32> to vector<16xf32>
      %swap3A_782 = vector.shape_cast %add3A_777 : vector<16xf32> to vector<1x16xf32>
      tpu.vector_store %arg10[%swap3A_778, %swap3A_779], %swap3A_782 {strides = array<i32>} : memref<64x768xf32, #tpu.memory_space<vmem>>, vector<1x16xf32>,
      %get3A_783 = arith.index_cast %scan3A_23 : i32 to index
      %get3A_784 = arith.constant 752 : index
      %get3A_785 = tpu.vector_load %arg10[%get3A_783, %get3A_784] {strides = array<i32>} : memref<64x768xf32, #tpu.memory_space<vmem>>, vector<1x16xf32>,
      %get3A_786 = vector.shape_cast %get3A_785 : vector<1x16xf32> to vector<16xf32>
      %mul3A_787 = arith.mulf %get3A_27, %get3A_786 : vector<16xf32>
      %get3A_788 = arith.index_cast %scan3A_23 : i32 to index
      %get3A_789 = arith.constant 752 : index
      %get3A_790 = tpu.vector_load %arg11[%get3A_788, %get3A_789] {strides = array<i32>} : memref<64x768xf32, #tpu.memory_space<vmem>>, vector<1x16xf32>,
      %get3A_791 = vector.shape_cast %get3A_790 : vector<1x16xf32> to vector<16xf32>
      %mul3A_792 = arith.mulf %get3A_31, %get3A_791 : vector<16xf32>
      %add3A_793 = arith.addf %mul3A_787, %mul3A_792 : vector<16xf32>
      %swap3A_794 = arith.index_cast %scan3A_23 : i32 to index
      %swap3A_795 = arith.constant 752 : index
      %swap3A_796 = tpu.vector_load %arg10[%swap3A_794, %swap3A_795] {strides = array<i32>} : memref<64x768xf32, #tpu.memory_space<vmem>>, vector<1x16xf32>,
      %swap3A_797 = vector.shape_cast %swap3A_796 : vector<1x16xf32> to vector<16xf32>
      %swap3A_798 = vector.shape_cast %add3A_793 : vector<16xf32> to vector<1x16xf32>
      tpu.vector_store %arg10[%swap3A_794, %swap3A_795], %swap3A_798 {strides = array<i32>} : memref<64x768xf32, #tpu.memory_space<vmem>>, vector<1x16xf32>,
      %scan3A_799 = arith.constant 0 : i32
      scf.yield %scan3A_799 : i32
    }
    %scan3A_22 = arith.constant 64 : i32
    "tpu.region"() ({
      %run_scoped3A = tpu.sem_alloc : memref<!tpu.dma_semaphore, #tpu.memory_space<semaphore_mem>>
      %dma_start3A_23 = arith.constant 0 : i32
      %dma_start3A_24 = tpu.memref_slice %arg5[%mul3A_2, %dma_start3A_23] : memref<2048x768xf32, #tpu.memory_space<hbm>> -> memref<64x768xf32, #tpu.memory_space<hbm>>
      %dma_start3A_25 = arith.constant 0 : i32
      %dma_start3A_26 = tpu.memref_slice %arg5[%mul3A_2, %dma_start3A_25] : memref<2048x768xf32, #tpu.memory_space<hbm>> -> memref<64x768xf32, #tpu.memory_space<hbm>>
      tpu.enqueue_dma source(%arg10 : memref<64x768xf32, #tpu.memory_space<vmem>>) target(%dma_start3A_26 : memref<64x768xf32, #tpu.memory_space<hbm>>) target_semaphore(%run_scoped3A : memref<!tpu.dma_semaphore, #tpu.memory_space<semaphore_mem>>)
      %dma_wait3A_27 = arith.constant 0 : i32
      %dma_wait3A_28 = tpu.memref_slice %arg5[%mul3A_2, %dma_wait3A_27] : memref<2048x768xf32, #tpu.memory_space<hbm>> -> memref<64x768xf32, #tpu.memory_space<hbm>>
      %dma_wait3A_29 = arith.constant 0 : i32
      %dma_wait3A_30 = tpu.memref_slice %arg5[%mul3A_2, %dma_wait3A_29] : memref<2048x768xf32, #tpu.memory_space<hbm>> -> memref<64x768xf32, #tpu.memory_space<hbm>>
      tpu.wait_dma2 semaphore(%run_scoped3A : memref<!tpu.dma_semaphore, #tpu.memory_space<semaphore_mem>>) src(%arg10 : memref<64x768xf32, #tpu.memory_space<vmem>>) dst(%dma_wait3A_30 : memref<64x768xf32, #tpu.memory_space<hbm>>)
      tpu.yield
    }) : () -> ()
    return
  }
}

module attributes {stable_mosaic.version = 14 : i64} {
  func.func @_ffn_body(%arg0: i32, %arg1: memref<24xi32, #tpu.memory_space<smem>>, %arg2: memref<512x768xf32, #tpu.memory_space<vmem>>, %arg3: memref<8x1536x768xf32, #tpu.memory_space<hbm>>, %arg4: memref<8x768x768xf32, #tpu.memory_space<hbm>>, %arg5: memref<512x768xf32, #tpu.memory_space<vmem>>, %arg6: memref<2x1536x768xf32, #tpu.memory_space<vmem>>, %arg7: memref<2x768x768xf32, #tpu.memory_space<vmem>>, %arg8: memref<2x1536x768xbf16, #tpu.memory_space<vmem>>, %arg9: memref<2x768x768xbf16, #tpu.memory_space<vmem>>, %arg10: memref<1xi32, #tpu.memory_space<smem>>, %arg11: memref<!tpu.dma_semaphore, #tpu.memory_space<semaphore_mem>>, %arg12: memref<!tpu.dma_semaphore, #tpu.memory_space<semaphore_mem>>) attributes {dimension_semantics = [#tpu.dimension_semantics<arbitrary>], iteration_bounds = array<i64: 16>, scalar_prefetch = 1 : i64, scratch_operands = 7 : i64, tpu.core_type = #tpu.core_type<tc>, window_params = [{transform_indices = @transform_0, window_bounds = array<i64: 512, 768>}, {}, {}, {transform_indices = @transform_3, window_bounds = array<i64: 512, 768>}]} {
    %get3A = arith.constant 16 : index
    %get3A_0 = memref.load %arg1[%get3A] : memref<24xi32, #tpu.memory_space<smem>>
    %lt3A = arith.cmpi slt, %arg0, %get3A_0 : i32
    %add3A = arith.constant 1 : i32
    %add3A_1 = arith.addi %arg0, %add3A : i32
    %lt3A_2 = arith.cmpi slt, %add3A_1, %get3A_0 : i32
    %get3A_3 = arith.index_cast %arg0 : i32 to index
    %get3A_4 = memref.load %arg1[%get3A_3] : memref<24xi32, #tpu.memory_space<smem>>
    %sub3A = arith.constant 1 : i32
    %sub3A_5 = arith.subi %arg0, %sub3A : i32
    %max3A = arith.constant 0 : i32
    %max3A_6 = arith.maxsi %sub3A_5, %max3A : i32
    %get3A_7 = arith.index_cast %max3A_6 : i32 to index
    %get3A_8 = memref.load %arg1[%get3A_7] : memref<24xi32, #tpu.memory_space<smem>>
    %add3A_9 = arith.constant 1 : i32
    %add3A_10 = arith.addi %arg0, %add3A_9 : i32
    %min3A = arith.constant 15 : i32
    %min3A_11 = arith.minsi %add3A_10, %min3A : i32
    %get3A_12 = arith.index_cast %min3A_11 : i32 to index
    %get3A_13 = memref.load %arg1[%get3A_12] : memref<24xi32, #tpu.memory_space<smem>>
    %eq3A = arith.constant 0 : i32
    %eq3A_14 = arith.cmpi eq, %arg0, %eq3A : i32
    %convert_element_type3A = arith.extui %eq3A_14 : i1 to i32
    %cond3A = arith.constant 0 : i32
    %cond3A_15 = arith.cmpi ne, %convert_element_type3A, %cond3A : i32
    scf.if %cond3A_15 {
      %dma_start3A = arith.constant 0 : i32
      %dma_start3A_31 = arith.constant 0 : i32
      %dma_start3A_32 = arith.constant 0 : i32
      %dma_start3A_33 = tpu.memref_slice %arg6[%dma_start3A, %dma_start3A_31, %dma_start3A_32] : memref<2x1536x768xf32, #tpu.memory_space<vmem>> -> memref<1x1536x768xf32, #tpu.memory_space<vmem>>
      %dma_start3A_34 = tpu.memref_squeeze %dma_start3A_33 : memref<1x1536x768xf32, #tpu.memory_space<vmem>> -> memref<1536x768xf32, #tpu.memory_space<vmem>>
      %dma_start3A_35 = arith.constant 0 : i32
      %dma_start3A_36 = arith.constant 0 : i32
      %dma_start3A_37 = tpu.memref_slice %arg3[%get3A_4, %dma_start3A_35, %dma_start3A_36] : memref<8x1536x768xf32, #tpu.memory_space<hbm>> -> memref<1x1536x768xf32, #tpu.memory_space<hbm>>
      %dma_start3A_38 = tpu.memref_squeeze %dma_start3A_37 : memref<1x1536x768xf32, #tpu.memory_space<hbm>> -> memref<1536x768xf32, #tpu.memory_space<hbm>>
      tpu.enqueue_dma source(%dma_start3A_38 : memref<1536x768xf32, #tpu.memory_space<hbm>>) target(%dma_start3A_34 : memref<1536x768xf32, #tpu.memory_space<vmem>>) target_semaphore(%arg11 : memref<!tpu.dma_semaphore, #tpu.memory_space<semaphore_mem>>)
      %dma_start3A_39 = arith.constant 0 : i32
      %dma_start3A_40 = arith.constant 0 : i32
      %dma_start3A_41 = arith.constant 0 : i32
      %dma_start3A_42 = tpu.memref_slice %arg7[%dma_start3A_39, %dma_start3A_40, %dma_start3A_41] : memref<2x768x768xf32, #tpu.memory_space<vmem>> -> memref<1x768x768xf32, #tpu.memory_space<vmem>>
      %dma_start3A_43 = tpu.memref_squeeze %dma_start3A_42 : memref<1x768x768xf32, #tpu.memory_space<vmem>> -> memref<768x768xf32, #tpu.memory_space<vmem>>
      %dma_start3A_44 = arith.constant 0 : i32
      %dma_start3A_45 = arith.constant 0 : i32
      %dma_start3A_46 = tpu.memref_slice %arg4[%get3A_4, %dma_start3A_44, %dma_start3A_45] : memref<8x768x768xf32, #tpu.memory_space<hbm>> -> memref<1x768x768xf32, #tpu.memory_space<hbm>>
      %dma_start3A_47 = tpu.memref_squeeze %dma_start3A_46 : memref<1x768x768xf32, #tpu.memory_space<hbm>> -> memref<768x768xf32, #tpu.memory_space<hbm>>
      tpu.enqueue_dma source(%dma_start3A_47 : memref<768x768xf32, #tpu.memory_space<hbm>>) target(%dma_start3A_43 : memref<768x768xf32, #tpu.memory_space<vmem>>) target_semaphore(%arg12 : memref<!tpu.dma_semaphore, #tpu.memory_space<semaphore_mem>>)
      %dma_wait3A = arith.constant 0 : i32
      %dma_wait3A_48 = arith.constant 0 : i32
      %dma_wait3A_49 = arith.constant 0 : i32
      %dma_wait3A_50 = tpu.memref_slice %arg6[%dma_wait3A, %dma_wait3A_48, %dma_wait3A_49] : memref<2x1536x768xf32, #tpu.memory_space<vmem>> -> memref<1x1536x768xf32, #tpu.memory_space<vmem>>
      %dma_wait3A_51 = tpu.memref_squeeze %dma_wait3A_50 : memref<1x1536x768xf32, #tpu.memory_space<vmem>> -> memref<1536x768xf32, #tpu.memory_space<vmem>>
      %dma_wait3A_52 = arith.constant 0 : i32
      %dma_wait3A_53 = arith.constant 0 : i32
      %dma_wait3A_54 = tpu.memref_slice %arg3[%get3A_4, %dma_wait3A_52, %dma_wait3A_53] : memref<8x1536x768xf32, #tpu.memory_space<hbm>> -> memref<1x1536x768xf32, #tpu.memory_space<hbm>>
      %dma_wait3A_55 = tpu.memref_squeeze %dma_wait3A_54 : memref<1x1536x768xf32, #tpu.memory_space<hbm>> -> memref<1536x768xf32, #tpu.memory_space<hbm>>
      tpu.wait_dma2 semaphore(%arg11 : memref<!tpu.dma_semaphore, #tpu.memory_space<semaphore_mem>>) src(%dma_wait3A_55 : memref<1536x768xf32, #tpu.memory_space<hbm>>) dst(%dma_wait3A_51 : memref<1536x768xf32, #tpu.memory_space<vmem>>)
      %dma_wait3A_56 = arith.constant 0 : i32
      %dma_wait3A_57 = arith.constant 0 : i32
      %dma_wait3A_58 = arith.constant 0 : i32
      %dma_wait3A_59 = tpu.memref_slice %arg7[%dma_wait3A_56, %dma_wait3A_57, %dma_wait3A_58] : memref<2x768x768xf32, #tpu.memory_space<vmem>> -> memref<1x768x768xf32, #tpu.memory_space<vmem>>
      %dma_wait3A_60 = tpu.memref_squeeze %dma_wait3A_59 : memref<1x768x768xf32, #tpu.memory_space<vmem>> -> memref<768x768xf32, #tpu.memory_space<vmem>>
      %dma_wait3A_61 = arith.constant 0 : i32
      %dma_wait3A_62 = arith.constant 0 : i32
      %dma_wait3A_63 = tpu.memref_slice %arg4[%get3A_4, %dma_wait3A_61, %dma_wait3A_62] : memref<8x768x768xf32, #tpu.memory_space<hbm>> -> memref<1x768x768xf32, #tpu.memory_space<hbm>>
      %dma_wait3A_64 = tpu.memref_squeeze %dma_wait3A_63 : memref<1x768x768xf32, #tpu.memory_space<hbm>> -> memref<768x768xf32, #tpu.memory_space<hbm>>
      tpu.wait_dma2 semaphore(%arg12 : memref<!tpu.dma_semaphore, #tpu.memory_space<semaphore_mem>>) src(%dma_wait3A_64 : memref<768x768xf32, #tpu.memory_space<hbm>>) dst(%dma_wait3A_60 : memref<768x768xf32, #tpu.memory_space<vmem>>)
      %get3A_65 = arith.constant 0 : index
      %get3A_66 = arith.constant 0 : index
      %get3A_67 = arith.constant 0 : index
      %get3A_68 = vector.load %arg6[%get3A_65, %get3A_66, %get3A_67] : memref<2x1536x768xf32, #tpu.memory_space<vmem>>, vector<1x1536x768xf32>
      %get3A_69 = vector.shape_cast %get3A_68 : vector<1x1536x768xf32> to vector<1536x768xf32>
      %convert_element_type3A_70 = arith.truncf %get3A_69 : vector<1536x768xf32> to vector<1536x768xbf16>
      %swap3A = arith.constant 0 : index
      %swap3A_71 = arith.constant 0 : index
      %swap3A_72 = arith.constant 0 : index
      %swap3A_73 = vector.load %arg8[%swap3A, %swap3A_71, %swap3A_72] : memref<2x1536x768xbf16, #tpu.memory_space<vmem>>, vector<1x1536x768xbf16>
      %swap3A_74 = vector.shape_cast %swap3A_73 : vector<1x1536x768xbf16> to vector<1536x768xbf16>
      %swap3A_75 = vector.shape_cast %convert_element_type3A_70 : vector<1536x768xbf16> to vector<1x1536x768xbf16>
      tpu.vector_store %arg8[%swap3A, %swap3A_71, %swap3A_72], %swap3A_75 {strides = array<i32>} : memref<2x1536x768xbf16, #tpu.memory_space<vmem>>, vector<1x1536x768xbf16>,
      %get3A_76 = arith.constant 0 : index
      %get3A_77 = arith.constant 0 : index
      %get3A_78 = arith.constant 0 : index
      %get3A_79 = vector.load %arg7[%get3A_76, %get3A_77, %get3A_78] : memref<2x768x768xf32, #tpu.memory_space<vmem>>, vector<1x768x768xf32>
      %get3A_80 = vector.shape_cast %get3A_79 : vector<1x768x768xf32> to vector<768x768xf32>
      %convert_element_type3A_81 = arith.truncf %get3A_80 : vector<768x768xf32> to vector<768x768xbf16>
      %swap3A_82 = arith.constant 0 : index
      %swap3A_83 = arith.constant 0 : index
      %swap3A_84 = arith.constant 0 : index
      %swap3A_85 = vector.load %arg9[%swap3A_82, %swap3A_83, %swap3A_84] : memref<2x768x768xbf16, #tpu.memory_space<vmem>>, vector<1x768x768xbf16>
      %swap3A_86 = vector.shape_cast %swap3A_85 : vector<1x768x768xbf16> to vector<768x768xbf16>
      %swap3A_87 = vector.shape_cast %convert_element_type3A_81 : vector<768x768xbf16> to vector<1x768x768xbf16>
      tpu.vector_store %arg9[%swap3A_82, %swap3A_83, %swap3A_84], %swap3A_87 {strides = array<i32>} : memref<2x768x768xbf16, #tpu.memory_space<vmem>>, vector<1x768x768xbf16>,
      %swap3A_88 = arith.constant 0 : i32
      %swap3A_89 = arith.constant 0 : index
      %swap3A_90 = memref.load %arg10[%swap3A_89] : memref<1xi32, #tpu.memory_space<smem>>
      memref.store %swap3A_88, %arg10[%swap3A_89] : memref<1xi32, #tpu.memory_space<smem>>
    } else {
    }
    %gt3A = arith.constant 0 : i32
    %gt3A_16 = arith.cmpi sgt, %arg0, %gt3A : i32
    %and3A = arith.andi %lt3A, %gt3A_16 : i1
    %ne3A = arith.cmpi ne, %get3A_4, %get3A_8 : i32
    %and3A_17 = arith.andi %and3A, %ne3A : i1
    %convert_element_type3A_18 = arith.extui %and3A_17 : i1 to i32
    %cond3A_19 = arith.constant 0 : i32
    %cond3A_20 = arith.cmpi ne, %convert_element_type3A_18, %cond3A_19 : i32
    scf.if %cond3A_20 {
      %get3A_31 = arith.constant 0 : index
      %get3A_32 = memref.load %arg10[%get3A_31] : memref<1xi32, #tpu.memory_space<smem>>
      %sub3A_33 = arith.constant 1 : i32
      %sub3A_34 = arith.subi %sub3A_33, %get3A_32 : i32
      %dma_wait3A = arith.constant 0 : i32
      %dma_wait3A_35 = arith.constant 0 : i32
      %dma_wait3A_36 = tpu.memref_slice %arg6[%sub3A_34, %dma_wait3A, %dma_wait3A_35] : memref<2x1536x768xf32, #tpu.memory_space<vmem>> -> memref<1x1536x768xf32, #tpu.memory_space<vmem>>
      %dma_wait3A_37 = tpu.memref_squeeze %dma_wait3A_36 : memref<1x1536x768xf32, #tpu.memory_space<vmem>> -> memref<1536x768xf32, #tpu.memory_space<vmem>>
      %dma_wait3A_38 = arith.constant 0 : i32
      %dma_wait3A_39 = arith.constant 0 : i32
      %dma_wait3A_40 = tpu.memref_slice %arg3[%get3A_4, %dma_wait3A_38, %dma_wait3A_39] : memref<8x1536x768xf32, #tpu.memory_space<hbm>> -> memref<1x1536x768xf32, #tpu.memory_space<hbm>>
      %dma_wait3A_41 = tpu.memref_squeeze %dma_wait3A_40 : memref<1x1536x768xf32, #tpu.memory_space<hbm>> -> memref<1536x768xf32, #tpu.memory_space<hbm>>
      tpu.wait_dma2 semaphore(%arg11 : memref<!tpu.dma_semaphore, #tpu.memory_space<semaphore_mem>>) src(%dma_wait3A_41 : memref<1536x768xf32, #tpu.memory_space<hbm>>) dst(%dma_wait3A_37 : memref<1536x768xf32, #tpu.memory_space<vmem>>)
      %dma_wait3A_42 = arith.constant 0 : i32
      %dma_wait3A_43 = arith.constant 0 : i32
      %dma_wait3A_44 = tpu.memref_slice %arg7[%sub3A_34, %dma_wait3A_42, %dma_wait3A_43] : memref<2x768x768xf32, #tpu.memory_space<vmem>> -> memref<1x768x768xf32, #tpu.memory_space<vmem>>
      %dma_wait3A_45 = tpu.memref_squeeze %dma_wait3A_44 : memref<1x768x768xf32, #tpu.memory_space<vmem>> -> memref<768x768xf32, #tpu.memory_space<vmem>>
      %dma_wait3A_46 = arith.constant 0 : i32
      %dma_wait3A_47 = arith.constant 0 : i32
      %dma_wait3A_48 = tpu.memref_slice %arg4[%get3A_4, %dma_wait3A_46, %dma_wait3A_47] : memref<8x768x768xf32, #tpu.memory_space<hbm>> -> memref<1x768x768xf32, #tpu.memory_space<hbm>>
      %dma_wait3A_49 = tpu.memref_squeeze %dma_wait3A_48 : memref<1x768x768xf32, #tpu.memory_space<hbm>> -> memref<768x768xf32, #tpu.memory_space<hbm>>
      tpu.wait_dma2 semaphore(%arg12 : memref<!tpu.dma_semaphore, #tpu.memory_space<semaphore_mem>>) src(%dma_wait3A_49 : memref<768x768xf32, #tpu.memory_space<hbm>>) dst(%dma_wait3A_45 : memref<768x768xf32, #tpu.memory_space<vmem>>)
      %get3A_50 = arith.index_cast %sub3A_34 : i32 to index
      %get3A_51 = arith.constant 0 : index
      %get3A_52 = arith.constant 0 : index
      %get3A_53 = vector.load %arg6[%get3A_50, %get3A_51, %get3A_52] : memref<2x1536x768xf32, #tpu.memory_space<vmem>>, vector<1x1536x768xf32>
      %get3A_54 = vector.shape_cast %get3A_53 : vector<1x1536x768xf32> to vector<1536x768xf32>
      %convert_element_type3A_55 = arith.truncf %get3A_54 : vector<1536x768xf32> to vector<1536x768xbf16>
      %swap3A = arith.index_cast %sub3A_34 : i32 to index
      %swap3A_56 = arith.constant 0 : index
      %swap3A_57 = arith.constant 0 : index
      %swap3A_58 = vector.load %arg8[%swap3A, %swap3A_56, %swap3A_57] : memref<2x1536x768xbf16, #tpu.memory_space<vmem>>, vector<1x1536x768xbf16>
      %swap3A_59 = vector.shape_cast %swap3A_58 : vector<1x1536x768xbf16> to vector<1536x768xbf16>
      %swap3A_60 = vector.shape_cast %convert_element_type3A_55 : vector<1536x768xbf16> to vector<1x1536x768xbf16>
      tpu.vector_store %arg8[%swap3A, %swap3A_56, %swap3A_57], %swap3A_60 {strides = array<i32>} : memref<2x1536x768xbf16, #tpu.memory_space<vmem>>, vector<1x1536x768xbf16>,
      %get3A_61 = arith.index_cast %sub3A_34 : i32 to index
      %get3A_62 = arith.constant 0 : index
      %get3A_63 = arith.constant 0 : index
      %get3A_64 = vector.load %arg7[%get3A_61, %get3A_62, %get3A_63] : memref<2x768x768xf32, #tpu.memory_space<vmem>>, vector<1x768x768xf32>
      %get3A_65 = vector.shape_cast %get3A_64 : vector<1x768x768xf32> to vector<768x768xf32>
      %convert_element_type3A_66 = arith.truncf %get3A_65 : vector<768x768xf32> to vector<768x768xbf16>
      %swap3A_67 = arith.index_cast %sub3A_34 : i32 to index
      %swap3A_68 = arith.constant 0 : index
      %swap3A_69 = arith.constant 0 : index
      %swap3A_70 = vector.load %arg9[%swap3A_67, %swap3A_68, %swap3A_69] : memref<2x768x768xbf16, #tpu.memory_space<vmem>>, vector<1x768x768xbf16>
      %swap3A_71 = vector.shape_cast %swap3A_70 : vector<1x768x768xbf16> to vector<768x768xbf16>
      %swap3A_72 = vector.shape_cast %convert_element_type3A_66 : vector<768x768xbf16> to vector<1x768x768xbf16>
      tpu.vector_store %arg9[%swap3A_67, %swap3A_68, %swap3A_69], %swap3A_72 {strides = array<i32>} : memref<2x768x768xbf16, #tpu.memory_space<vmem>>, vector<1x768x768xbf16>,
      %swap3A_73 = arith.constant 0 : index
      %swap3A_74 = memref.load %arg10[%swap3A_73] : memref<1xi32, #tpu.memory_space<smem>>
      memref.store %sub3A_34, %arg10[%swap3A_73] : memref<1xi32, #tpu.memory_space<smem>>
    } else {
    }
    %get3A_21 = arith.constant 0 : index
    %get3A_22 = memref.load %arg10[%get3A_21] : memref<1xi32, #tpu.memory_space<smem>>
    %ne3A_23 = arith.cmpi ne, %get3A_13, %get3A_4 : i32
    %and3A_24 = arith.andi %lt3A_2, %ne3A_23 : i1
    %convert_element_type3A_25 = arith.extui %and3A_24 : i1 to i32
    %cond3A_26 = arith.constant 0 : i32
    %cond3A_27 = arith.cmpi ne, %convert_element_type3A_25, %cond3A_26 : i32
    scf.if %cond3A_27 {
      %sub3A_31 = arith.constant 1 : i32
      %sub3A_32 = arith.subi %sub3A_31, %get3A_22 : i32
      %dma_start3A = arith.constant 0 : i32
      %dma_start3A_33 = arith.constant 0 : i32
      %dma_start3A_34 = tpu.memref_slice %arg6[%sub3A_32, %dma_start3A, %dma_start3A_33] : memref<2x1536x768xf32, #tpu.memory_space<vmem>> -> memref<1x1536x768xf32, #tpu.memory_space<vmem>>
      %dma_start3A_35 = tpu.memref_squeeze %dma_start3A_34 : memref<1x1536x768xf32, #tpu.memory_space<vmem>> -> memref<1536x768xf32, #tpu.memory_space<vmem>>
      %dma_start3A_36 = arith.constant 0 : i32
      %dma_start3A_37 = arith.constant 0 : i32
      %dma_start3A_38 = tpu.memref_slice %arg3[%get3A_13, %dma_start3A_36, %dma_start3A_37] : memref<8x1536x768xf32, #tpu.memory_space<hbm>> -> memref<1x1536x768xf32, #tpu.memory_space<hbm>>
      %dma_start3A_39 = tpu.memref_squeeze %dma_start3A_38 : memref<1x1536x768xf32, #tpu.memory_space<hbm>> -> memref<1536x768xf32, #tpu.memory_space<hbm>>
      tpu.enqueue_dma source(%dma_start3A_39 : memref<1536x768xf32, #tpu.memory_space<hbm>>) target(%dma_start3A_35 : memref<1536x768xf32, #tpu.memory_space<vmem>>) target_semaphore(%arg11 : memref<!tpu.dma_semaphore, #tpu.memory_space<semaphore_mem>>)
      %dma_start3A_40 = arith.constant 0 : i32
      %dma_start3A_41 = arith.constant 0 : i32
      %dma_start3A_42 = tpu.memref_slice %arg7[%sub3A_32, %dma_start3A_40, %dma_start3A_41] : memref<2x768x768xf32, #tpu.memory_space<vmem>> -> memref<1x768x768xf32, #tpu.memory_space<vmem>>
      %dma_start3A_43 = tpu.memref_squeeze %dma_start3A_42 : memref<1x768x768xf32, #tpu.memory_space<vmem>> -> memref<768x768xf32, #tpu.memory_space<vmem>>
      %dma_start3A_44 = arith.constant 0 : i32
      %dma_start3A_45 = arith.constant 0 : i32
      %dma_start3A_46 = tpu.memref_slice %arg4[%get3A_13, %dma_start3A_44, %dma_start3A_45] : memref<8x768x768xf32, #tpu.memory_space<hbm>> -> memref<1x768x768xf32, #tpu.memory_space<hbm>>
      %dma_start3A_47 = tpu.memref_squeeze %dma_start3A_46 : memref<1x768x768xf32, #tpu.memory_space<hbm>> -> memref<768x768xf32, #tpu.memory_space<hbm>>
      tpu.enqueue_dma source(%dma_start3A_47 : memref<768x768xf32, #tpu.memory_space<hbm>>) target(%dma_start3A_43 : memref<768x768xf32, #tpu.memory_space<vmem>>) target_semaphore(%arg12 : memref<!tpu.dma_semaphore, #tpu.memory_space<semaphore_mem>>)
    } else {
    }
    %convert_element_type3A_28 = arith.extui %lt3A : i1 to i32
    %cond3A_29 = arith.constant 0 : i32
    %cond3A_30 = arith.cmpi ne, %convert_element_type3A_28, %cond3A_29 : i32
    scf.if %cond3A_30 {
      %get3A_31 = arith.constant 0 : index
      %get3A_32 = arith.constant 0 : index
      %get3A_33 = vector.load %arg2[%get3A_31, %get3A_32] : memref<512x768xf32, #tpu.memory_space<vmem>>, vector<512x768xf32>
      %convert_element_type3A_34 = arith.truncf %get3A_33 : vector<512x768xf32> to vector<512x768xbf16>
      %get3A_35 = arith.index_cast %get3A_22 : i32 to index
      %get3A_36 = arith.constant 0 : index
      %get3A_37 = arith.constant 0 : index
      %get3A_38 = vector.load %arg8[%get3A_35, %get3A_36, %get3A_37] : memref<2x1536x768xbf16, #tpu.memory_space<vmem>>, vector<1x1536x768xbf16>
      %get3A_39 = vector.shape_cast %get3A_38 : vector<1x1536x768xbf16> to vector<1536x768xbf16>
      %dot_general3A = arith.constant dense<0.000000e+00> : vector<512x1536xf32>
      %dot_general3A_40 = tpu.matmul %convert_element_type3A_34, %get3A_39, %dot_general3A {dimension_numbers = #tpu.dot_dimension_numbers<[1], [1], [0], [0], [0, 0, 1, 0], [], []>, transpose_lhs_hint = false} : vector<512x768xbf16>, vector<1536x768xbf16>, vector<512x1536xf32> -> vector<512x1536xf32>
      %slice3A = vector.extract_strided_slice %dot_general3A_40 {offsets = [0, 0], sizes = [512, 768], strides = [1, 1]} : vector<512x1536xf32> to vector<512x768xf32>
      %slice3A_41 = vector.extract_strided_slice %dot_general3A_40 {offsets = [0, 768], sizes = [512, 768], strides = [1, 1]} : vector<512x1536xf32> to vector<512x768xf32>
      %logistic3A = arith.negf %slice3A : vector<512x768xf32>
      %logistic3A_42 = math.exp %logistic3A : vector<512x768xf32>
      %logistic3A_43 = arith.constant 1.000000e+00 : f32
      %logistic3A_44 = vector.broadcast %logistic3A_43 : f32 to vector<512x768xf32>
      %logistic3A_45 = arith.addf %logistic3A_44, %logistic3A_42 : vector<512x768xf32>
      %logistic3A_46 = arith.divf %logistic3A_44, %logistic3A_45 : vector<512x768xf32>
      %mul3A = arith.mulf %slice3A, %logistic3A_46 : vector<512x768xf32>
      %mul3A_47 = arith.mulf %mul3A, %slice3A_41 : vector<512x768xf32>
      %convert_element_type3A_48 = arith.truncf %mul3A_47 : vector<512x768xf32> to vector<512x768xbf16>
      %get3A_49 = arith.index_cast %get3A_22 : i32 to index
      %get3A_50 = arith.constant 0 : index
      %get3A_51 = arith.constant 0 : index
      %get3A_52 = vector.load %arg9[%get3A_49, %get3A_50, %get3A_51] : memref<2x768x768xbf16, #tpu.memory_space<vmem>>, vector<1x768x768xbf16>
      %get3A_53 = vector.shape_cast %get3A_52 : vector<1x768x768xbf16> to vector<768x768xbf16>
      %dot_general3A_54 = arith.constant dense<0.000000e+00> : vector<512x768xf32>
      %dot_general3A_55 = tpu.matmul %convert_element_type3A_48, %get3A_53, %dot_general3A_54 {dimension_numbers = #tpu.dot_dimension_numbers<[1], [1], [0], [0], [0, 0, 1, 0], [], []>, transpose_lhs_hint = false} : vector<512x768xbf16>, vector<768x768xbf16>, vector<512x768xf32> -> vector<512x768xf32>
      %swap3A = arith.constant 0 : index
      %swap3A_56 = arith.constant 0 : index
      %swap3A_57 = vector.load %arg5[%swap3A, %swap3A_56] : memref<512x768xf32, #tpu.memory_space<vmem>>, vector<512x768xf32>
      tpu.vector_store %arg5[%swap3A, %swap3A_56], %dot_general3A_55 {strides = array<i32>} : memref<512x768xf32, #tpu.memory_space<vmem>>, vector<512x768xf32>,
    } else {
    }
    return
  }
  func.func @transform_0(%arg0: i32, %arg1: memref<24xi32, #tpu.memory_space<smem>>) -> (i32, i32) {
    %c0_i32 = arith.constant 0 : i32
    %c0_i32_0 = arith.constant 0 : i32
    return %arg0, %c0_i32 : i32, i32
  }
  func.func @transform_3(%arg0: i32, %arg1: memref<24xi32, #tpu.memory_space<smem>>) -> (i32, i32) {
    %c0_i32 = arith.constant 0 : i32
    %c0_i32_0 = arith.constant 0 : i32
    return %arg0, %c0_i32 : i32, i32
  }
}

module attributes {stable_mosaic.version = 14 : i64} {
  func.func @_dispatch_body(%arg0: i32, %arg1: memref<2048x768xf32, #tpu.memory_space<vmem>>, %arg2: memref<8x768xf32, #tpu.memory_space<vmem>>, %arg3: memref<4096x1xi32, #tpu.memory_space<vmem>>, %arg4: memref<4096x16xf32, #tpu.memory_space<vmem>>, %arg5: memref<24x1xi32, #tpu.memory_space<vmem>>) attributes {dimension_semantics = [#tpu.dimension_semantics<arbitrary>], iteration_bounds = array<i64: 1>, scalar_prefetch = 0 : i64, scratch_operands = 0 : i64, tpu.core_type = #tpu.core_type<tc>, window_params = [{pipeline_mode = #tpu.pipeline_mode<synchronous>, transform_indices = @transform_0, window_bounds = array<i64: 2048, 768>}, {pipeline_mode = #tpu.pipeline_mode<synchronous>, transform_indices = @transform_1, window_bounds = array<i64: 8, 768>}, {pipeline_mode = #tpu.pipeline_mode<synchronous>, transform_indices = @transform_2, window_bounds = array<i64: 4096, 1>}, {pipeline_mode = #tpu.pipeline_mode<synchronous>, transform_indices = @transform_3, window_bounds = array<i64: 4096, 16>}, {pipeline_mode = #tpu.pipeline_mode<synchronous>, transform_indices = @transform_4, window_bounds = array<i64: 24, 1>}]} {
    %get3A = arith.constant 0 : index
    %get3A_0 = arith.constant 0 : index
    %get3A_1 = vector.load %arg1[%get3A, %get3A_0] : memref<2048x768xf32, #tpu.memory_space<vmem>>, vector<2048x768xf32>
    %get3A_2 = arith.constant 0 : index
    %get3A_3 = arith.constant 0 : index
    %get3A_4 = vector.load %arg2[%get3A_2, %get3A_3] : memref<8x768xf32, #tpu.memory_space<vmem>>, vector<8x768xf32>
    %dot_general3A = arith.constant dense<0.000000e+00> : vector<2048x8xf32>
    %dot_general3A_5 = tpu.matmul %get3A_1, %get3A_4, %dot_general3A {dimension_numbers = #tpu.dot_dimension_numbers<[1], [1], [0], [0], [0, 0, 1, 0], [], []>, transpose_lhs_hint = false} : vector<2048x768xf32>, vector<8x768xf32>, vector<2048x8xf32> -> vector<2048x8xf32>
    %iota3A = tpu.iota {dimensions = array<i32: 1>} : vector<2048x8xi32>
    %reduce_max3A = arith.constant dense<0xFF800000> : vector<2048xf32>
    %reduce_max3A_6 = vector.multi_reduction <maximumf>, %dot_general3A_5, %reduce_max3A [1] : vector<2048x8xf32> to vector<2048xf32>
    %broadcast_in_dim3A = vector.shape_cast %reduce_max3A_6 : vector<2048xf32> to vector<2048x1xf32>
    %eq3A = vector.broadcast %broadcast_in_dim3A : vector<2048x1xf32> to vector<2048x8xf32>
    %eq3A_7 = arith.cmpf oeq, %dot_general3A_5, %eq3A : vector<2048x8xf32>
    %jit3A = arith.constant 8 : i32
    %broadcast_in_dim3A_8 = vector.broadcast %jit3A : i32 to vector<2048x8xi32>
    %select_n3A = arith.select %eq3A_7, %iota3A, %broadcast_in_dim3A_8 : vector<2048x8xi1>, vector<2048x8xi32>
    %reduce_min3A = arith.constant dense<2147483647> : vector<2048xi32>
    %reduce_min3A_9 = vector.multi_reduction <minsi>, %select_n3A, %reduce_min3A [1] : vector<2048x8xi32> to vector<2048xi32>
    %broadcast_in_dim3A_10 = vector.shape_cast %reduce_min3A_9 : vector<2048xi32> to vector<2048x1xi32>
    %eq3A_11 = vector.broadcast %broadcast_in_dim3A_10 : vector<2048x1xi32> to vector<2048x8xi32>
    %eq3A_12 = arith.cmpi eq, %iota3A, %eq3A_11 : vector<2048x8xi32>
    %jit3A_13 = arith.constant 0xFF800000 : f32
    %broadcast_in_dim3A_14 = vector.broadcast %jit3A_13 : f32 to vector<2048x8xf32>
    %select_n3A_15 = arith.select %eq3A_12, %broadcast_in_dim3A_14, %dot_general3A_5 : vector<2048x8xi1>, vector<2048x8xf32>
    %reduce_max3A_16 = arith.constant dense<0xFF800000> : vector<2048xf32>
    %reduce_max3A_17 = vector.multi_reduction <maximumf>, %select_n3A_15, %reduce_max3A_16 [1] : vector<2048x8xf32> to vector<2048xf32>
    %broadcast_in_dim3A_18 = vector.shape_cast %reduce_max3A_17 : vector<2048xf32> to vector<2048x1xf32>
    %eq3A_19 = vector.broadcast %broadcast_in_dim3A_18 : vector<2048x1xf32> to vector<2048x8xf32>
    %eq3A_20 = arith.cmpf oeq, %select_n3A_15, %eq3A_19 : vector<2048x8xf32>
    %jit3A_21 = arith.constant 8 : i32
    %broadcast_in_dim3A_22 = vector.broadcast %jit3A_21 : i32 to vector<2048x8xi32>
    %select_n3A_23 = arith.select %eq3A_20, %iota3A, %broadcast_in_dim3A_22 : vector<2048x8xi1>, vector<2048x8xi32>
    %reduce_min3A_24 = arith.constant dense<2147483647> : vector<2048xi32>
    %reduce_min3A_25 = vector.multi_reduction <minsi>, %select_n3A_23, %reduce_min3A_24 [1] : vector<2048x8xi32> to vector<2048xi32>
    %broadcast_in_dim3A_26 = vector.shape_cast %reduce_min3A_25 : vector<2048xi32> to vector<2048x1xi32>
    %eq3A_27 = vector.broadcast %broadcast_in_dim3A_26 : vector<2048x1xi32> to vector<2048x8xi32>
    %eq3A_28 = arith.cmpi eq, %iota3A, %eq3A_27 : vector<2048x8xi32>
    %sub3A = arith.subf %broadcast_in_dim3A_18, %broadcast_in_dim3A : vector<2048x1xf32>
    %exp3A = math.exp %sub3A : vector<2048x1xf32>
    %add3A = arith.constant 1.000000e+00 : f32
    %add3A_29 = vector.broadcast %add3A : f32 to vector<2048x1xf32>
    %add3A_30 = arith.addf %add3A_29, %exp3A : vector<2048x1xf32>
    %div3A = arith.constant 1.000000e+00 : f32
    %div3A_31 = vector.broadcast %div3A : f32 to vector<2048x1xf32>
    %div3A_32 = arith.divf %div3A_31, %add3A_30 : vector<2048x1xf32>
    %broadcast_in_dim3A_33 = vector.shape_cast %div3A_32 : vector<2048x1xf32> to vector<2048x1xf32>
    %broadcast_in_dim3A_34 = vector.broadcast %broadcast_in_dim3A_33 : vector<2048x1xf32> to vector<2048x16xf32>
    %swap3A = arith.constant 0 : index
    %swap3A_35 = arith.constant 0 : index
    %swap3A_36 = vector.load %arg4[%swap3A, %swap3A_35] : memref<4096x16xf32, #tpu.memory_space<vmem>>, vector<2048x16xf32>
    tpu.vector_store %arg4[%swap3A, %swap3A_35], %broadcast_in_dim3A_34 {strides = array<i32>} : memref<4096x16xf32, #tpu.memory_space<vmem>>, vector<2048x16xf32>,
    %add3A_37 = arith.constant 1.000000e+00 : f32
    %add3A_38 = vector.broadcast %add3A_37 : f32 to vector<2048x1xf32>
    %add3A_39 = arith.addf %add3A_38, %exp3A : vector<2048x1xf32>
    %div3A_40 = arith.divf %exp3A, %add3A_39 : vector<2048x1xf32>
    %broadcast_in_dim3A_41 = vector.shape_cast %div3A_40 : vector<2048x1xf32> to vector<2048x1xf32>
    %broadcast_in_dim3A_42 = vector.broadcast %broadcast_in_dim3A_41 : vector<2048x1xf32> to vector<2048x16xf32>
    %swap3A_43 = arith.constant 2048 : index
    %swap3A_44 = arith.constant 0 : index
    %swap3A_45 = vector.load %arg4[%swap3A_43, %swap3A_44] : memref<4096x16xf32, #tpu.memory_space<vmem>>, vector<2048x16xf32>
    tpu.vector_store %arg4[%swap3A_43, %swap3A_44], %broadcast_in_dim3A_42 {strides = array<i32>} : memref<4096x16xf32, #tpu.memory_space<vmem>>, vector<2048x16xf32>,
    %convert_element_type3A = arith.extui %eq3A_12 : vector<2048x8xi1> to vector<2048x8xi32>
    %convert_element_type3A_46 = arith.sitofp %convert_element_type3A : vector<2048x8xi32> to vector<2048x8xf32>
    %convert_element_type3A_47 = arith.extui %eq3A_28 : vector<2048x8xi1> to vector<2048x8xi32>
    %convert_element_type3A_48 = arith.sitofp %convert_element_type3A_47 : vector<2048x8xi32> to vector<2048x8xf32>
    %concatenate3A = tpu.concatenate %convert_element_type3A_46, %convert_element_type3A_48 in 0 : vector<2048x8xf32>, vector<2048x8xf32> -> vector<4096x8xf32>
    %iota3A_49 = tpu.iota {dimensions = array<i32: 0>} : vector<512x512xi32>
    %iota3A_50 = tpu.iota {dimensions = array<i32: 1>} : vector<512x512xi32>
    %ge3A = arith.cmpi sge, %iota3A_49, %iota3A_50 : vector<512x512xi32>
    %convert_element_type3A_51 = arith.extui %ge3A : vector<512x512xi1> to vector<512x512xi32>
    %convert_element_type3A_52 = arith.sitofp %convert_element_type3A_51 : vector<512x512xi32> to vector<512x512xf32>
    %broadcast_in_dim3A_53 = arith.constant 0.000000e+00 : f32
    %broadcast_in_dim3A_54 = vector.broadcast %broadcast_in_dim3A_53 : f32 to vector<1x8xf32>
    %slice3A = vector.extract_strided_slice %concatenate3A {offsets = [0, 0], sizes = [512, 8], strides = [1, 1]} : vector<4096x8xf32> to vector<512x8xf32>
    %dot_general3A_55 = arith.constant dense<0.000000e+00> : vector<512x8xf32>
    %dot_general3A_56 = tpu.matmul %convert_element_type3A_52, %slice3A, %dot_general3A_55 {dimension_numbers = #tpu.dot_dimension_numbers<[1], [0], [0], [1], [0, 0, 1, 1], [], []>, transpose_lhs_hint = false} : vector<512x512xf32>, vector<512x8xf32>, vector<512x8xf32> -> vector<512x8xf32>
    %add3A_57 = vector.broadcast %broadcast_in_dim3A_54 : vector<1x8xf32> to vector<512x8xf32>
    %add3A_58 = arith.addf %dot_general3A_56, %add3A_57 : vector<512x8xf32>
    %slice3A_59 = vector.extract_strided_slice %add3A_58 {offsets = [511, 0], sizes = [1, 8], strides = [1, 1]} : vector<512x8xf32> to vector<1x8xf32>
    %slice3A_60 = vector.extract_strided_slice %concatenate3A {offsets = [512, 0], sizes = [512, 8], strides = [1, 1]} : vector<4096x8xf32> to vector<512x8xf32>
    %dot_general3A_61 = arith.constant dense<0.000000e+00> : vector<512x8xf32>
    %dot_general3A_62 = tpu.matmul %convert_element_type3A_52, %slice3A_60, %dot_general3A_61 {dimension_numbers = #tpu.dot_dimension_numbers<[1], [0], [0], [1], [0, 0, 1, 1], [], []>, transpose_lhs_hint = false} : vector<512x512xf32>, vector<512x8xf32>, vector<512x8xf32> -> vector<512x8xf32>
    %add3A_63 = vector.broadcast %slice3A_59 : vector<1x8xf32> to vector<512x8xf32>
    %add3A_64 = arith.addf %dot_general3A_62, %add3A_63 : vector<512x8xf32>
    %slice3A_65 = vector.extract_strided_slice %add3A_64 {offsets = [511, 0], sizes = [1, 8], strides = [1, 1]} : vector<512x8xf32> to vector<1x8xf32>
    %slice3A_66 = vector.extract_strided_slice %concatenate3A {offsets = [1024, 0], sizes = [512, 8], strides = [1, 1]} : vector<4096x8xf32> to vector<512x8xf32>
    %dot_general3A_67 = arith.constant dense<0.000000e+00> : vector<512x8xf32>
    %dot_general3A_68 = tpu.matmul %convert_element_type3A_52, %slice3A_66, %dot_general3A_67 {dimension_numbers = #tpu.dot_dimension_numbers<[1], [0], [0], [1], [0, 0, 1, 1], [], []>, transpose_lhs_hint = false} : vector<512x512xf32>, vector<512x8xf32>, vector<512x8xf32> -> vector<512x8xf32>
    %add3A_69 = vector.broadcast %slice3A_65 : vector<1x8xf32> to vector<512x8xf32>
    %add3A_70 = arith.addf %dot_general3A_68, %add3A_69 : vector<512x8xf32>
    %slice3A_71 = vector.extract_strided_slice %add3A_70 {offsets = [511, 0], sizes = [1, 8], strides = [1, 1]} : vector<512x8xf32> to vector<1x8xf32>
    %slice3A_72 = vector.extract_strided_slice %concatenate3A {offsets = [1536, 0], sizes = [512, 8], strides = [1, 1]} : vector<4096x8xf32> to vector<512x8xf32>
    %dot_general3A_73 = arith.constant dense<0.000000e+00> : vector<512x8xf32>
    %dot_general3A_74 = tpu.matmul %convert_element_type3A_52, %slice3A_72, %dot_general3A_73 {dimension_numbers = #tpu.dot_dimension_numbers<[1], [0], [0], [1], [0, 0, 1, 1], [], []>, transpose_lhs_hint = false} : vector<512x512xf32>, vector<512x8xf32>, vector<512x8xf32> -> vector<512x8xf32>
    %add3A_75 = vector.broadcast %slice3A_71 : vector<1x8xf32> to vector<512x8xf32>
    %add3A_76 = arith.addf %dot_general3A_74, %add3A_75 : vector<512x8xf32>
    %slice3A_77 = vector.extract_strided_slice %add3A_76 {offsets = [511, 0], sizes = [1, 8], strides = [1, 1]} : vector<512x8xf32> to vector<1x8xf32>
    %slice3A_78 = vector.extract_strided_slice %concatenate3A {offsets = [2048, 0], sizes = [512, 8], strides = [1, 1]} : vector<4096x8xf32> to vector<512x8xf32>
    %dot_general3A_79 = arith.constant dense<0.000000e+00> : vector<512x8xf32>
    %dot_general3A_80 = tpu.matmul %convert_element_type3A_52, %slice3A_78, %dot_general3A_79 {dimension_numbers = #tpu.dot_dimension_numbers<[1], [0], [0], [1], [0, 0, 1, 1], [], []>, transpose_lhs_hint = false} : vector<512x512xf32>, vector<512x8xf32>, vector<512x8xf32> -> vector<512x8xf32>
    %add3A_81 = vector.broadcast %slice3A_77 : vector<1x8xf32> to vector<512x8xf32>
    %add3A_82 = arith.addf %dot_general3A_80, %add3A_81 : vector<512x8xf32>
    %slice3A_83 = vector.extract_strided_slice %add3A_82 {offsets = [511, 0], sizes = [1, 8], strides = [1, 1]} : vector<512x8xf32> to vector<1x8xf32>
    %slice3A_84 = vector.extract_strided_slice %concatenate3A {offsets = [2560, 0], sizes = [512, 8], strides = [1, 1]} : vector<4096x8xf32> to vector<512x8xf32>
    %dot_general3A_85 = arith.constant dense<0.000000e+00> : vector<512x8xf32>
    %dot_general3A_86 = tpu.matmul %convert_element_type3A_52, %slice3A_84, %dot_general3A_85 {dimension_numbers = #tpu.dot_dimension_numbers<[1], [0], [0], [1], [0, 0, 1, 1], [], []>, transpose_lhs_hint = false} : vector<512x512xf32>, vector<512x8xf32>, vector<512x8xf32> -> vector<512x8xf32>
    %add3A_87 = vector.broadcast %slice3A_83 : vector<1x8xf32> to vector<512x8xf32>
    %add3A_88 = arith.addf %dot_general3A_86, %add3A_87 : vector<512x8xf32>
    %slice3A_89 = vector.extract_strided_slice %add3A_88 {offsets = [511, 0], sizes = [1, 8], strides = [1, 1]} : vector<512x8xf32> to vector<1x8xf32>
    %slice3A_90 = vector.extract_strided_slice %concatenate3A {offsets = [3072, 0], sizes = [512, 8], strides = [1, 1]} : vector<4096x8xf32> to vector<512x8xf32>
    %dot_general3A_91 = arith.constant dense<0.000000e+00> : vector<512x8xf32>
    %dot_general3A_92 = tpu.matmul %convert_element_type3A_52, %slice3A_90, %dot_general3A_91 {dimension_numbers = #tpu.dot_dimension_numbers<[1], [0], [0], [1], [0, 0, 1, 1], [], []>, transpose_lhs_hint = false} : vector<512x512xf32>, vector<512x8xf32>, vector<512x8xf32> -> vector<512x8xf32>
    %add3A_93 = vector.broadcast %slice3A_89 : vector<1x8xf32> to vector<512x8xf32>
    %add3A_94 = arith.addf %dot_general3A_92, %add3A_93 : vector<512x8xf32>
    %slice3A_95 = vector.extract_strided_slice %add3A_94 {offsets = [511, 0], sizes = [1, 8], strides = [1, 1]} : vector<512x8xf32> to vector<1x8xf32>
    %slice3A_96 = vector.extract_strided_slice %concatenate3A {offsets = [3584, 0], sizes = [512, 8], strides = [1, 1]} : vector<4096x8xf32> to vector<512x8xf32>
    %dot_general3A_97 = arith.constant dense<0.000000e+00> : vector<512x8xf32>
    %dot_general3A_98 = tpu.matmul %convert_element_type3A_52, %slice3A_96, %dot_general3A_97 {dimension_numbers = #tpu.dot_dimension_numbers<[1], [0], [0], [1], [0, 0, 1, 1], [], []>, transpose_lhs_hint = false} : vector<512x512xf32>, vector<512x8xf32>, vector<512x8xf32> -> vector<512x8xf32>
    %add3A_99 = vector.broadcast %slice3A_95 : vector<1x8xf32> to vector<512x8xf32>
    %add3A_100 = arith.addf %dot_general3A_98, %add3A_99 : vector<512x8xf32>
    %concatenate3A_101 = tpu.concatenate %add3A_58, %add3A_64, %add3A_70, %add3A_76, %add3A_82, %add3A_88, %add3A_94, %add3A_100 in 0 : vector<512x8xf32>, vector<512x8xf32>, vector<512x8xf32>, vector<512x8xf32>, vector<512x8xf32>, vector<512x8xf32>, vector<512x8xf32>, vector<512x8xf32> -> vector<4096x8xf32>
    %slice3A_102 = vector.extract_strided_slice %concatenate3A_101 {offsets = [4095, 0], sizes = [1, 8], strides = [1, 1]} : vector<4096x8xf32> to vector<1x8xf32>
    %add3A_103 = arith.constant 5.110000e+02 : f32
    %add3A_104 = vector.broadcast %add3A_103 : f32 to vector<1x8xf32>
    %add3A_105 = arith.addf %slice3A_102, %add3A_104 : vector<1x8xf32>
    %mul3A = arith.constant 0.001953125 : f32
    %mul3A_106 = vector.broadcast %mul3A : f32 to vector<1x8xf32>
    %mul3A_107 = arith.mulf %add3A_105, %mul3A_106 : vector<1x8xf32>
    %floor3A = math.floor %mul3A_107 : vector<1x8xf32>
    %mul3A_108 = arith.constant 5.120000e+02 : f32
    %mul3A_109 = vector.broadcast %mul3A_108 : f32 to vector<1x8xf32>
    %mul3A_110 = arith.mulf %floor3A, %mul3A_109 : vector<1x8xf32>
    %iota3A_111 = tpu.iota {dimensions = array<i32: 0>} : vector<8x8xi32>
    %iota3A_112 = tpu.iota {dimensions = array<i32: 1>} : vector<8x8xi32>
    %lt3A = arith.cmpi slt, %iota3A_111, %iota3A_112 : vector<8x8xi32>
    %convert_element_type3A_113 = arith.extui %lt3A : vector<8x8xi1> to vector<8x8xi32>
    %convert_element_type3A_114 = arith.sitofp %convert_element_type3A_113 : vector<8x8xi32> to vector<8x8xf32>
    %dot_general3A_115 = arith.constant dense<0.000000e+00> : vector<1x8xf32>
    %dot_general3A_116 = tpu.matmul %mul3A_110, %convert_element_type3A_114, %dot_general3A_115 {dimension_numbers = #tpu.dot_dimension_numbers<[1], [0], [0], [1], [0, 0, 1, 1], [], []>, transpose_lhs_hint = false} : vector<1x8xf32>, vector<8x8xf32>, vector<1x8xf32> -> vector<1x8xf32>
    %sub3A_117 = arith.constant 1.000000e+00 : f32
    %sub3A_118 = vector.broadcast %sub3A_117 : f32 to vector<4096x8xf32>
    %sub3A_119 = arith.subf %concatenate3A_101, %sub3A_118 : vector<4096x8xf32>
    %add3A_120 = vector.broadcast %dot_general3A_116 : vector<1x8xf32> to vector<4096x8xf32>
    %add3A_121 = arith.addf %sub3A_119, %add3A_120 : vector<4096x8xf32>
    %mul3A_122 = arith.mulf %concatenate3A, %add3A_121 : vector<4096x8xf32>
    %reduce_sum3A = arith.constant dense<0.000000e+00> : vector<4096xf32>
    %reduce_sum3A_123 = vector.multi_reduction <add>, %mul3A_122, %reduce_sum3A [1] : vector<4096x8xf32> to vector<4096xf32>
    %broadcast_in_dim3A_124 = vector.shape_cast %reduce_sum3A_123 : vector<4096xf32> to vector<4096x1xf32>
    %convert_element_type3A_125 = arith.fptosi %broadcast_in_dim3A_124 : vector<4096x1xf32> to vector<4096x1xi32>
    %swap3A_126 = arith.constant 0 : index
    %swap3A_127 = arith.constant 0 : index
    %swap3A_128 = vector.load %arg3[%swap3A_126, %swap3A_127] : memref<4096x1xi32, #tpu.memory_space<vmem>>, vector<4096x1xi32>
    tpu.vector_store %arg3[%swap3A_126, %swap3A_127], %convert_element_type3A_125 {strides = array<i32>} : memref<4096x1xi32, #tpu.memory_space<vmem>>, vector<4096x1xi32>,
    %iota3A_129 = tpu.iota {dimensions = array<i32: 0>} : vector<16x8xi32>
    %convert_element_type3A_130 = arith.sitofp %iota3A_129 : vector<16x8xi32> to vector<16x8xf32>
    %mul3A_131 = arith.constant 5.120000e+02 : f32
    %mul3A_132 = vector.broadcast %mul3A_131 : f32 to vector<16x8xf32>
    %mul3A_133 = arith.mulf %convert_element_type3A_130, %mul3A_132 : vector<16x8xf32>
    %iota3A_134 = tpu.iota {dimensions = array<i32: 1>} : vector<16x8xi32>
    %convert_element_type3A_135 = arith.sitofp %iota3A_134 : vector<16x8xi32> to vector<16x8xf32>
    %ge3A_136 = vector.broadcast %dot_general3A_116 : vector<1x8xf32> to vector<16x8xf32>
    %ge3A_137 = arith.cmpf oge, %mul3A_133, %ge3A_136 : vector<16x8xf32>
    %add3A_138 = arith.addf %dot_general3A_116, %mul3A_110 : vector<1x8xf32>
    %lt3A_139 = vector.broadcast %add3A_138 : vector<1x8xf32> to vector<16x8xf32>
    %lt3A_140 = arith.cmpf olt, %mul3A_133, %lt3A_139 : vector<16x8xf32>
    %and3A = arith.andi %ge3A_137, %lt3A_140 : vector<16x8xi1>
    %jit3A_141 = arith.constant 0.000000e+00 : f32
    %broadcast_in_dim3A_142 = vector.broadcast %jit3A_141 : f32 to vector<16x8xf32>
    %select_n3A_143 = arith.select %and3A, %convert_element_type3A_135, %broadcast_in_dim3A_142 : vector<16x8xi1>, vector<16x8xf32>
    %reduce_sum3A_144 = arith.constant dense<0.000000e+00> : vector<16xf32>
    %reduce_sum3A_145 = vector.multi_reduction <add>, %select_n3A_143, %reduce_sum3A_144 [1] : vector<16x8xf32> to vector<16xf32>
    %broadcast_in_dim3A_146 = vector.shape_cast %reduce_sum3A_145 : vector<16xf32> to vector<16x1xf32>
    %reduce_sum3A_147 = arith.constant dense<0.000000e+00> : vector<1xf32>
    %reduce_sum3A_148 = vector.multi_reduction <add>, %mul3A_110, %reduce_sum3A_147 [1] : vector<1x8xf32> to vector<1xf32>
    %broadcast_in_dim3A_149 = vector.shape_cast %reduce_sum3A_148 : vector<1xf32> to vector<1x1xf32>
    %mul3A_150 = arith.constant 0.001953125 : f32
    %mul3A_151 = vector.broadcast %mul3A_150 : f32 to vector<1x1xf32>
    %mul3A_152 = arith.mulf %broadcast_in_dim3A_149, %mul3A_151 : vector<1x1xf32>
    %broadcast_in_dim3A_153 = arith.constant 0.000000e+00 : f32
    %broadcast_in_dim3A_154 = vector.broadcast %broadcast_in_dim3A_153 : f32 to vector<7x1xf32>
    %concatenate3A_155 = tpu.concatenate %broadcast_in_dim3A_146, %mul3A_152, %broadcast_in_dim3A_154 in 0 : vector<16x1xf32>, vector<1x1xf32>, vector<7x1xf32> -> vector<24x1xf32>
    %convert_element_type3A_156 = arith.fptosi %concatenate3A_155 : vector<24x1xf32> to vector<24x1xi32>
    %swap3A_157 = arith.constant 0 : index
    %swap3A_158 = arith.constant 0 : index
    %swap3A_159 = vector.load %arg5[%swap3A_157, %swap3A_158] : memref<24x1xi32, #tpu.memory_space<vmem>>, vector<24x1xi32>
    tpu.vector_store %arg5[%swap3A_157, %swap3A_158], %convert_element_type3A_156 {strides = array<i32>} : memref<24x1xi32, #tpu.memory_space<vmem>>, vector<24x1xi32>,
    return
  }
  func.func @transform_0(%arg0: i32) -> (i32, i32) {
    %c0_i32 = arith.constant 0 : i32
    %c0_i32_0 = arith.constant 0 : i32
    %c0_i32_1 = arith.constant 0 : i32
    return %c0_i32, %c0_i32_0 : i32, i32
  }
  func.func @transform_1(%arg0: i32) -> (i32, i32) {
    %c0_i32 = arith.constant 0 : i32
    %c0_i32_0 = arith.constant 0 : i32
    %c0_i32_1 = arith.constant 0 : i32
    return %c0_i32, %c0_i32_0 : i32, i32
  }
  func.func @transform_2(%arg0: i32) -> (i32, i32) {
    %c0_i32 = arith.constant 0 : i32
    %c0_i32_0 = arith.constant 0 : i32
    %c0_i32_1 = arith.constant 0 : i32
    return %c0_i32, %c0_i32_0 : i32, i32
  }
  func.func @transform_3(%arg0: i32) -> (i32, i32) {
    %c0_i32 = arith.constant 0 : i32
    %c0_i32_0 = arith.constant 0 : i32
    %c0_i32_1 = arith.constant 0 : i32
    return %c0_i32, %c0_i32_0 : i32, i32
  }
  func.func @transform_4(%arg0: i32) -> (i32, i32) {
    %c0_i32 = arith.constant 0 : i32
    %c0_i32_0 = arith.constant 0 : i32
    %c0_i32_1 = arith.constant 0 : i32
    return %c0_i32, %c0_i32_0 : i32, i32
  }
}

</mosaic_0001>

<sc_bundles>
// kernel: kernel.6.cloned.1.call-start
scs
__scs_entry_jumppad:
0x0: {  	(pc) =	sbr.rel $0x88, $3  }
0x1: {  	(tag) =	ssettag $0x0;
	lr =	simm.s32 $0x1  }
0x2: {  	[smem:$0x3F9D] =	sst lr;
	_ =	strace $0xD0000000  }
0x3: {  	_ = 	snop  }
0x4: {  	_ = 	snop  }
0x5: {  	_ = 	snop  }
0x6: {  	_ = 	snop  }
0x7: {  	_ = 	snop  }
__scs_overlays_trampoline_lowered:
0x8: {  	[smem:$0x3FAC] =	sst s0  }
0x9: {  	[smem:$0x3FAD] =	sst s1  }
0xa: {  	[smem:$0x3FAE] =	sst s2  }
0xb: {  	[smem:$0x3FAF] =	sst s3  }
0xc: {  	[smem:$0x3FB0] =	sst s4  }
0xd: {  	[smem:$0x3FB1] =	sst s5  }
0xe: {  	[smem:$0x3FB2] =	sst s6  }
0xf: {  	[smem:$0x3FB3] =	sst s7  }
0x10: {  	[smem:$0x3FB4] =	sst s8  }
0x11: {  	[smem:$0x3FB5] =	sst s9;
	s0 =	simm.s32 @!p0 $0x0  }
0x12: {  	s1 =	sld [smem:$0x3F9B];
	s0 =	simm.s32 @p0 $0x1  }
0x13: {  	[smem:$0x3FB6] =	sst s0;
	s0 =	simm.s32 @!p1 $0x0  }
0x14: {  	s2 =	sld [smem:$0x3F9A];
	s0 =	simm.s32 @p1 $0x1  }
0x15: {  	[smem:$0x3FB7] =	sst s0;
	s0 =	simm.s32 @!p2 $0x0  }
0x16: {  	s3 =	sld [smem:$0x3FDB];
	s0 =	simm.s32 @p2 $0x1  }
0x17: {  	s4 =	simm.s32 $0x1BF5;
	[smem:$0x3FB9] =	sst s0  }
0x18: {  	s0 =	sld [smem:$0x3F9C];
	_ =	swait.ge [sflag:s4], $0x0  }
0x19: {  	s7 =	sld [smem:$0x3F9D]  }
0x1a: {  	s8 =	sadd.s32 $0xFFFFE003, lr  }
0x1b: {  	s9 =	sadd.s32 $0xFFFFFEF7, lr;
	s5 =	simm.s32 $0xFFFFFFFF;
	p2 =	slt.u32 s8, $0xFFFFF086  }
0x1c: {  	p1 =	slt.u32 s9, $0xF7A;
	s5 =	simm.s32 @!p2 $0x0  }
0x1d: {  	s5 =	simm.s32 @p1 $0x1;
	p0 =	seq.s32 s7, s2  }
0x1e: {  	s7 =	smul.u32 @!p0 $0xF7A, s2;
	p2 =	seq.s32 @!p0 s5, $0x0  }
0x1f: {  	s9 =	smul.u32 $0xF7A, s1;
	s8 =	simm.s32 @!p0 $0x1BF5;
	p2 =	por !p2, p0  }
0x20: {  	[sflag:s8] =	ssyncset.s32 @!p0 $0xFFFFF086;
	s6 =	sadd.s32 @!p0 s3, s7;
	s7 =	simm.s32 @!p0 $0x108  }
0x21: {  	s3 =	sadd.s32 s3, s9;
	s6 =	sadd.s32 @!p0 $0x88, s6;
	s7 =	simm.s32 @p2 $0x1082  }
0x22: {  	[simem:s7], [sflag:s8] =	dma.local @!p0 [hbm:s6], $0xF7A  }
0x23: {  	s9 =	sor.u32 $0xD0000000, s2;
	s6 =	simm.s32 $0x108;
	_ =	swait.ge @!p0 [sflag:s8], $0x0  }
0x24: {  	s3 =	sadd.s32 $0x88, s3;
	s6 =	simm.s32 @!p1 $0x1082;
	[sflag:s4] =	ssyncset.s32 $0xFFFFF086  }
0x25: {  	[simem:s6], [sflag:s4] =	dma.local [hbm:s3], $0xF7A  }
0x26: {  	[smem:$0x3F9D] =	sst s1;
	(tag) =	ssettag s2;
	_ =	strace s9  }
0x27: {  	s1 =	sld [smem:$0x3FAD]  }
0x28: {  	s2 =	sld [smem:$0x3FAE]  }
0x29: {  	s4 =	sld [smem:$0x3FB0]  }
0x2a: {  	p0 =	seq.s32 s5, $0x0;
	s5 =	sld [smem:$0x3FB1]  }
0x2b: {  	s6 =	sld [smem:$0x3FB2]  }
0x2c: {  	s7 =	sld [smem:$0x3FB3]  }
0x2d: {  	s3 =	simm.s32 $0x108;
	s8 =	sld [smem:$0x3FB4]  }
0x2e: {  	s3 =	simm.s32 @!p0 $0x1082;
	s9 =	sld [smem:$0x3FB5]  }
0x2f: {  	lr =	sadd.s32 s0, s3;
	s0 =	sld [smem:$0x3FAC]  }
0x30: {  	s3 =	sld [smem:$0x3FAF]  }
0x31: {  	[smem:$0x3FB8] =	sst s10  }
0x32: {  	s10 =	sld [smem:$0x3FB6];
	_ =	sdelay $0x3  }
0x33: {  	p0 =	seq.s32 s10, $0x1;
	s10 =	sld [smem:$0x3FB8];
	_ =	sdelay $0x3  }
0x34: {  	[smem:$0x3FB8] =	sst s10  }
0x35: {  	s10 =	sld [smem:$0x3FB7];
	_ =	sdelay $0x3  }
0x36: {  	p1 =	seq.s32 s10, $0x1;
	s10 =	sld [smem:$0x3FB8];
	_ =	sdelay $0x3  }
0x37: {  	[smem:$0x3FB8] =	sst s10  }
0x38: {  	s10 =	sld [smem:$0x3FB9]  }
0x39: {  	_ = 	snop;
	(pc) =	sbr.ind lr, $3  }
0x3a: {  	_ = 	snop  }
0x3b: {  	_ = 	snop  }
0x3c: {  	p2 =	seq.s32 s10, $0x1;
	s10 =	sld [smem:$0x3FB8]  }
0x3d: {  	_ =	shalt  }
0x3e: {  	_ =	shalt  }
0x3f: {  	_ =	shalt  }
0x40: {  	_ =	shalt  }
0x41: {  	_ =	shalt  }
0x42: {  	_ =	shalt  }
0x43: {  	_ =	shalt  }
0x44: {  	_ =	shalt  }
0x45: {  	_ =	shalt  }
0x46: {  	_ =	shalt  }
0x47: {  	_ =	shalt  }
0x48: {  	_ =	shalt  }
0x49: {  	_ =	shalt  }
0x4a: {  	_ =	shalt  }
0x4b: {  	_ =	shalt  }
0x4c: {  	_ =	shalt  }
0x4d: {  	_ =	shalt  }
0x4e: {  	_ =	shalt  }
0x4f: {  	_ =	shalt  }
0x50: {  	_ =	shalt  }
0x51: {  	_ =	shalt  }
0x52: {  	_ =	shalt  }
0x53: {  	_ =	shalt  }
0x54: {  	_ =	shalt  }
0x55: {  	_ =	shalt  }
0x56: {  	_ =	shalt  }
0x57: {  	_ =	shalt  }
0x58: {  	_ =	shalt  }
0x59: {  	_ =	shalt  }
0x5a: {  	_ =	shalt  }
0x5b: {  	_ =	shalt  }
0x5c: {  	_ =	shalt  }
0x5d: {  	_ =	shalt  }
0x5e: {  	_ =	shalt  }
0x5f: {  	_ =	shalt  }
0x60: {  	_ =	shalt  }
0x61: {  	_ =	shalt  }
0x62: {  	_ =	shalt  }
0x63: {  	_ =	shalt  }
0x64: {  	_ =	shalt  }
0x65: {  	_ =	shalt  }
0x66: {  	_ =	shalt  }
0x67: {  	_ =	shalt  }
0x68: {  	_ =	shalt  }
0x69: {  	_ =	shalt  }
0x6a: {  	_ =	shalt  }
0x6b: {  	_ =	shalt  }
0x6c: {  	_ =	shalt  }
0x6d: {  	_ =	shalt  }
0x6e: {  	_ =	shalt  }
0x6f: {  	_ =	shalt  }
0x70: {  	_ =	shalt  }
0x71: {  	_ =	shalt  }
0x72: {  	_ =	shalt  }
0x73: {  	_ =	shalt  }
0x74: {  	_ =	shalt  }
0x75: {  	_ =	shalt  }
0x76: {  	_ =	shalt  }
0x77: {  	_ =	shalt  }
0x78: {  	_ =	shalt  }
0x79: {  	_ =	shalt  }
0x7a: {  	_ =	shalt  }
0x7b: {  	_ =	shalt  }
0x7c: {  	_ =	shalt  }
0x7d: {  	_ =	shalt  }
0x7e: {  	_ =	shalt  }
0x7f: {  	_ =	shalt  }
0x80: {  	_ =	shalt  }
0x81: {  	_ =	shalt  }
0x82: {  	_ =	shalt  }
0x83: {  	_ =	shalt  }
0x84: {  	_ =	shalt  }
0x85: {  	_ =	shalt  }
0x86: {  	_ =	shalt  }
0x87: {  	_ =	shalt  }
.Lfunc_end0:
.L_simem_size_0:
called_computation_lowered:
.L_overlay_start_0:
0x88: {  	s2 =	sld [smem:$0x3FD9]  }
0x89: {  	s3 =	sld [smem:$0x3FFE];
	_ =	sdelay $0x1  }
0x8a: {  	s1 =	srdreg.scid  }
0x8b: {  	s0 =	sand.u32 $0x1, s1  }
0x8c: {  	s17 =	sshll.u32 s0, $0xA;
	s2 =	sadd.s32 s3, s2  }
0x8d: {  	s2 =	sadd.s32 s2, s17  }
0x8e: {  	[smem:$0x3FC4] =	sst s2  }
0x8f: {  	_ = 	snop  }
0x90: {  	s2 =	sld [smem:$0x3FC9];
	(tm) =	ssettm $0x1  }
0x91: {  	s18 =	sld [smem:$0x3FFB];
	_ =	sdelay $0x3  }
0x92: {  	_ =	strace s18  }
0x93: {  	s3 =	sld [smem:$0x3FFC];
	_ =	sdelay $0x3  }
0x94: {  	_ =	strace s3  }
0x95: {  	s3 =	sld [smem:$0x3FFD];
	_ =	sdelay $0x3  }
0x96: {  	_ =	strace s3  }
0x97: {  	_ =	strace $0x8FFFFFFF  }
0x98: {  	s19 =	sld [smem:$0x3FDB];
	_ =	sdelay $0x1  }
0x99: {  	s4 =	simm.s32 $_scs_section_size  }
0x9a: {  	s5 =	simm.s32 $_size__tile_overlayer_lowered;
	s6 =	simm.s32 $_tile_overlayer_lowered  }
0x9b: {  	s22 =	simm.s32 $0x1BFF;
	s21 =	sshll.u32 s6, $0x1;
	s3 =	sadd.s32 s4, s19  }
0x9c: {  	s7 =	simm.s32 $0x0;
	s20 =	sshll.u32 s5, $0x1;
	s5 =	sadd.s32 s21, s3  }
0x9d: {  	[timem:s7], [sflag:s22] =	dma.local [hbm:s5], s20  }
0x9e: {  	_ =	swait.ge [sflag:s22], s20  }
0x9f: {  	s4 =	ssub.s32 $0x0, s20;
	[sflag:s22] =	ssyncset.done $0x0  }
0xa0: {  	[sflag:s22] =	ssyncadd.s32 s4;
	_ =	sdelay $0x1  }
0xa1: {  	s23 =	simm.s32 $0x1B8B  }
0xa2: {  	_ =	swait.ge [sflag:s23], $0x1  }
0xa3: {  	[sflag:s23] =	ssyncset.done $0x0  }
0xa4: {  	s25 =	simm.s32 $0x1B8E;
	s24 =	sld [smem:$0x3FFE];
	[sflag:s23] =	ssyncadd.s32 $0xFFFFFFFF  }
0xa5: {  	s26 =	simm.s32 $execute0_lowered;
	[smem:$0x3FD2] =	sst s25  }
0xa6: {  	s5 =	sshll.u32 s26, $0x1;
	_ =	strace $0x80000046;
	[dreg:$0x1] =	wrdreg $0xFFFFFFFF  }
0xa7: {  	s28 =	simm.s32 $_size_execute0_lowered;
	s3 =	sadd.s32 s3, s5;
	[dreg:$0x0] =	wrdreg $0x0  }
0xa8: {  	s5 =	sshll.u32 s28, $0x1;
	[dreg:$0x2] =	wrdreg s3  }
0xa9: {  	[dreg:$0x3] =	wrdreg s5  }
0xaa: {  	[dreg:$0x4] =	wrdreg $0xC0  }
0xab: {  	_ =	task [dreg:s7], $0x5FFFF  }
0xac: {  	[dreg:$0x1] =	wrdreg $0xFFFFFFFF  }
0xad: {  	[dreg:$0x0] =	wrdreg $0x60  }
0xae: {  	[dreg:$0x2] =	wrdreg s2  }
0xaf: {  	[dreg:$0x3] =	wrdreg s24  }
0xb0: {  	[dreg:$0x4] =	wrdreg $0x9  }
0xb1: {  	_ =	task.clear_ibuf [dreg:s7], $0x5FFFF;
	_ =	strace $0x90000046  }
0xb2: {  	s29 =	simm.s32 $0x9;
	_ =	strace $0x80000048  }
0xb3: {  	_ =	swait.ge [sflag:s29], $0x1  }
0xb4: {  	[sflag:s29] =	ssyncadd.s32 $0xFFFFFFFF  }
0xb5: {  	_ =	strace $0x90000048  }
0xb6: {  	_ =	sfence  }
0xb7: {  	s30 =	sld [smem:$0x0];
	_ =	sdelay $0x2  }
0xb8: {  	s31 =	sshll.u32 s1, $0xD;
	s1 =	sshrl.u32 s1, $0x2  }
0xb9: {  	s3 =	sand.u32 $0x4000, s31;
	s1 =	sadd.s32 s1, s30  }
0xba: {  	s0 =	sor.u32 s3, s0;
	s1 =	sshll.u32 s1, $0x11  }
0xbb: {  	s0 =	sor.u32 s1, s0  }
0xbc: {  	s0 =	sadd.s32 $0x8F2B, s0  }
0xbd: {  	[sflag:s0] =	ssyncadd.remote.s32 $0x1  }
0xbe: {  	_ =	sfence.sel $0xFFFF  }
0xbf: {  	[dreg:$0x0] =	wrdreg $0xFFFFFFFF;
	(pc) =	sbr.abs _section_cstart, $3  }
0xc0: {  	[dreg:$0x1] =	wrdreg $0xFFFFFFFF  }
0xc1: {  	_ =	task.clear_ibuf [dreg:s7], $0x2FFFF;
	_ =	strace $0x9FFFFFFF  }
0xc2: {  	(tm) =	ssettm $0x7FFFFFFF  }
0xc3: {  	_ =	shalt  }
tec
execute0_lowered:
.L_overlay_start_1:
0x0: {  	(tag) =	ssettag $0x1  }
0x1: {  	s1 =	srdreg.scid  }
0x2: {  	s0 =	stileid.u32;
	s1 =	sand.u32 $0x1, s1  }
0x3: {  	s3 =	rddreg [dreg:$0x0];
	s2 =	sshll.u32 s0, $0x5;
	s4 =	sshll.u32 s1, $0x4  }
0x4: {  	s5 =	rddreg [dreg:$0x1];
	s4 =	sor.u32 s4, s2;
	s2 =	simm.s32 $0x0  }
0x5: {  	s25 =	simm.s32 $0x880;
	[smem:$0x7FF] =	sst s2  }
0x6: {  	s26 =	simm.s32 $0x1080;
	_ =	strace $0x80000047;
	[dreg:$0x5] =	wrdreg s25  }
0x7: {  	s0 =	simm.s32 $0x1880;
	[dreg:$0x6] =	wrdreg s26  }
0x8: {  	s7 =	simm.s32 $0x3080;
	[dreg:$0x7] =	wrdreg s0  }
0x9: {  	s8 =	simm.s32 $0x3880;
	[dreg:$0xa] =	wrdreg s7  }
0xa: {  	s9 =	simm.s32 $0x4080;
	[dreg:$0xb] =	wrdreg s8  }
0xb: {  	s10 =	simm.s32 $0x4880;
	[dreg:$0xc] =	wrdreg s9  }
0xc: {  	s11 =	simm.s32 $0x5080;
	s12 =	simm.s32 $0x5880;
	[dreg:$0xd] =	wrdreg s10  }
0xd: {  	s13 =	simm.s32 $0x6080;
	s14 =	simm.s32 $0x6880;
	[dreg:$0xe] =	wrdreg s11  }
0xe: {  	s15 =	simm.s32 $0x7080;
	s16 =	simm.s32 $0x7880;
	[dreg:$0xf] =	wrdreg s12  }
0xf: {  	s17 =	simm.s32 $0x8080;
	s18 =	simm.s32 $0x8880;
	[dreg:$0x10] =	wrdreg s13  }
0x10: {  	s19 =	simm.s32 $0x9080;
	s21 =	simm.s32 $0x9880;
	[dreg:$0x11] =	wrdreg s14  }
0x11: {  	s22 =	simm.s32 $0xA080;
	s23 =	simm.s32 $0xA880;
	[dreg:$0x12] =	wrdreg s15  }
0x12: {  	s24 =	simm.s32 $0xB880;
	s28 =	simm.s32 $0x16080;
	[dreg:$0x13] =	wrdreg s16  }
0x13: {  	s29 =	simm.s32 $0x16880;
	s30 =	simm.s32 $0x17080;
	[dreg:$0x14] =	wrdreg s17  }
0x14: {  	s31 =	simm.s32 $0x17880;
	s1 =	ssub.s32 $0x2, s1;
	[dreg:$0x15] =	wrdreg s18  }
0x15: {  	s20 =	sshrl.u32 s1, $0x1;
	s6 =	sand.u32 $0xF0, s4;
	[dreg:$0x16] =	wrdreg s19  }
0x16: {  	s4 =	sadd.s32 s4, s5;
	s1 =	ssub.s32 s1, s20;
	[dreg:$0x17] =	wrdreg s21  }
0x17: {  	s20 =	simm.s32 $0x12880;
	s6 =	smul.u32 $0x300, s6;
	[dreg:$0x18] =	wrdreg s22  }
0x18: {  	s4 =	sadd.s32 $0x11A00, s4;
	[dreg:$0x19] =	wrdreg s23;
	s7 =	simm.s32 $0xB080  }
0x19: {  	[dreg:$0x1b] =	wrdreg s24;
	s25 =	simm.s32 $0xC080;
	s8 =	simm.s32 $0x80  }
0x1a: {  	s26 =	simm.s32 $0xC880;
	s10 =	simm.s32 $0xD880;
	s11 =	simm.s32 $0xE080  }
0x1b: {  	s12 =	simm.s32 $0xE880;
	s13 =	simm.s32 $0xF080;
	s14 =	simm.s32 $0xF880  }
0x1c: {  	s15 =	simm.s32 $0x10080;
	s16 =	simm.s32 $0x10880;
	s17 =	simm.s32 $0x11080  }
0x1d: {  	s18 =	simm.s32 $0x11880;
	s19 =	simm.s32 $0x12080;
	[dreg:$0x3] =	wrdreg s4  }
0x1e: {  	s21 =	simm.s32 $0x13080;
	s22 =	simm.s32 $0x13880;
	[dreg:$0x1a] =	wrdreg s7  }
0x1f: {  	s23 =	simm.s32 $0x14080;
	s24 =	simm.s32 $0x14880;
	[dreg:$0x1c] =	wrdreg s25  }
0x20: {  	s4 =	simm.s32 $0x2080;
	s7 =	simm.s32 $0x2;
	[dreg:$0x1d] =	wrdreg s26  }
0x21: {  	s25 =	simm.s32 $0x15080;
	s3 =	sadd.s32 s3, s6;
	[dreg:$0x8] =	wrdreg s4  }
0x22: {  	v2 =	vlaneseq.u32;
	s26 =	simm.s32 $0x15880;
	s6 =	simm.s32 $0x2880;
	[dreg:$0x4] =	wrdreg s3  }
0x23: {  	vm0 =	vmmov $0xffff;
	v1 =	vshrl.u32 v2, $0x3;
	s4 =	sadd.s32 $0x11D00, s5;
	[dreg:$0x9] =	wrdreg s6;
	s3 =	sadd.s32 $0x11C00, s5  }
0x24: {  	v0 =	vand.u32 $0x7, v2;
	v2 =	vor.u32 $0x8, v2;
	v1 =	vmul.u32 $0x8, v1;
	s5 =	sadd.s32 $0x11E00, s5;
	s6 =	smax.u32 s1, $0x1;
	s1 =	simm.s32 $0x1  }
.LBB2_1:
0x25: {  	s0 =	rddreg [dreg:$0x3]  }
0x26: {  	[tilespmem:s2], [sflag:$0x2] =	stream.linear.gather [hbm4b:s0+s2], $0x80, $0x38;
	[tilespmem:$0x18080] =	vst v63  }
0x27: {  	_ =	swait.ge [sflag:s7], $0x80  }
0x28: {  	[sflag:s7] =	ssyncset.done $0x0  }
0x29: {  	s9 =	rddreg [dreg:$0x4];
	[sflag:s7] =	ssyncadd.s32 $0xFFFFFF80  }
0x2a: {  	[tilespmem:s8], [sflag:$0x2] =	stream.linear.gather [hbm4b:s9+s2], $0x18000, $0x38;
	[tilespmem:$0x18080] =	vst v63  }
0x2b: {  	_ =	swait.ge [sflag:s7], $0x18000  }
0x2c: {  	[sflag:s7] =	ssyncset.done $0x0  }
0x2d: {  	[sflag:s7] =	ssyncadd.s32 $0xFFFE8000  }
0x2e: {  	v3 =	vld [tilespmem:$0x0];
	_ =	sdelay $0x4  }
0x2f: {  	v4 =	vshrl.u32 v3, $0x3  }
0x30: {  	v4 =	vmul.u32 $0x30, v4  }
0x31: {  	v3 =	vand.u32 $0x7, v3  }
0x32: {  	v3 =	vor.u32 v3, v4  }
0x33: {  	v4 =	vperm.xlane v3, v0;
	_ =	sdelay $0x1  }
0x34: {  	v4 =	vadd.s32 v1, v4;
	_ =	sdelay $0x3  }
0x35: {  	v3 =	vperm.xlane v3, v2  }
0x36: {  	[hbm4b:s3+s2] =	stream.indirect_vreg.scatter [tilespmem:s8], [sflag:$0x1], $0x80, v4, vm0, $0xb8;
	[tilespmem:$0x18080] =	vst v63  }
0x37: {  	s0 =	rddreg [dreg:$0x5];
	v3 =	vadd.s32 v1, v3  }
0x38: {  	[hbm4b:s4+s2] =	stream.indirect_vreg.scatter [tilespmem:s0], [sflag:$0x1], $0x80, v4, vm0, $0xb8;
	[tilespmem:$0x18080] =	vst v63  }
0x39: {  	s9 =	rddreg [dreg:$0x6]  }
0x3a: {  	[hbm4b:s5+s2] =	stream.indirect_vreg.scatter [tilespmem:s9], [sflag:$0x1], $0x80, v4, vm0, $0xb8;
	[tilespmem:$0x18080] =	vst v63  }
0x3b: {  	s0 =	rddreg [dreg:$0x7]  }
0x3c: {  	[hbm4b:s3+s2] =	stream.indirect_vreg.scatter [tilespmem:s0], [sflag:$0x1], $0x80, v3, vm0, $0xb8;
	[tilespmem:$0x18080] =	vst v63  }
0x3d: {  	s9 =	rddreg [dreg:$0x8]  }
0x3e: {  	[hbm4b:s4+s2] =	stream.indirect_vreg.scatter [tilespmem:s9], [sflag:$0x1], $0x80, v3, vm0, $0xb8;
	[tilespmem:$0x18080] =	vst v63  }
0x3f: {  	s0 =	rddreg [dreg:$0x9]  }
0x40: {  	[hbm4b:s5+s2] =	stream.indirect_vreg.scatter [tilespmem:s0], [sflag:$0x1], $0x80, v3, vm0, $0xb8;
	[tilespmem:$0x18080] =	vst v63  }
0x41: {  	v3 =	vld [tilespmem:$0x10];
	_ =	sdelay $0x4  }
0x42: {  	v57 =	vshrl.u32 v3, $0x3  }
0x43: {  	v4 =	vmul.u32 $0x30, v57  }
0x44: {  	v3 =	vand.u32 $0x7, v3  }
0x45: {  	v3 =	vor.u32 v3, v4  }
0x46: {  	v4 =	vperm.xlane v3, v0;
	_ =	sdelay $0x1  }
0x47: {  	v4 =	vadd.s32 v1, v4;
	_ =	sdelay $0x3  }
0x48: {  	s0 =	rddreg [dreg:$0xa];
	v3 =	vperm.xlane v3, v2  }
0x49: {  	[hbm4b:s3+s2] =	stream.indirect_vreg.scatter [tilespmem:s0], [sflag:$0x1], $0x80, v4, vm0, $0xb8;
	[tilespmem:$0x18080] =	vst v63  }
0x4a: {  	s9 =	rddreg [dreg:$0xb];
	v3 =	vadd.s32 v1, v3  }
0x4b: {  	[hbm4b:s4+s2] =	stream.indirect_vreg.scatter [tilespmem:s9], [sflag:$0x1], $0x80, v4, vm0, $0xb8;
	[tilespmem:$0x18080] =	vst v63  }
0x4c: {  	s0 =	rddreg [dreg:$0xc]  }
0x4d: {  	[hbm4b:s5+s2] =	stream.indirect_vreg.scatter [tilespmem:s0], [sflag:$0x1], $0x80, v4, vm0, $0xb8;
	[tilespmem:$0x18080] =	vst v63  }
0x4e: {  	s9 =	rddreg [dreg:$0xd]  }
0x4f: {  	[hbm4b:s3+s2] =	stream.indirect_vreg.scatter [tilespmem:s9], [sflag:$0x1], $0x80, v3, vm0, $0xb8;
	[tilespmem:$0x18080] =	vst v63  }
0x50: {  	s0 =	rddreg [dreg:$0xe]  }
0x51: {  	[hbm4b:s4+s2] =	stream.indirect_vreg.scatter [tilespmem:s0], [sflag:$0x1], $0x80, v3, vm0, $0xb8;
	[tilespmem:$0x18080] =	vst v63  }
0x52: {  	s9 =	rddreg [dreg:$0xf]  }
0x53: {  	[hbm4b:s5+s2] =	stream.indirect_vreg.scatter [tilespmem:s9], [sflag:$0x1], $0x80, v3, vm0, $0xb8;
	[tilespmem:$0x18080] =	vst v63  }
0x54: {  	v3 =	vld [tilespmem:$0x20];
	_ =	sdelay $0x4  }
0x55: {  	v58 =	vshrl.u32 v3, $0x3  }
0x56: {  	v4 =	vmul.u32 $0x30, v58  }
0x57: {  	v3 =	vand.u32 $0x7, v3  }
0x58: {  	v3 =	vor.u32 v3, v4  }
0x59: {  	v4 =	vperm.xlane v3, v0;
	_ =	sdelay $0x1  }
0x5a: {  	v4 =	vadd.s32 v1, v4;
	_ =	sdelay $0x3  }
0x5b: {  	s0 =	rddreg [dreg:$0x10];
	v3 =	vperm.xlane v3, v2  }
0x5c: {  	[hbm4b:s3+s2] =	stream.indirect_vreg.scatter [tilespmem:s0], [sflag:$0x1], $0x80, v4, vm0, $0xb8;
	[tilespmem:$0x18080] =	vst v63  }
0x5d: {  	s9 =	rddreg [dreg:$0x11];
	v3 =	vadd.s32 v1, v3  }
0x5e: {  	[hbm4b:s4+s2] =	stream.indirect_vreg.scatter [tilespmem:s9], [sflag:$0x1], $0x80, v4, vm0, $0xb8;
	[tilespmem:$0x18080] =	vst v63  }
0x5f: {  	s0 =	rddreg [dreg:$0x12]  }
0x60: {  	[hbm4b:s5+s2] =	stream.indirect_vreg.scatter [tilespmem:s0], [sflag:$0x1], $0x80, v4, vm0, $0xb8;
	[tilespmem:$0x18080] =	vst v63  }
0x61: {  	s9 =	rddreg [dreg:$0x13]  }
0x62: {  	[hbm4b:s3+s2] =	stream.indirect_vreg.scatter [tilespmem:s9], [sflag:$0x1], $0x80, v3, vm0, $0xb8;
	[tilespmem:$0x18080] =	vst v63  }
0x63: {  	s0 =	rddreg [dreg:$0x14]  }
0x64: {  	[hbm4b:s4+s2] =	stream.indirect_vreg.scatter [tilespmem:s0], [sflag:$0x1], $0x80, v3, vm0, $0xb8;
	[tilespmem:$0x18080] =	vst v63  }
0x65: {  	s9 =	rddreg [dreg:$0x15]  }
0x66: {  	[hbm4b:s5+s2] =	stream.indirect_vreg.scatter [tilespmem:s9], [sflag:$0x1], $0x80, v3, vm0, $0xb8;
	[tilespmem:$0x18080] =	vst v63  }
0x67: {  	v3 =	vld [tilespmem:$0x30];
	_ =	sdelay $0x4  }
0x68: {  	v59 =	vshrl.u32 v3, $0x3  }
0x69: {  	v4 =	vmul.u32 $0x30, v59  }
0x6a: {  	v3 =	vand.u32 $0x7, v3  }
0x6b: {  	v3 =	vor.u32 v3, v4  }
0x6c: {  	v4 =	vperm.xlane v3, v0;
	_ =	sdelay $0x1  }
0x6d: {  	v4 =	vadd.s32 v1, v4;
	_ =	sdelay $0x3  }
0x6e: {  	s0 =	rddreg [dreg:$0x16];
	v3 =	vperm.xlane v3, v2  }
0x6f: {  	[hbm4b:s3+s2] =	stream.indirect_vreg.scatter [tilespmem:s0], [sflag:$0x1], $0x80, v4, vm0, $0xb8;
	[tilespmem:$0x18080] =	vst v63  }
0x70: {  	s9 =	rddreg [dreg:$0x17];
	v3 =	vadd.s32 v1, v3  }
0x71: {  	[hbm4b:s4+s2] =	stream.indirect_vreg.scatter [tilespmem:s9], [sflag:$0x1], $0x80, v4, vm0, $0xb8;
	[tilespmem:$0x18080] =	vst v63  }
0x72: {  	s0 =	rddreg [dreg:$0x18]  }
0x73: {  	[hbm4b:s5+s2] =	stream.indirect_vreg.scatter [tilespmem:s0], [sflag:$0x1], $0x80, v4, vm0, $0xb8;
	[tilespmem:$0x18080] =	vst v63  }
0x74: {  	s9 =	rddreg [dreg:$0x19]  }
0x75: {  	[hbm4b:s3+s2] =	stream.indirect_vreg.scatter [tilespmem:s9], [sflag:$0x1], $0x80, v3, vm0, $0xb8;
	[tilespmem:$0x18080] =	vst v63  }
0x76: {  	s0 =	rddreg [dreg:$0x1a]  }
0x77: {  	[hbm4b:s4+s2] =	stream.indirect_vreg.scatter [tilespmem:s0], [sflag:$0x1], $0x80, v3, vm0, $0xb8;
	[tilespmem:$0x18080] =	vst v63  }
0x78: {  	s9 =	rddreg [dreg:$0x1b]  }
0x79: {  	[hbm4b:s5+s2] =	stream.indirect_vreg.scatter [tilespmem:s9], [sflag:$0x1], $0x80, v3, vm0, $0xb8;
	[tilespmem:$0x18080] =	vst v63  }
0x7a: {  	v3 =	vld [tilespmem:$0x40];
	_ =	sdelay $0x4  }
0x7b: {  	v60 =	vshrl.u32 v3, $0x3  }
0x7c: {  	v4 =	vmul.u32 $0x30, v60  }
0x7d: {  	v3 =	vand.u32 $0x7, v3  }
0x7e: {  	v3 =	vor.u32 v3, v4  }
0x7f: {  	v4 =	vperm.xlane v3, v0;
	_ =	sdelay $0x1  }
0x80: {  	v4 =	vadd.s32 v1, v4;
	_ =	sdelay $0x3  }
0x81: {  	s0 =	rddreg [dreg:$0x1c];
	v3 =	vperm.xlane v3, v2  }
0x82: {  	[hbm4b:s3+s2] =	stream.indirect_vreg.scatter [tilespmem:s0], [sflag:$0x1], $0x80, v4, vm0, $0xb8;
	[tilespmem:$0x18080] =	vst v63  }
0x83: {  	s9 =	rddreg [dreg:$0x1d];
	v3 =	vadd.s32 v1, v3  }
0x84: {  	[hbm4b:s4+s2] =	stream.indirect_vreg.scatter [tilespmem:s9], [sflag:$0x1], $0x80, v4, vm0, $0xb8;
	[tilespmem:$0x18080] =	vst v63  }
0x85: {  	s9 =	simm.s32 $0xD080  }
0x86: {  	[hbm4b:s5+s2] =	stream.indirect_vreg.scatter [tilespmem:s9], [sflag:$0x1], $0x80, v4, vm0, $0xb8;
	[tilespmem:$0x18080] =	vst v63  }
0x87: {  	_ = 	snop  }
0x88: {  	[hbm4b:s3+s2] =	stream.indirect_vreg.scatter [tilespmem:s10], [sflag:$0x1], $0x80, v3, vm0, $0xb8;
	[tilespmem:$0x18080] =	vst v63  }
0x89: {  	_ = 	snop  }
0x8a: {  	[hbm4b:s4+s2] =	stream.indirect_vreg.scatter [tilespmem:s11], [sflag:$0x1], $0x80, v3, vm0, $0xb8;
	[tilespmem:$0x18080] =	vst v63  }
0x8b: {  	_ = 	snop  }
0x8c: {  	[hbm4b:s5+s2] =	stream.indirect_vreg.scatter [tilespmem:s12], [sflag:$0x1], $0x80, v3, vm0, $0xb8;
	[tilespmem:$0x18080] =	vst v63  }
0x8d: {  	v3 =	vld [tilespmem:$0x50];
	_ =	sdelay $0x4  }
0x8e: {  	v61 =	vshrl.u32 v3, $0x3  }
0x8f: {  	v4 =	vmul.u32 $0x30, v61  }
0x90: {  	v3 =	vand.u32 $0x7, v3  }
0x91: {  	v3 =	vor.u32 v3, v4  }
0x92: {  	v4 =	vperm.xlane v3, v0;
	_ =	sdelay $0x1  }
0x93: {  	v4 =	vadd.s32 v1, v4;
	_ =	sdelay $0x3  }
0x94: {  	v3 =	vperm.xlane v3, v2  }
0x95: {  	[hbm4b:s3+s2] =	stream.indirect_vreg.scatter [tilespmem:s13], [sflag:$0x1], $0x80, v4, vm0, $0xb8;
	[tilespmem:$0x18080] =	vst v63  }
0x96: {  	v3 =	vadd.s32 v1, v3  }
0x97: {  	[hbm4b:s4+s2] =	stream.indirect_vreg.scatter [tilespmem:s14], [sflag:$0x1], $0x80, v4, vm0, $0xb8;
	[tilespmem:$0x18080] =	vst v63  }
0x98: {  	_ = 	snop  }
0x99: {  	[hbm4b:s5+s2] =	stream.indirect_vreg.scatter [tilespmem:s15], [sflag:$0x1], $0x80, v4, vm0, $0xb8;
	[tilespmem:$0x18080] =	vst v63  }
0x9a: {  	_ = 	snop  }
0x9b: {  	[hbm4b:s3+s2] =	stream.indirect_vreg.scatter [tilespmem:s16], [sflag:$0x1], $0x80, v3, vm0, $0xb8;
	[tilespmem:$0x18080] =	vst v63  }
0x9c: {  	_ = 	snop  }
0x9d: {  	[hbm4b:s4+s2] =	stream.indirect_vreg.scatter [tilespmem:s17], [sflag:$0x1], $0x80, v3, vm0, $0xb8;
	[tilespmem:$0x18080] =	vst v63  }
0x9e: {  	_ = 	snop  }
0x9f: {  	[hbm4b:s5+s2] =	stream.indirect_vreg.scatter [tilespmem:s18], [sflag:$0x1], $0x80, v3, vm0, $0xb8;
	[tilespmem:$0x18080] =	vst v63  }
0xa0: {  	v3 =	vld [tilespmem:$0x60];
	_ =	sdelay $0x4  }
0xa1: {  	v62 =	vshrl.u32 v3, $0x3  }
0xa2: {  	v4 =	vmul.u32 $0x30, v62  }
0xa3: {  	v3 =	vand.u32 $0x7, v3  }
0xa4: {  	v3 =	vor.u32 v3, v4  }
0xa5: {  	v4 =	vperm.xlane v3, v0;
	_ =	sdelay $0x1  }
0xa6: {  	v4 =	vadd.s32 v1, v4;
	_ =	sdelay $0x3  }
0xa7: {  	v3 =	vperm.xlane v3, v2  }
0xa8: {  	[hbm4b:s3+s2] =	stream.indirect_vreg.scatter [tilespmem:s19], [sflag:$0x1], $0x80, v4, vm0, $0xb8;
	[tilespmem:$0x18080] =	vst v63  }
0xa9: {  	v3 =	vadd.s32 v1, v3  }
0xaa: {  	[hbm4b:s4+s2] =	stream.indirect_vreg.scatter [tilespmem:s20], [sflag:$0x1], $0x80, v4, vm0, $0xb8;
	[tilespmem:$0x18080] =	vst v63  }
0xab: {  	_ = 	snop  }
0xac: {  	[hbm4b:s5+s2] =	stream.indirect_vreg.scatter [tilespmem:s21], [sflag:$0x1], $0x80, v4, vm0, $0xb8;
	[tilespmem:$0x18080] =	vst v63  }
0xad: {  	_ = 	snop  }
0xae: {  	[hbm4b:s3+s2] =	stream.indirect_vreg.scatter [tilespmem:s22], [sflag:$0x1], $0x80, v3, vm0, $0xb8;
	[tilespmem:$0x18080] =	vst v63  }
0xaf: {  	_ = 	snop  }
0xb0: {  	[hbm4b:s4+s2] =	stream.indirect_vreg.scatter [tilespmem:s23], [sflag:$0x1], $0x80, v3, vm0, $0xb8;
	[tilespmem:$0x18080] =	vst v63  }
0xb1: {  	_ = 	snop  }
0xb2: {  	[hbm4b:s5+s2] =	stream.indirect_vreg.scatter [tilespmem:s24], [sflag:$0x1], $0x80, v3, vm0, $0xb8;
	[tilespmem:$0x18080] =	vst v63  }
0xb3: {  	v3 =	vld [tilespmem:$0x70];
	_ =	sdelay $0x4  }
0xb4: {  	v63 =	vshrl.u32 v3, $0x3  }
0xb5: {  	v4 =	vmul.u32 $0x30, v63  }
0xb6: {  	v3 =	vand.u32 $0x7, v3  }
0xb7: {  	v3 =	vor.u32 v3, v4  }
0xb8: {  	v4 =	vperm.xlane v3, v0;
	_ =	sdelay $0x1  }
0xb9: {  	v4 =	vadd.s32 v1, v4;
	_ =	sdelay $0x3  }
0xba: {  	v3 =	vperm.xlane v3, v2  }
0xbb: {  	[hbm4b:s3+s2] =	stream.indirect_vreg.scatter [tilespmem:s25], [sflag:$0x1], $0x80, v4, vm0, $0xb8;
	[tilespmem:$0x18080] =	vst v63  }
0xbc: {  	v3 =	vadd.s32 v1, v3  }
0xbd: {  	[hbm4b:s4+s2] =	stream.indirect_vreg.scatter [tilespmem:s26], [sflag:$0x1], $0x80, v4, vm0, $0xb8;
	[tilespmem:$0x18080] =	vst v63  }
0xbe: {  	_ = 	snop  }
0xbf: {  	[hbm4b:s5+s2] =	stream.indirect_vreg.scatter [tilespmem:s28], [sflag:$0x1], $0x80, v4, vm0, $0xb8;
	[tilespmem:$0x18080] =	vst v63  }
0xc0: {  	_ = 	snop  }
0xc1: {  	[hbm4b:s3+s2] =	stream.indirect_vreg.scatter [tilespmem:s29], [sflag:$0x1], $0x80, v3, vm0, $0xb8;
	[tilespmem:$0x18080] =	vst v63  }
0xc2: {  	p0 =	sne.s32 s6, $0x1  }
0xc3: {  	[hbm4b:s4+s2] =	stream.indirect_vreg.scatter [tilespmem:s30], [sflag:$0x1], $0x80, v3, vm0, $0xb8;
	[tilespmem:$0x18080] =	vst v63  }
.Ltmp0:
0xc4: {  	_ = 	snop;
	(pc) =	sbr.rel @p0 .LBB2_1-.Ltmp0, $4  }
0xc5: {  	[hbm4b:s5+s2] =	stream.indirect_vreg.scatter [tilespmem:s31], [sflag:$0x1], $0x80, v3, vm0, $0xb8;
	[tilespmem:$0x18080] =	vst v63  }
0xc6: {  	_ =	swait.ge [sflag:s1], $0x18000  }
0xc7: {  	[sflag:s1] =	ssyncset.done $0x0  }
0xc8: {  	s6 =	sadd.s32 $0xFFFFFFFF, s6;
	[sflag:s1] =	ssyncadd.s32 $0xFFFE8000  }
0xc9: {  	_ =	sfence.sel $0x180000  }
0xca: {  	[bflag:$0x0] =	sbarrier.arrive $0xFFFF  }
0xcb: {  	_ =	strace $0x90000047  }
0xcc: {  	s0 =	stileid.u32;
	[bflag:$0x2] =	sbarrier.arrive $0xFFFF  }
0xcd: {  	p0 =	sne.s32 s0, $0x0;
	s0 =	rddreg [dreg:$0x2]  }
0xce: {  	s0 =	sadd.s32 @!p0 $0x100000, s0  }
0xcf: {  	[sflag:s0] =	ssyncadd.tile.s32 @!p0 $0x1;
	_ =	shalt  }
.Lfunc_end2:
_tile_overlayer_lowered:
.L_overlay_start_2:
0xd0: {  	(tag) =	ssettag $0x2  }
0xd1: {  	s0 =	rddreg [dreg:$0x0];
	s2 =	stileid.u32  }
0xd2: {  	s1 =	rddreg [dreg:$0x1];
	p0 =	sne.s32 s2, $0x0  }
0xd3: {  	s3 =	rddreg [dreg:$0x2];
	[bflag:$0x3] =	sbarrier.arrive $0xFFFF;
	s2 =	simm.s32 @!p0 $0x1C02  }
0xd4: {  	[timem:s3], [sflag:s2] =	dma.local @!p0 [hbm:s0], s1  }
0xd5: {  	s0 =	simm.s32 @!p0 $0x2  }
0xd6: {  	_ =	swait.ge @!p0 [sflag:s0], s1  }
0xd7: {  	s1 =	ssub.s32 @!p0 $0x0, s1;
	[sflag:s0] =	ssyncset.done @!p0 $0x0  }
0xd8: {  	[sflag:s0] =	ssyncadd.s32 @!p0 s1  }
0xd9: {  	[bflag:$0x3] =	sbarrier.arrive $0xFFFF  }
0xda: {  	_ =	shalt  }

// kernel: kernel.9.cloned.1.call-start
scs
__scs_entry_jumppad:
0x0: {  	(pc) =	sbr.rel $0x88, $3  }
0x1: {  	(tag) =	ssettag $0x0;
	lr =	simm.s32 $0x1  }
0x2: {  	[smem:$0x3F9D] =	sst lr;
	_ =	strace $0xD0000000  }
0x3: {  	_ = 	snop  }
0x4: {  	_ = 	snop  }
0x5: {  	_ = 	snop  }
0x6: {  	_ = 	snop  }
0x7: {  	_ = 	snop  }
__scs_overlays_trampoline_lowered:
0x8: {  	[smem:$0x3FAC] =	sst s0  }
0x9: {  	[smem:$0x3FAD] =	sst s1  }
0xa: {  	[smem:$0x3FAE] =	sst s2  }
0xb: {  	[smem:$0x3FAF] =	sst s3  }
0xc: {  	[smem:$0x3FB0] =	sst s4  }
0xd: {  	[smem:$0x3FB1] =	sst s5  }
0xe: {  	[smem:$0x3FB2] =	sst s6  }
0xf: {  	[smem:$0x3FB3] =	sst s7  }
0x10: {  	[smem:$0x3FB4] =	sst s8  }
0x11: {  	[smem:$0x3FB5] =	sst s9;
	s0 =	simm.s32 @!p0 $0x0  }
0x12: {  	s1 =	sld [smem:$0x3F9B];
	s0 =	simm.s32 @p0 $0x1  }
0x13: {  	[smem:$0x3FB6] =	sst s0;
	s0 =	simm.s32 @!p1 $0x0  }
0x14: {  	s2 =	sld [smem:$0x3F9A];
	s0 =	simm.s32 @p1 $0x1  }
0x15: {  	[smem:$0x3FB7] =	sst s0;
	s0 =	simm.s32 @!p2 $0x0  }
0x16: {  	s3 =	sld [smem:$0x3FDB];
	s0 =	simm.s32 @p2 $0x1  }
0x17: {  	s4 =	simm.s32 $0x1BF5;
	[smem:$0x3FB9] =	sst s0  }
0x18: {  	s0 =	sld [smem:$0x3F9C];
	_ =	swait.ge [sflag:s4], $0x0  }
0x19: {  	s7 =	sld [smem:$0x3F9D]  }
0x1a: {  	s8 =	sadd.s32 $0xFFFFE003, lr  }
0x1b: {  	s9 =	sadd.s32 $0xFFFFFEF7, lr;
	s5 =	simm.s32 $0xFFFFFFFF;
	p2 =	slt.u32 s8, $0xFFFFF086  }
0x1c: {  	p1 =	slt.u32 s9, $0xF7A;
	s5 =	simm.s32 @!p2 $0x0  }
0x1d: {  	s5 =	simm.s32 @p1 $0x1;
	p0 =	seq.s32 s7, s2  }
0x1e: {  	s7 =	smul.u32 @!p0 $0xF7A, s2;
	p2 =	seq.s32 @!p0 s5, $0x0  }
0x1f: {  	s9 =	smul.u32 $0xF7A, s1;
	s8 =	simm.s32 @!p0 $0x1BF5;
	p2 =	por !p2, p0  }
0x20: {  	[sflag:s8] =	ssyncset.s32 @!p0 $0xFFFFF086;
	s6 =	sadd.s32 @!p0 s3, s7;
	s7 =	simm.s32 @!p0 $0x108  }
0x21: {  	s3 =	sadd.s32 s3, s9;
	s6 =	sadd.s32 @!p0 $0x88, s6;
	s7 =	simm.s32 @p2 $0x1082  }
0x22: {  	[simem:s7], [sflag:s8] =	dma.local @!p0 [hbm:s6], $0xF7A  }
0x23: {  	s9 =	sor.u32 $0xD0000000, s2;
	s6 =	simm.s32 $0x108;
	_ =	swait.ge @!p0 [sflag:s8], $0x0  }
0x24: {  	s3 =	sadd.s32 $0x88, s3;
	s6 =	simm.s32 @!p1 $0x1082;
	[sflag:s4] =	ssyncset.s32 $0xFFFFF086  }
0x25: {  	[simem:s6], [sflag:s4] =	dma.local [hbm:s3], $0xF7A  }
0x26: {  	[smem:$0x3F9D] =	sst s1;
	(tag) =	ssettag s2;
	_ =	strace s9  }
0x27: {  	s1 =	sld [smem:$0x3FAD]  }
0x28: {  	s2 =	sld [smem:$0x3FAE]  }
0x29: {  	s4 =	sld [smem:$0x3FB0]  }
0x2a: {  	p0 =	seq.s32 s5, $0x0;
	s5 =	sld [smem:$0x3FB1]  }
0x2b: {  	s6 =	sld [smem:$0x3FB2]  }
0x2c: {  	s7 =	sld [smem:$0x3FB3]  }
0x2d: {  	s3 =	simm.s32 $0x108;
	s8 =	sld [smem:$0x3FB4]  }
0x2e: {  	s3 =	simm.s32 @!p0 $0x1082;
	s9 =	sld [smem:$0x3FB5]  }
0x2f: {  	lr =	sadd.s32 s0, s3;
	s0 =	sld [smem:$0x3FAC]  }
0x30: {  	s3 =	sld [smem:$0x3FAF]  }
0x31: {  	[smem:$0x3FB8] =	sst s10  }
0x32: {  	s10 =	sld [smem:$0x3FB6];
	_ =	sdelay $0x3  }
0x33: {  	p0 =	seq.s32 s10, $0x1;
	s10 =	sld [smem:$0x3FB8];
	_ =	sdelay $0x3  }
0x34: {  	[smem:$0x3FB8] =	sst s10  }
0x35: {  	s10 =	sld [smem:$0x3FB7];
	_ =	sdelay $0x3  }
0x36: {  	p1 =	seq.s32 s10, $0x1;
	s10 =	sld [smem:$0x3FB8];
	_ =	sdelay $0x3  }
0x37: {  	[smem:$0x3FB8] =	sst s10  }
0x38: {  	s10 =	sld [smem:$0x3FB9]  }
0x39: {  	_ = 	snop;
	(pc) =	sbr.ind lr, $3  }
0x3a: {  	_ = 	snop  }
0x3b: {  	_ = 	snop  }
0x3c: {  	p2 =	seq.s32 s10, $0x1;
	s10 =	sld [smem:$0x3FB8]  }
0x3d: {  	_ =	shalt  }
0x3e: {  	_ =	shalt  }
0x3f: {  	_ =	shalt  }
0x40: {  	_ =	shalt  }
0x41: {  	_ =	shalt  }
0x42: {  	_ =	shalt  }
0x43: {  	_ =	shalt  }
0x44: {  	_ =	shalt  }
0x45: {  	_ =	shalt  }
0x46: {  	_ =	shalt  }
0x47: {  	_ =	shalt  }
0x48: {  	_ =	shalt  }
0x49: {  	_ =	shalt  }
0x4a: {  	_ =	shalt  }
0x4b: {  	_ =	shalt  }
0x4c: {  	_ =	shalt  }
0x4d: {  	_ =	shalt  }
0x4e: {  	_ =	shalt  }
0x4f: {  	_ =	shalt  }
0x50: {  	_ =	shalt  }
0x51: {  	_ =	shalt  }
0x52: {  	_ =	shalt  }
0x53: {  	_ =	shalt  }
0x54: {  	_ =	shalt  }
0x55: {  	_ =	shalt  }
0x56: {  	_ =	shalt  }
0x57: {  	_ =	shalt  }
0x58: {  	_ =	shalt  }
0x59: {  	_ =	shalt  }
0x5a: {  	_ =	shalt  }
0x5b: {  	_ =	shalt  }
0x5c: {  	_ =	shalt  }
0x5d: {  	_ =	shalt  }
0x5e: {  	_ =	shalt  }
0x5f: {  	_ =	shalt  }
0x60: {  	_ =	shalt  }
0x61: {  	_ =	shalt  }
0x62: {  	_ =	shalt  }
0x63: {  	_ =	shalt  }
0x64: {  	_ =	shalt  }
0x65: {  	_ =	shalt  }
0x66: {  	_ =	shalt  }
0x67: {  	_ =	shalt  }
0x68: {  	_ =	shalt  }
0x69: {  	_ =	shalt  }
0x6a: {  	_ =	shalt  }
0x6b: {  	_ =	shalt  }
0x6c: {  	_ =	shalt  }
0x6d: {  	_ =	shalt  }
0x6e: {  	_ =	shalt  }
0x6f: {  	_ =	shalt  }
0x70: {  	_ =	shalt  }
0x71: {  	_ =	shalt  }
0x72: {  	_ =	shalt  }
0x73: {  	_ =	shalt  }
0x74: {  	_ =	shalt  }
0x75: {  	_ =	shalt  }
0x76: {  	_ =	shalt  }
0x77: {  	_ =	shalt  }
0x78: {  	_ =	shalt  }
0x79: {  	_ =	shalt  }
0x7a: {  	_ =	shalt  }
0x7b: {  	_ =	shalt  }
0x7c: {  	_ =	shalt  }
0x7d: {  	_ =	shalt  }
0x7e: {  	_ =	shalt  }
0x7f: {  	_ =	shalt  }
0x80: {  	_ =	shalt  }
0x81: {  	_ =	shalt  }
0x82: {  	_ =	shalt  }
0x83: {  	_ =	shalt  }
0x84: {  	_ =	shalt  }
0x85: {  	_ =	shalt  }
0x86: {  	_ =	shalt  }
0x87: {  	_ =	shalt  }
.Lfunc_end0:
.L_simem_size_0:
called_computation.1_lowered:
.L_overlay_start_0:
0x88: {  	s2 =	sld [smem:$0x3FD9]  }
0x89: {  	s3 =	sld [smem:$0x3FFE];
	_ =	sdelay $0x1  }
0x8a: {  	s1 =	srdreg.scid  }
0x8b: {  	s0 =	sand.u32 $0x1, s1  }
0x8c: {  	s17 =	sshll.u32 s0, $0xA;
	s2 =	sadd.s32 s3, s2  }
0x8d: {  	s2 =	sadd.s32 s2, s17  }
0x8e: {  	[smem:$0x3FC4] =	sst s2  }
0x8f: {  	_ = 	snop  }
0x90: {  	s2 =	sld [smem:$0x3FD0];
	(tm) =	ssettm $0x1  }
0x91: {  	s18 =	sld [smem:$0x3FFB];
	_ =	sdelay $0x3  }
0x92: {  	_ =	strace s18  }
0x93: {  	s3 =	sld [smem:$0x3FFC];
	_ =	sdelay $0x3  }
0x94: {  	_ =	strace s3  }
0x95: {  	s3 =	sld [smem:$0x3FFD];
	_ =	sdelay $0x3  }
0x96: {  	_ =	strace s3  }
0x97: {  	_ =	strace $0x8FFFFFFF  }
0x98: {  	s19 =	sld [smem:$0x3FDB];
	_ =	sdelay $0x1  }
0x99: {  	s4 =	simm.s32 $_scs_section_size  }
0x9a: {  	s5 =	simm.s32 $_size__tile_overlayer_lowered;
	s6 =	simm.s32 $_tile_overlayer_lowered  }
0x9b: {  	s22 =	simm.s32 $0x1BFF;
	s21 =	sshll.u32 s6, $0x1;
	s3 =	sadd.s32 s4, s19  }
0x9c: {  	s7 =	simm.s32 $0x0;
	s20 =	sshll.u32 s5, $0x1;
	s5 =	sadd.s32 s21, s3  }
0x9d: {  	[timem:s7], [sflag:s22] =	dma.local [hbm:s5], s20  }
0x9e: {  	_ =	swait.ge [sflag:s22], s20  }
0x9f: {  	s4 =	ssub.s32 $0x0, s20;
	[sflag:s22] =	ssyncset.done $0x0  }
0xa0: {  	[sflag:s22] =	ssyncadd.s32 s4;
	_ =	sdelay $0x1  }
0xa1: {  	s23 =	simm.s32 $0x1B8B  }
0xa2: {  	_ =	swait.ge [sflag:s23], $0x1  }
0xa3: {  	[sflag:s23] =	ssyncset.done $0x0  }
0xa4: {  	s25 =	simm.s32 $0x1B8E;
	s24 =	sld [smem:$0x3FFE];
	[sflag:s23] =	ssyncadd.s32 $0xFFFFFFFF  }
0xa5: {  	s26 =	simm.s32 $execute0_lowered;
	[smem:$0x3FD2] =	sst s25  }
0xa6: {  	s5 =	sshll.u32 s26, $0x1;
	_ =	strace $0x80000049;
	[dreg:$0x1] =	wrdreg $0xFFFFFFFF  }
0xa7: {  	s28 =	simm.s32 $_size_execute0_lowered;
	s3 =	sadd.s32 s3, s5;
	[dreg:$0x0] =	wrdreg $0x0  }
0xa8: {  	s5 =	sshll.u32 s28, $0x1;
	[dreg:$0x2] =	wrdreg s3  }
0xa9: {  	[dreg:$0x3] =	wrdreg s5  }
0xaa: {  	[dreg:$0x4] =	wrdreg $0xC0  }
0xab: {  	_ =	task [dreg:s7], $0x5FFFF  }
0xac: {  	[dreg:$0x1] =	wrdreg $0xFFFFFFFF  }
0xad: {  	[dreg:$0x0] =	wrdreg $0x60  }
0xae: {  	[dreg:$0x2] =	wrdreg s24  }
0xaf: {  	[dreg:$0x3] =	wrdreg s2  }
0xb0: {  	[dreg:$0x4] =	wrdreg $0x9  }
0xb1: {  	_ =	task.clear_ibuf [dreg:s7], $0x5FFFF;
	_ =	strace $0x90000049  }
0xb2: {  	s29 =	simm.s32 $0x9;
	_ =	strace $0x8000004B  }
0xb3: {  	_ =	swait.ge [sflag:s29], $0x1  }
0xb4: {  	[sflag:s29] =	ssyncadd.s32 $0xFFFFFFFF  }
0xb5: {  	_ =	strace $0x9000004B  }
0xb6: {  	_ =	sfence  }
0xb7: {  	s30 =	sld [smem:$0x0];
	_ =	sdelay $0x2  }
0xb8: {  	s31 =	sshll.u32 s1, $0xD;
	s1 =	sshrl.u32 s1, $0x2  }
0xb9: {  	s3 =	sand.u32 $0x4000, s31;
	s1 =	sadd.s32 s1, s30  }
0xba: {  	s0 =	sor.u32 s3, s0;
	s1 =	sshll.u32 s1, $0x11  }
0xbb: {  	s0 =	sor.u32 s1, s0  }
0xbc: {  	s0 =	sadd.s32 $0x8F2B, s0  }
0xbd: {  	[sflag:s0] =	ssyncadd.remote.s32 $0x1  }
0xbe: {  	_ =	sfence.sel $0xFFFF  }
0xbf: {  	[dreg:$0x0] =	wrdreg $0xFFFFFFFF;
	(pc) =	sbr.abs _section_cstart, $3  }
0xc0: {  	[dreg:$0x1] =	wrdreg $0xFFFFFFFF  }
0xc1: {  	_ =	task.clear_ibuf [dreg:s7], $0x2FFFF;
	_ =	strace $0x9FFFFFFF  }
0xc2: {  	(tm) =	ssettm $0x7FFFFFFF  }
0xc3: {  	_ =	shalt  }
tec
execute0_lowered:
.L_overlay_start_1:
0x0: {  	(tag) =	ssettag $0x1  }
0x1: {  	s0 =	rddreg [dreg:$0x0]  }
0x2: {  	s2 =	rddreg [dreg:$0x1];
	s1 =	simm.s32 $0x0  }
0x3: {  	s4 =	srdreg.scid;
	s6 =	stileid.u32;
	s14 =	simm.s32 $0x4100  }
0x4: {  	s15 =	simm.s32 $0x17900;
	s16 =	simm.s32 $0x18100;
	s17 =	simm.s32 $0x18900  }
0x5: {  	s18 =	simm.s32 $0x19100;
	s19 =	simm.s32 $0x19900;
	s20 =	simm.s32 $0x1A100  }
0x6: {  	s21 =	simm.s32 $0x1A900;
	s22 =	simm.s32 $0x1B100;
	s23 =	simm.s32 $0x1B900  }
0x7: {  	s24 =	simm.s32 $0x1;
	s25 =	simm.s32 $0x2;
	s26 =	simm.s32 $0x0  }
0x8: {  	[smem:$0x7FF] =	sst s1;
	s3 =	sadd.s32 $0xD1C00, s0;
	s4 =	sand.u32 $0x1, s4  }
0x9: {  	s5 =	sadd.s32 $0x11A00, s0;
	s6 =	sshll.u32 s6, $0x7;
	s7 =	sshll.u32 s4, $0x6  }
0xa: {  	s8 =	sadd.s32 $0x1A00, s0;
	s4 =	ssub.s32 $0x2, s4;
	s6 =	sor.u32 s7, s6  }
0xb: {  	_ =	strace $0x8000004A;
	s30 =	sshrl.u32 s4, $0x1;
	s9 =	sshrl.u32 s6, $0x3  }
0xc: {  	s10 =	sor.u32 $0x800, s6;
	s11 =	ssub.s32 s4, s30;
	s6 =	sshll.u32 s6, $0x4  }
0xd: {  	s4 =	sadd.s32 s5, s9;
	s31 =	sshrl.u32 s10, $0x3;
	s10 =	sshll.u32 s10, $0x4  }
0xe: {  	v2 =	vlaneseq.u32;
	s12 =	smul.u32 $0x300, s9;
	s6 =	sadd.s32 s8, s6;
	s9 =	sadd.s32 $0xD1E00, s0  }
0xf: {  	vm0 =	vmmov $0xffff;
	v1 =	vshrl.u32 v2, $0x3;
	s11 =	smax.u32 s11, $0x1;
	s5 =	sadd.s32 s5, s31;
	s7 =	sadd.s32 s8, s10  }
0x10: {  	v0 =	vand.u32 $0x7, v2;
	v2 =	vor.u32 $0x8, v2;
	v1 =	vmul.u32 $0x8, v1;
	s8 =	sadd.s32 $0xD1D00, s0;
	s10 =	sadd.s32 s2, s12;
	s12 =	simm.s32 $0x3  }
.LBB2_1:
0x11: {  	[tilespmem:s1], [sflag:$0x3] =	stream.linear.gather [hbm4b:s4+s1], $0x40, $0x38;
	[tilespmem:$0x1C100] =	vst v63  }
0x12: {  	_ =	swait.ge [sflag:s12], $0x40  }
0x13: {  	[sflag:s12] =	ssyncset.done $0x0  }
0x14: {  	s0 =	simm.s32 $0x80;
	[sflag:s12] =	ssyncadd.s32 $0xFFFFFFC0  }
0x15: {  	[tilespmem:s0], [sflag:$0x3] =	stream.linear.gather [hbm4b:s5+s1], $0x40, $0x38;
	[tilespmem:$0x1C100] =	vst v63  }
0x16: {  	_ =	swait.ge [sflag:s12], $0x40  }
0x17: {  	[sflag:s12] =	ssyncset.done $0x0  }
0x18: {  	s28 =	simm.s32 $0x100;
	[sflag:s12] =	ssyncadd.s32 $0xFFFFFFC0  }
0x19: {  	[tilespmem:s28], [sflag:$0x3] =	stream.linear.gather [hbm4b:s6+s1], $0x2000, $0x38;
	[tilespmem:$0x1C100] =	vst v63  }
0x1a: {  	_ =	swait.ge [sflag:s12], $0x2000  }
0x1b: {  	[sflag:s12] =	ssyncset.done $0x0  }
0x1c: {  	s29 =	simm.s32 $0x2100;
	[sflag:s12] =	ssyncadd.s32 $0xFFFFE000  }
0x1d: {  	[tilespmem:s29], [sflag:$0x3] =	stream.linear.gather [hbm4b:s7+s1], $0x2000, $0x38;
	[tilespmem:$0x1C100] =	vst v63  }
0x1e: {  	_ =	swait.ge [sflag:s12], $0x2000  }
0x1f: {  	[sflag:s12] =	ssyncset.done $0x0  }
0x20: {  	[sflag:s12] =	ssyncadd.s32 $0xFFFFE000  }
0x21: {  	v3 =	vld [tilespmem:$0x0];
	_ =	sdelay $0x4  }
0x22: {  	v4 =	vshrl.u32 v3, $0x3  }
0x23: {  	v4 =	vmul.u32 $0x30, v4  }
0x24: {  	v3 =	vand.u32 $0x7, v3  }
0x25: {  	v3 =	vor.u32 v3, v4  }
0x26: {  	v4 =	vperm.xlane v3, v0;
	_ =	sdelay $0x1  }
0x27: {  	v4 =	vadd.s32 v1, v4;
	_ =	sdelay $0x3  }
0x28: {  	v3 =	vperm.xlane v3, v2  }
0x29: {  	[tilespmem:s14], [sflag:$0x1] =	stream.indirect_vreg.gather [hbm4b:s3+s1], $0x80, v4, vm0, $0xb8;
	[tilespmem:$0x1C100] =	vst v63  }
0x2a: {  	s13 =	simm.s32 $0x4900;
	v3 =	vadd.s32 v1, v3  }
0x2b: {  	[tilespmem:s13], [sflag:$0x1] =	stream.indirect_vreg.gather [hbm4b:s8+s1], $0x80, v4, vm0, $0xb8;
	[tilespmem:$0x1C100] =	vst v63  }
0x2c: {  	s2 =	simm.s32 $0x5100  }
0x2d: {  	[tilespmem:s2], [sflag:$0x1] =	stream.indirect_vreg.gather [hbm4b:s9+s1], $0x80, v4, vm0, $0xb8;
	[tilespmem:$0x1C100] =	vst v63  }
0x2e: {  	s13 =	simm.s32 $0x5900  }
0x2f: {  	[tilespmem:s13], [sflag:$0x1] =	stream.indirect_vreg.gather [hbm4b:s3+s1], $0x80, v3, vm0, $0xb8;
	[tilespmem:$0x1C100] =	vst v63  }
0x30: {  	s2 =	simm.s32 $0x6100  }
0x31: {  	[tilespmem:s2], [sflag:$0x1] =	stream.indirect_vreg.gather [hbm4b:s8+s1], $0x80, v3, vm0, $0xb8;
	[tilespmem:$0x1C100] =	vst v63  }
0x32: {  	s13 =	simm.s32 $0x6900  }
0x33: {  	[tilespmem:s13], [sflag:$0x1] =	stream.indirect_vreg.gather [hbm4b:s9+s1], $0x80, v3, vm0, $0xb8;
	[tilespmem:$0x1C100] =	vst v63  }
0x34: {  	v3 =	vld [tilespmem:$0x10];
	_ =	sdelay $0x4  }
0x35: {  	v4 =	vshrl.u32 v3, $0x3  }
0x36: {  	v4 =	vmul.u32 $0x30, v4  }
0x37: {  	v3 =	vand.u32 $0x7, v3  }
0x38: {  	v3 =	vor.u32 v3, v4  }
0x39: {  	v4 =	vperm.xlane v3, v0;
	_ =	sdelay $0x1  }
0x3a: {  	v4 =	vadd.s32 v1, v4;
	_ =	sdelay $0x3  }
0x3b: {  	s2 =	simm.s32 $0x7100;
	v3 =	vperm.xlane v3, v2  }
0x3c: {  	[tilespmem:s2], [sflag:$0x1] =	stream.indirect_vreg.gather [hbm4b:s3+s1], $0x80, v4, vm0, $0xb8;
	[tilespmem:$0x1C100] =	vst v63  }
0x3d: {  	s13 =	simm.s32 $0x7900;
	v3 =	vadd.s32 v1, v3  }
0x3e: {  	[tilespmem:s13], [sflag:$0x1] =	stream.indirect_vreg.gather [hbm4b:s8+s1], $0x80, v4, vm0, $0xb8;
	[tilespmem:$0x1C100] =	vst v63  }
0x3f: {  	s2 =	simm.s32 $0x8100  }
0x40: {  	[tilespmem:s2], [sflag:$0x1] =	stream.indirect_vreg.gather [hbm4b:s9+s1], $0x80, v4, vm0, $0xb8;
	[tilespmem:$0x1C100] =	vst v63  }
0x41: {  	s13 =	simm.s32 $0x8900  }
0x42: {  	[tilespmem:s13], [sflag:$0x1] =	stream.indirect_vreg.gather [hbm4b:s3+s1], $0x80, v3, vm0, $0xb8;
	[tilespmem:$0x1C100] =	vst v63  }
0x43: {  	s2 =	simm.s32 $0x9100  }
0x44: {  	[tilespmem:s2], [sflag:$0x1] =	stream.indirect_vreg.gather [hbm4b:s8+s1], $0x80, v3, vm0, $0xb8;
	[tilespmem:$0x1C100] =	vst v63  }
0x45: {  	s13 =	simm.s32 $0x9900  }
0x46: {  	[tilespmem:s13], [sflag:$0x1] =	stream.indirect_vreg.gather [hbm4b:s9+s1], $0x80, v3, vm0, $0xb8;
	[tilespmem:$0x1C100] =	vst v63  }
0x47: {  	v3 =	vld [tilespmem:$0x20];
	_ =	sdelay $0x4  }
0x48: {  	v4 =	vshrl.u32 v3, $0x3  }
0x49: {  	v4 =	vmul.u32 $0x30, v4  }
0x4a: {  	v3 =	vand.u32 $0x7, v3  }
0x4b: {  	v3 =	vor.u32 v3, v4  }
0x4c: {  	v4 =	vperm.xlane v3, v0;
	_ =	sdelay $0x1  }
0x4d: {  	v4 =	vadd.s32 v1, v4;
	_ =	sdelay $0x3  }
0x4e: {  	s2 =	simm.s32 $0xA100;
	v3 =	vperm.xlane v3, v2  }
0x4f: {  	[tilespmem:s2], [sflag:$0x1] =	stream.indirect_vreg.gather [hbm4b:s3+s1], $0x80, v4, vm0, $0xb8;
	[tilespmem:$0x1C100] =	vst v63  }
0x50: {  	s13 =	simm.s32 $0xA900;
	v3 =	vadd.s32 v1, v3  }
0x51: {  	[tilespmem:s13], [sflag:$0x1] =	stream.indirect_vreg.gather [hbm4b:s8+s1], $0x80, v4, vm0, $0xb8;
	[tilespmem:$0x1C100] =	vst v63  }
0x52: {  	s2 =	simm.s32 $0xB100  }
0x53: {  	[tilespmem:s2], [sflag:$0x1] =	stream.indirect_vreg.gather [hbm4b:s9+s1], $0x80, v4, vm0, $0xb8;
	[tilespmem:$0x1C100] =	vst v63  }
0x54: {  	s13 =	simm.s32 $0xB900  }
0x55: {  	[tilespmem:s13], [sflag:$0x1] =	stream.indirect_vreg.gather [hbm4b:s3+s1], $0x80, v3, vm0, $0xb8;
	[tilespmem:$0x1C100] =	vst v63  }
0x56: {  	s2 =	simm.s32 $0xC100  }
0x57: {  	[tilespmem:s2], [sflag:$0x1] =	stream.indirect_vreg.gather [hbm4b:s8+s1], $0x80, v3, vm0, $0xb8;
	[tilespmem:$0x1C100] =	vst v63  }
0x58: {  	s13 =	simm.s32 $0xC900  }
0x59: {  	[tilespmem:s13], [sflag:$0x1] =	stream.indirect_vreg.gather [hbm4b:s9+s1], $0x80, v3, vm0, $0xb8;
	[tilespmem:$0x1C100] =	vst v63  }
0x5a: {  	v3 =	vld [tilespmem:$0x30];
	_ =	sdelay $0x4  }
0x5b: {  	v4 =	vshrl.u32 v3, $0x3  }
0x5c: {  	v4 =	vmul.u32 $0x30, v4  }
0x5d: {  	v3 =	vand.u32 $0x7, v3  }
0x5e: {  	v3 =	vor.u32 v3, v4  }
0x5f: {  	v4 =	vperm.xlane v3, v0;
	_ =	sdelay $0x1  }
0x60: {  	v4 =	vadd.s32 v1, v4;
	_ =	sdelay $0x3  }
0x61: {  	s2 =	simm.s32 $0xD100;
	v3 =	vperm.xlane v3, v2  }
0x62: {  	[tilespmem:s2], [sflag:$0x1] =	stream.indirect_vreg.gather [hbm4b:s3+s1], $0x80, v4, vm0, $0xb8;
	[tilespmem:$0x1C100] =	vst v63  }
0x63: {  	s13 =	simm.s32 $0xD900;
	v3 =	vadd.s32 v1, v3  }
0x64: {  	[tilespmem:s13], [sflag:$0x1] =	stream.indirect_vreg.gather [hbm4b:s8+s1], $0x80, v4, vm0, $0xb8;
	[tilespmem:$0x1C100] =	vst v63  }
0x65: {  	s2 =	simm.s32 $0xE100  }
0x66: {  	[tilespmem:s2], [sflag:$0x1] =	stream.indirect_vreg.gather [hbm4b:s9+s1], $0x80, v4, vm0, $0xb8;
	[tilespmem:$0x1C100] =	vst v63  }
0x67: {  	s13 =	simm.s32 $0xE900  }
0x68: {  	[tilespmem:s13], [sflag:$0x1] =	stream.indirect_vreg.gather [hbm4b:s3+s1], $0x80, v3, vm0, $0xb8;
	[tilespmem:$0x1C100] =	vst v63  }
0x69: {  	s2 =	simm.s32 $0xF100  }
0x6a: {  	[tilespmem:s2], [sflag:$0x1] =	stream.indirect_vreg.gather [hbm4b:s8+s1], $0x80, v3, vm0, $0xb8;
	[tilespmem:$0x1C100] =	vst v63  }
0x6b: {  	s13 =	simm.s32 $0xF900  }
0x6c: {  	[tilespmem:s13], [sflag:$0x1] =	stream.indirect_vreg.gather [hbm4b:s9+s1], $0x80, v3, vm0, $0xb8;
	[tilespmem:$0x1C100] =	vst v63  }
0x6d: {  	v3 =	vld [tilespmem:$0x80];
	_ =	sdelay $0x4  }
0x6e: {  	v4 =	vshrl.u32 v3, $0x3  }
0x6f: {  	v4 =	vmul.u32 $0x30, v4  }
0x70: {  	v3 =	vand.u32 $0x7, v3  }
0x71: {  	v3 =	vor.u32 v3, v4  }
0x72: {  	v4 =	vperm.xlane v3, v0;
	_ =	sdelay $0x1  }
0x73: {  	v4 =	vadd.s32 v1, v4;
	_ =	sdelay $0x3  }
0x74: {  	s2 =	simm.s32 $0x10100;
	v3 =	vperm.xlane v3, v2  }
0x75: {  	[tilespmem:s2], [sflag:$0x2] =	stream.indirect_vreg.gather [hbm4b:s3+s1], $0x80, v4, vm0, $0xb8;
	[tilespmem:$0x1C100] =	vst v63  }
0x76: {  	s13 =	simm.s32 $0x10900;
	v3 =	vadd.s32 v1, v3  }
0x77: {  	[tilespmem:s13], [sflag:$0x2] =	stream.indirect_vreg.gather [hbm4b:s8+s1], $0x80, v4, vm0, $0xb8;
	[tilespmem:$0x1C100] =	vst v63  }
0x78: {  	s2 =	simm.s32 $0x11100  }
0x79: {  	[tilespmem:s2], [sflag:$0x2] =	stream.indirect_vreg.gather [hbm4b:s9+s1], $0x80, v4, vm0, $0xb8;
	[tilespmem:$0x1C100] =	vst v63  }
0x7a: {  	s13 =	simm.s32 $0x11900  }
0x7b: {  	[tilespmem:s13], [sflag:$0x2] =	stream.indirect_vreg.gather [hbm4b:s3+s1], $0x80, v3, vm0, $0xb8;
	[tilespmem:$0x1C100] =	vst v63  }
0x7c: {  	s2 =	simm.s32 $0x12100  }
0x7d: {  	[tilespmem:s2], [sflag:$0x2] =	stream.indirect_vreg.gather [hbm4b:s8+s1], $0x80, v3, vm0, $0xb8;
	[tilespmem:$0x1C100] =	vst v63  }
0x7e: {  	s13 =	simm.s32 $0x12900  }
0x7f: {  	[tilespmem:s13], [sflag:$0x2] =	stream.indirect_vreg.gather [hbm4b:s9+s1], $0x80, v3, vm0, $0xb8;
	[tilespmem:$0x1C100] =	vst v63  }
0x80: {  	v3 =	vld [tilespmem:$0x90];
	_ =	sdelay $0x4  }
0x81: {  	v4 =	vshrl.u32 v3, $0x3  }
0x82: {  	v4 =	vmul.u32 $0x30, v4  }
0x83: {  	v3 =	vand.u32 $0x7, v3  }
0x84: {  	v3 =	vor.u32 v3, v4  }
0x85: {  	v4 =	vperm.xlane v3, v0;
	_ =	sdelay $0x1  }
0x86: {  	v4 =	vadd.s32 v1, v4;
	_ =	sdelay $0x3  }
0x87: {  	s2 =	simm.s32 $0x13100;
	v3 =	vperm.xlane v3, v2  }
0x88: {  	[tilespmem:s2], [sflag:$0x2] =	stream.indirect_vreg.gather [hbm4b:s3+s1], $0x80, v4, vm0, $0xb8;
	[tilespmem:$0x1C100] =	vst v63  }
0x89: {  	s13 =	simm.s32 $0x13900;
	v3 =	vadd.s32 v1, v3  }
0x8a: {  	[tilespmem:s13], [sflag:$0x2] =	stream.indirect_vreg.gather [hbm4b:s8+s1], $0x80, v4, vm0, $0xb8;
	[tilespmem:$0x1C100] =	vst v63  }
0x8b: {  	s2 =	simm.s32 $0x14100  }
0x8c: {  	[tilespmem:s2], [sflag:$0x2] =	stream.indirect_vreg.gather [hbm4b:s9+s1], $0x80, v4, vm0, $0xb8;
	[tilespmem:$0x1C100] =	vst v63  }
0x8d: {  	s13 =	simm.s32 $0x14900  }
0x8e: {  	[tilespmem:s13], [sflag:$0x2] =	stream.indirect_vreg.gather [hbm4b:s3+s1], $0x80, v3, vm0, $0xb8;
	[tilespmem:$0x1C100] =	vst v63  }
0x8f: {  	s2 =	simm.s32 $0x15100  }
0x90: {  	[tilespmem:s2], [sflag:$0x2] =	stream.indirect_vreg.gather [hbm4b:s8+s1], $0x80, v3, vm0, $0xb8;
	[tilespmem:$0x1C100] =	vst v63  }
0x91: {  	s13 =	simm.s32 $0x15900  }
0x92: {  	[tilespmem:s13], [sflag:$0x2] =	stream.indirect_vreg.gather [hbm4b:s9+s1], $0x80, v3, vm0, $0xb8;
	[tilespmem:$0x1C100] =	vst v63  }
0x93: {  	v3 =	vld [tilespmem:$0xA0];
	_ =	sdelay $0x4  }
0x94: {  	v4 =	vshrl.u32 v3, $0x3  }
0x95: {  	v4 =	vmul.u32 $0x30, v4  }
0x96: {  	v3 =	vand.u32 $0x7, v3  }
0x97: {  	v3 =	vor.u32 v3, v4  }
0x98: {  	v4 =	vperm.xlane v3, v0;
	_ =	sdelay $0x1  }
0x99: {  	v4 =	vadd.s32 v1, v4;
	_ =	sdelay $0x3  }
0x9a: {  	s2 =	simm.s32 $0x16100;
	v3 =	vperm.xlane v3, v2  }
0x9b: {  	[tilespmem:s2], [sflag:$0x2] =	stream.indirect_vreg.gather [hbm4b:s3+s1], $0x80, v4, vm0, $0xb8;
	[tilespmem:$0x1C100] =	vst v63  }
0x9c: {  	s13 =	simm.s32 $0x16900;
	v3 =	vadd.s32 v1, v3  }
0x9d: {  	[tilespmem:s13], [sflag:$0x2] =	stream.indirect_vreg.gather [hbm4b:s8+s1], $0x80, v4, vm0, $0xb8;
	[tilespmem:$0x1C100] =	vst v63  }
0x9e: {  	s2 =	simm.s32 $0x17100  }
0x9f: {  	[tilespmem:s2], [sflag:$0x2] =	stream.indirect_vreg.gather [hbm4b:s9+s1], $0x80, v4, vm0, $0xb8;
	[tilespmem:$0x1C100] =	vst v63  }
0xa0: {  	_ = 	snop  }
0xa1: {  	[tilespmem:s15], [sflag:$0x2] =	stream.indirect_vreg.gather [hbm4b:s3+s1], $0x80, v3, vm0, $0xb8;
	[tilespmem:$0x1C100] =	vst v63  }
0xa2: {  	_ = 	snop  }
0xa3: {  	[tilespmem:s16], [sflag:$0x2] =	stream.indirect_vreg.gather [hbm4b:s8+s1], $0x80, v3, vm0, $0xb8;
	[tilespmem:$0x1C100] =	vst v63  }
0xa4: {  	_ = 	snop  }
0xa5: {  	[tilespmem:s17], [sflag:$0x2] =	stream.indirect_vreg.gather [hbm4b:s9+s1], $0x80, v3, vm0, $0xb8;
	[tilespmem:$0x1C100] =	vst v63  }
0xa6: {  	v3 =	vld [tilespmem:$0xB0];
	_ =	sdelay $0x4  }
0xa7: {  	v4 =	vshrl.u32 v3, $0x3  }
0xa8: {  	v4 =	vmul.u32 $0x30, v4  }
0xa9: {  	v3 =	vand.u32 $0x7, v3  }
0xaa: {  	v3 =	vor.u32 v3, v4  }
0xab: {  	v4 =	vperm.xlane v3, v0;
	_ =	sdelay $0x1  }
0xac: {  	v4 =	vadd.s32 v1, v4;
	_ =	sdelay $0x3  }
0xad: {  	v3 =	vperm.xlane v3, v2  }
0xae: {  	[tilespmem:s18], [sflag:$0x2] =	stream.indirect_vreg.gather [hbm4b:s3+s1], $0x80, v4, vm0, $0xb8;
	[tilespmem:$0x1C100] =	vst v63  }
0xaf: {  	v3 =	vadd.s32 v1, v3  }
0xb0: {  	[tilespmem:s19], [sflag:$0x2] =	stream.indirect_vreg.gather [hbm4b:s8+s1], $0x80, v4, vm0, $0xb8;
	[tilespmem:$0x1C100] =	vst v63  }
0xb1: {  	_ = 	snop  }
0xb2: {  	[tilespmem:s20], [sflag:$0x2] =	stream.indirect_vreg.gather [hbm4b:s9+s1], $0x80, v4, vm0, $0xb8;
	[tilespmem:$0x1C100] =	vst v63  }
0xb3: {  	_ = 	snop  }
0xb4: {  	[tilespmem:s21], [sflag:$0x2] =	stream.indirect_vreg.gather [hbm4b:s3+s1], $0x80, v3, vm0, $0xb8;
	[tilespmem:$0x1C100] =	vst v63  }
0xb5: {  	_ = 	snop  }
0xb6: {  	[tilespmem:s22], [sflag:$0x2] =	stream.indirect_vreg.gather [hbm4b:s8+s1], $0x80, v3, vm0, $0xb8;
	[tilespmem:$0x1C100] =	vst v63  }
0xb7: {  	_ = 	snop  }
0xb8: {  	[tilespmem:s23], [sflag:$0x2] =	stream.indirect_vreg.gather [hbm4b:s9+s1], $0x80, v3, vm0, $0xb8;
	[tilespmem:$0x1C100] =	vst v63  }
0xb9: {  	_ =	swait.ge [sflag:s24], $0xC000  }
0xba: {  	[sflag:s24] =	ssyncset.done $0x0  }
0xbb: {  	s13 =	simm.s32 $0x0;
	[sflag:s24] =	ssyncadd.s32 $0xFFFF4000  }
0xbc: {  	s0 =	smul.u32 $0x1800, s13;
	_ =	swait.ge [sflag:s25], $0xC000  }
0xbd: {  	s30 =	sand.u32 $0x380, s1;
	[sflag:s25] =	ssyncset.done $0x0  }
0xbe: {  	s0 =	sor.u32 s30, s0;
	[sflag:s25] =	ssyncadd.s32 $0xFFFF4000  }
0xbf: {  	v4 =	vld [tilespmem:s0+$0x4110]  }
0xc0: {  	v3 =	vld [tilespmem:s0+$0x10110]  }
0xc1: {  	v6 =	vld [tilespmem:s0+$0x4120]  }
0xc2: {  	v5 =	vld [tilespmem:s0+$0x10120]  }
0xc3: {  	v10 =	vld [tilespmem:s0+$0x4130]  }
0xc4: {  	v9 =	vld [tilespmem:s0+$0x10130]  }
0xc5: {  	v12 =	vld [tilespmem:s0+$0x4140]  }
0xc6: {  	v11 =	vld [tilespmem:s0+$0x10140]  }
0xc7: {  	v13 =	vld [tilespmem:s0+$0x4160]  }
0xc8: {  	v14 =	vld [tilespmem:s0+$0x4170]  }
0xc9: {  	v15 =	vld [tilespmem:s0+$0x4500]  }
0xca: {  	v16 =	vld [tilespmem:s0+$0x4510]  }
0xcb: {  	v17 =	vld [tilespmem:s0+$0x4520]  }
0xcc: {  	v18 =	vld [tilespmem:s0+$0x4530]  }
0xcd: {  	v19 =	vld [tilespmem:s0+$0x4540]  }
0xce: {  	v20 =	vld [tilespmem:s0+$0x4550]  }
0xcf: {  	v21 =	vld [tilespmem:s0+$0x4560]  }
0xd0: {  	v22 =	vld [tilespmem:s0+$0x4570]  }
0xd1: {  	v23 =	vld [tilespmem:s0+$0x4900]  }
0xd2: {  	v24 =	vld [tilespmem:s0+$0x4910]  }
0xd3: {  	v25 =	vld [tilespmem:s0+$0x4920]  }
0xd4: {  	v26 =	vld [tilespmem:s0+$0x4930]  }
0xd5: {  	v27 =	vld [tilespmem:s0+$0x4940]  }
0xd6: {  	v28 =	vld [tilespmem:s0+$0x4950]  }
0xd7: {  	v29 =	vld [tilespmem:s0+$0x4960]  }
0xd8: {  	v30 =	vld [tilespmem:s0+$0x4970]  }
0xd9: {  	v31 =	vld [tilespmem:s0+$0x4D00]  }
0xda: {  	v32 =	vld [tilespmem:s0+$0x4D10]  }
0xdb: {  	v33 =	vld [tilespmem:s0+$0x4D20]  }
0xdc: {  	v34 =	vld [tilespmem:s0+$0x4D30]  }
0xdd: {  	v35 =	vld [tilespmem:s0+$0x4D40]  }
0xde: {  	v36 =	vld [tilespmem:s0+$0x4D50]  }
0xdf: {  	v37 =	vld [tilespmem:s0+$0x4D60]  }
0xe0: {  	v38 =	vld [tilespmem:s0+$0x4D70]  }
0xe1: {  	v39 =	vld [tilespmem:s0+$0x5100]  }
0xe2: {  	v40 =	vld [tilespmem:s0+$0x5110]  }
0xe3: {  	v41 =	vld [tilespmem:s0+$0x5120]  }
0xe4: {  	v42 =	vld [tilespmem:s0+$0x5130]  }
0xe5: {  	v43 =	vld [tilespmem:s0+$0x5140]  }
0xe6: {  	v44 =	vld [tilespmem:s0+$0x5150]  }
0xe7: {  	v45 =	vld [tilespmem:s0+$0x5160]  }
0xe8: {  	v46 =	vld [tilespmem:s0+$0x5500]  }
0xe9: {  	v47 =	vld [tilespmem:s0+$0x5510]  }
0xea: {  	v48 =	vld [tilespmem:s0+$0x11510]  }
0xeb: {  	v49 =	vld [tilespmem:s0+$0x11530]  }
0xec: {  	v50 =	vld [tilespmem:s0+$0x5530]  }
0xed: {  	v51 =	vld [tilespmem:s0+$0x5520]  }
0xee: {  	v7 =	vld [tilespmem:s28+$0x0]  }
0xef: {  	v8 =	vld [tilespmem:s29+$0x0]  }
0xf0: {  	v52 =	vld [tilespmem:s0+$0x11520]  }
0xf1: {  	v53 =	vld [tilespmem:s0+$0x11500]  }
0xf2: {  	v54 =	vld [tilespmem:s0+$0x5170]  }
0xf3: {  	v55 =	vld [tilespmem:s0+$0x11170];
	v50 =	vmul.f32 v50, v7  }
0xf4: {  	v56 =	vld [tilespmem:s0+$0x11160];
	v49 =	vmul.f32 v49, v8;
	v51 =	vmul.f32 v51, v7  }
0xf5: {  	v57 =	vld [tilespmem:s0+$0x11150];
	v52 =	vmul.f32 v52, v8;
	v47 =	vmul.f32 v47, v7  }
0xf6: {  	v61 =	vld [tilespmem:s0+$0x11100];
	v48 =	vmul.f32 v48, v8;
	v46 =	vmul.f32 v46, v7  }
0xf7: {  	v58 =	vld [tilespmem:s0+$0x11140];
	v62 =	vmul.f32 v53, v8;
	v63 =	vmul.f32 v54, v7;
	v49 =	vadd.f32 v49, v50  }
0xf8: {  	v53 =	vld [tilespmem:s0+$0x11130];
	v59 =	vmul.f32 v55, v8;
	v45 =	vmul.f32 v45, v7;
	v51 =	vadd.f32 v52, v51  }
0xf9: {  	v60 =	vmul.f32 v56, v8;
	v44 =	vmul.f32 v44, v7;
	v56 =	vld [tilespmem:s0+$0x10D60];
	v47 =	vadd.f32 v48, v47;
	[tilespmem:s0+$0x5530] =	vst v49  }
0xfa: {  	v43 =	vmul.f32 v43, v7;
	v39 =	vmul.f32 v39, v7;
	v55 =	vld [tilespmem:s0+$0x10970];
	v46 =	vadd.f32 v62, v46;
	[tilespmem:s0+$0x5520] =	vst v51  }
0xfb: {  	v61 =	vmul.f32 v61, v8;
	v12 =	vmul.f32 v12, v7;
	v48 =	vld [tilespmem:s0+$0x11120];
	v52 =	vadd.f32 v59, v63;
	[tilespmem:s0+$0x5510] =	vst v47  }
0xfc: {  	v11 =	vmul.f32 v11, v8;
	v63 =	vmul.f32 v58, v8;
	v45 =	vadd.f32 v60, v45;
	v58 =	vld [tilespmem:s0+$0x10D50];
	[tilespmem:s0+$0x5500] =	vst v46  }
0xfd: {  	v42 =	vmul.f32 v42, v7;
	v62 =	vmul.f32 v57, v8;
	v59 =	vld [tilespmem:s0+$0x10D40];
	v39 =	vadd.f32 v61, v39;
	[tilespmem:s0+$0x5170] =	vst v52  }
0xfe: {  	v41 =	vmul.f32 v41, v7;
	v40 =	vmul.f32 v40, v7;
	v60 =	vld [tilespmem:s0+$0x10D30];
	v11 =	vadd.f32 v11, v12;
	[tilespmem:s0+$0x5160] =	vst v45  }
0xff: {  	v38 =	vmul.f32 v38, v7;
	v61 =	vld [tilespmem:s0+$0x10910];
	v44 =	vadd.f32 v62, v44;
	[tilespmem:s0+$0x5100] =	vst v39;
	v57 =	vmul.f32 v53, v8  }
0x100: {  	v37 =	vmul.f32 v37, v7;
	v49 =	vld [tilespmem:s0+$0x11110];
	v43 =	vadd.f32 v63, v43;
	[tilespmem:s0+$0x4140] =	vst v11;
	v46 =	vmul.f32 v56, v8  }
0x101: {  	v36 =	vmul.f32 v36, v7;
	v47 =	vld [tilespmem:s0+$0x10D70];
	[tilespmem:s0+$0x5150] =	vst v44;
	v48 =	vmul.f32 v48, v8;
	v42 =	vadd.f32 v57, v42  }
0x102: {  	v35 =	vmul.f32 v35, v7;
	v62 =	vld [tilespmem:s0+$0x10D20];
	[tilespmem:s0+$0x5140] =	vst v43;
	v54 =	vmul.f32 v58, v8;
	v37 =	vadd.f32 v46, v37  }
0x103: {  	v34 =	vmul.f32 v34, v7;
	v63 =	vld [tilespmem:s0+$0x10D10];
	v45 =	vmul.f32 v59, v8;
	v41 =	vadd.f32 v48, v41;
	[tilespmem:s0+$0x5130] =	vst v42  }
0x104: {  	v33 =	vmul.f32 v33, v7;
	v56 =	vld [tilespmem:s0+$0x10960];
	v44 =	vmul.f32 v60, v8;
	v36 =	vadd.f32 v54, v36;
	[tilespmem:s0+$0x4D60] =	vst v37  }
0x105: {  	v32 =	vmul.f32 v32, v7;
	v53 =	vld [tilespmem:s0+$0x10D00];
	v49 =	vmul.f32 v49, v8;
	v35 =	vadd.f32 v45, v35;
	[tilespmem:s0+$0x5120] =	vst v41  }
0x106: {  	v6 =	vmul.f32 v6, v7;
	v12 =	vld [tilespmem:s0+$0x5560];
	v47 =	vmul.f32 v47, v8;
	v34 =	vadd.f32 v44, v34;
	[tilespmem:s0+$0x4D50] =	vst v36  }
0x107: {  	v5 =	vmul.f32 v5, v8;
	v58 =	vld [tilespmem:s0+$0x10940];
	v43 =	vmul.f32 v62, v8;
	v40 =	vadd.f32 v49, v40;
	[tilespmem:s0+$0x4D40] =	vst v35  }
0x108: {  	v29 =	vmul.f32 v29, v7;
	v59 =	vld [tilespmem:s0+$0x10930];
	v42 =	vmul.f32 v63, v8;
	v38 =	vadd.f32 v47, v38;
	[tilespmem:s0+$0x4D30] =	vst v34  }
0x109: {  	v5 =	vadd.f32 v5, v6;
	v6 =	vld [tilespmem:s0+$0x4100];
	v39 =	vmul.f32 v56, v8;
	v33 =	vadd.f32 v43, v33;
	[tilespmem:s0+$0x5110] =	vst v40  }
0x10a: {  	v31 =	vmul.f32 v31, v7;
	v60 =	vld [tilespmem:s0+$0x10920];
	v41 =	vmul.f32 v53, v8;
	v32 =	vadd.f32 v42, v32;
	[tilespmem:s0+$0x4D70] =	vst v38  }
0x10b: {  	v24 =	vmul.f32 v24, v7;
	v57 =	vld [tilespmem:s0+$0x10950];
	v34 =	vmul.f32 v61, v8;
	v29 =	vadd.f32 v39, v29;
	[tilespmem:s0+$0x4D20] =	vst v33  }
0x10c: {  	v27 =	vmul.f32 v27, v7;
	v62 =	vld [tilespmem:s0+$0x10900];
	v37 =	vmul.f32 v58, v8;
	v31 =	vadd.f32 v41, v31;
	[tilespmem:s0+$0x4D10] =	vst v32  }
0x10d: {  	v26 =	vmul.f32 v26, v7;
	v63 =	vld [tilespmem:s0+$0x10570];
	v36 =	vmul.f32 v59, v8;
	v24 =	vadd.f32 v34, v24;
	[tilespmem:s0+$0x4960] =	vst v29  }
0x10e: {  	v30 =	vmul.f32 v30, v7;
	v40 =	vmul.f32 v55, v8;
	v27 =	vadd.f32 v37, v27;
	v29 =	vld [tilespmem:s0+$0x10540];
	[tilespmem:s0+$0x4D00] =	vst v31  }
0x10f: {  	v25 =	vmul.f32 v25, v7;
	v35 =	vmul.f32 v60, v8;
	v26 =	vadd.f32 v36, v26;
	v31 =	vld [tilespmem:s0+$0x10560];
	[tilespmem:s0+$0x4910] =	vst v24  }
0x110: {  	v28 =	vmul.f32 v28, v7;
	v38 =	vmul.f32 v57, v8;
	v30 =	vadd.f32 v40, v30;
	v24 =	vld [tilespmem:s0+$0x10170];
	[tilespmem:s0+$0x4940] =	vst v27  }
0x111: {  	v23 =	vmul.f32 v23, v7;
	v33 =	vmul.f32 v62, v8;
	v25 =	vadd.f32 v35, v25;
	v27 =	vld [tilespmem:s0+$0x10520];
	[tilespmem:s0+$0x4930] =	vst v26  }
0x112: {  	v22 =	vmul.f32 v22, v7;
	v32 =	vmul.f32 v63, v8;
	v28 =	vadd.f32 v38, v28;
	[tilespmem:s0+$0x4970] =	vst v30;
	v30 =	vld [tilespmem:s0+$0x10550]  }
0x113: {  	v19 =	vmul.f32 v19, v7;
	v23 =	vadd.f32 v33, v23;
	[tilespmem:s0+$0x4920] =	vst v25;
	v25 =	vld [tilespmem:s0+$0x10500];
	v29 =	vmul.f32 v29, v8  }
0x114: {  	v21 =	vmul.f32 v21, v7;
	v22 =	vadd.f32 v32, v22;
	[tilespmem:s0+$0x4950] =	vst v28;
	v28 =	vld [tilespmem:s0+$0x10530];
	v31 =	vmul.f32 v31, v8  }
0x115: {  	v14 =	vmul.f32 v14, v7;
	[tilespmem:s0+$0x4900] =	vst v23;
	v23 =	vld [tilespmem:s0+$0x10160];
	v24 =	vmul.f32 v24, v8;
	v19 =	vadd.f32 v29, v19  }
0x116: {  	v17 =	vmul.f32 v17, v7;
	v26 =	vld [tilespmem:s0+$0x10510];
	[tilespmem:s0+$0x4570] =	vst v22;
	v27 =	vmul.f32 v27, v8;
	v21 =	vadd.f32 v31, v21  }
0x117: {  	v20 =	vmul.f32 v20, v7;
	v22 =	vld [tilespmem:s0+$0x4150];
	v30 =	vmul.f32 v30, v8;
	v14 =	vadd.f32 v24, v14;
	[tilespmem:s0+$0x4540] =	vst v19  }
0x118: {  	v15 =	vmul.f32 v15, v7;
	v25 =	vmul.f32 v25, v8;
	v17 =	vadd.f32 v27, v17;
	v19 =	vld [tilespmem:s0+$0x11550];
	[tilespmem:s0+$0x4560] =	vst v21  }
0x119: {  	v18 =	vmul.f32 v18, v7;
	v28 =	vmul.f32 v28, v8;
	v20 =	vadd.f32 v30, v20;
	v21 =	vld [tilespmem:s0+$0x10150];
	[tilespmem:s0+$0x4170] =	vst v14  }
0x11a: {  	v13 =	vmul.f32 v13, v7;
	v23 =	vmul.f32 v23, v8;
	v15 =	vadd.f32 v25, v15;
	[tilespmem:s0+$0x4520] =	vst v17;
	v17 =	vld [tilespmem:s0+$0x5540]  }
0x11b: {  	v16 =	vmul.f32 v16, v7;
	v26 =	vmul.f32 v26, v8;
	v18 =	vadd.f32 v28, v18;
	[tilespmem:s0+$0x4550] =	vst v20;
	v20 =	vld [tilespmem:s0+$0x11540]  }
0x11c: {  	v10 =	vmul.f32 v10, v7;
	v9 =	vmul.f32 v9, v8;
	v13 =	vadd.f32 v23, v13;
	[tilespmem:s0+$0x4500] =	vst v15;
	v15 =	vld [tilespmem:s0+$0x5550]  }
0x11d: {  	v4 =	vmul.f32 v4, v7;
	v3 =	vmul.f32 v3, v8;
	v16 =	vadd.f32 v26, v16;
	[tilespmem:s0+$0x4530] =	vst v18;
	v18 =	vld [tilespmem:s0+$0x11560]  }
0x11e: {  	v9 =	vadd.f32 v9, v10;
	v10 =	vmul.f32 v22, v7;
	v14 =	vld [tilespmem:s0+$0x5570];
	[tilespmem:s0+$0x4160] =	vst v13;
	v13 =	vmul.f32 v21, v8  }
0x11f: {  	v3 =	vadd.f32 v3, v4;
	[tilespmem:s0+$0x4510] =	vst v16;
	v16 =	vld [tilespmem:s0+$0x11570]  }
0x120: {  	s30 =	simm.s32 $0x0;
	[tilespmem:s0+$0x4130] =	vst v9;
	v9 =	vld [tilespmem:s0+$0x10100];
	v11 =	vmul.f32 v17, v7;
	v17 =	vmul.f32 v20, v8;
	v4 =	vadd.f32 v13, v10  }
0x121: {  	s31 =	simm.s32 $0x80;
	s30 =	smul.u32 $0x1800, s30;
	[tilespmem:s0+$0x4120] =	vst v5;
	v5 =	vmul.f32 v15, v7;
	v10 =	vmul.f32 v19, v8  }
0x122: {  	s2 =	sand.u32 $0x380, s31;
	v11 =	vadd.f32 v17, v11;
	[tilespmem:s0+$0x4150] =	vst v4;
	v4 =	vmul.f32 v12, v7;
	v12 =	vmul.f32 v18, v8  }
0x123: {  	s30 =	sor.u32 s2, s30;
	[tilespmem:s0+$0x4110] =	vst v3;
	v5 =	vadd.f32 v10, v5  }
0x124: {  	v3 =	vld [tilespmem:s30+$0x4110];
	v10 =	vmul.f32 v14, v7;
	[tilespmem:s0+$0x5540] =	vst v11;
	v11 =	vmul.f32 v16, v8;
	v12 =	vadd.f32 v12, v4  }
0x125: {  	v7 =	vmul.f32 v6, v7;
	v8 =	vmul.f32 v9, v8;
	v4 =	vld [tilespmem:s30+$0x10110];
	[tilespmem:s0+$0x5550] =	vst v5  }
0x126: {  	v9 =	vadd.f32 v11, v10;
	v6 =	vld [tilespmem:s30+$0x4120];
	[tilespmem:s0+$0x5560] =	vst v12  }
0x127: {  	v7 =	vadd.f32 v8, v7;
	v5 =	vld [tilespmem:s30+$0x10120]  }
0x128: {  	v8 =	vld [tilespmem:s30+$0x4130];
	[tilespmem:s0+$0x5570] =	vst v9  }
0x129: {  	v18 =	vld [tilespmem:s30+$0x4530];
	[tilespmem:s0+$0x4100] =	vst v7  }
0x12a: {  	v7 =	vld [tilespmem:s30+$0x10130]  }
0x12b: {  	v10 =	vld [tilespmem:s30+$0x4140]  }
0x12c: {  	v9 =	vld [tilespmem:s30+$0x10140]  }
0x12d: {  	v12 =	vld [tilespmem:s30+$0x4150]  }
0x12e: {  	v11 =	vld [tilespmem:s30+$0x10150]  }
0x12f: {  	v13 =	vld [tilespmem:s30+$0x4160]  }
0x130: {  	v14 =	vld [tilespmem:s30+$0x4170]  }
0x131: {  	v15 =	vld [tilespmem:s30+$0x4500]  }
0x132: {  	v16 =	vld [tilespmem:s30+$0x4510]  }
0x133: {  	v17 =	vld [tilespmem:s30+$0x4520]  }
0x134: {  	v19 =	vld [tilespmem:s30+$0x4540]  }
0x135: {  	v20 =	vld [tilespmem:s30+$0x4550]  }
0x136: {  	v21 =	vld [tilespmem:s30+$0x4560]  }
0x137: {  	v22 =	vld [tilespmem:s30+$0x4570]  }
0x138: {  	v23 =	vld [tilespmem:s30+$0x4900]  }
0x139: {  	v24 =	vld [tilespmem:s30+$0x4910]  }
0x13a: {  	v25 =	vld [tilespmem:s30+$0x4920]  }
0x13b: {  	v26 =	vld [tilespmem:s30+$0x4930]  }
0x13c: {  	v27 =	vld [tilespmem:s30+$0x4940]  }
0x13d: {  	v28 =	vld [tilespmem:s30+$0x4950]  }
0x13e: {  	v29 =	vld [tilespmem:s30+$0x4960]  }
0x13f: {  	v30 =	vld [tilespmem:s30+$0x4970]  }
0x140: {  	v31 =	vld [tilespmem:s30+$0x4D00]  }
0x141: {  	v34 =	vld [tilespmem:s30+$0x4D10]  }
0x142: {  	v35 =	vld [tilespmem:s30+$0x4D20]  }
0x143: {  	v36 =	vld [tilespmem:s30+$0x4D30]  }
0x144: {  	v37 =	vld [tilespmem:s30+$0x4D40]  }
0x145: {  	v38 =	vld [tilespmem:s30+$0x4D50]  }
0x146: {  	v39 =	vld [tilespmem:s30+$0x4D60]  }
0x147: {  	v40 =	vld [tilespmem:s30+$0x4D70]  }
0x148: {  	v41 =	vld [tilespmem:s30+$0x5100]  }
0x149: {  	v42 =	vld [tilespmem:s30+$0x5110]  }
0x14a: {  	v43 =	vld [tilespmem:s30+$0x5120]  }
0x14b: {  	v44 =	vld [tilespmem:s30+$0x5130]  }
0x14c: {  	v45 =	vld [tilespmem:s30+$0x5140]  }
0x14d: {  	v46 =	vld [tilespmem:s30+$0x5150]  }
0x14e: {  	v47 =	vld [tilespmem:s30+$0x5160]  }
0x14f: {  	v48 =	vld [tilespmem:s30+$0x5500]  }
0x150: {  	v50 =	vld [tilespmem:s30+$0x5510]  }
0x151: {  	v49 =	vld [tilespmem:s30+$0x11510]  }
0x152: {  	s0 =	simm.s32 $0x2;
	v51 =	vld [tilespmem:s30+$0x11530]  }
.LBB2_2:
0x153: {  	p0 =	sne.s32 s0, $0x3F;
	v52 =	vld [tilespmem:s30+$0x5530]  }
0x154: {  	s28 =	sadd.s32 $0x80, s28;
	v53 =	vld [tilespmem:s30+$0x5520]  }
0x155: {  	s29 =	sadd.s32 $0x80, s29;
	v33 =	vld [tilespmem:s28+$0x0]  }
0x156: {  	v32 =	vld [tilespmem:s29+$0x0]  }
0x157: {  	v54 =	vld [tilespmem:s30+$0x11520]  }
0x158: {  	v55 =	vld [tilespmem:s30+$0x11500]  }
0x159: {  	v56 =	vld [tilespmem:s30+$0x5170]  }
0x15a: {  	v57 =	vld [tilespmem:s30+$0x11170];
	v50 =	vmul.f32 v50, v33;
	v53 =	vmul.f32 v53, v33  }
0x15b: {  	v52 =	vmul.f32 v52, v33;
	v58 =	vld [tilespmem:s30+$0x11160];
	v51 =	vmul.f32 v51, v32  }
0x15c: {  	v49 =	vmul.f32 v49, v32;
	v59 =	vld [tilespmem:s30+$0x11150];
	v54 =	vmul.f32 v54, v32  }
0x15d: {  	v48 =	vmul.f32 v48, v33;
	v60 =	vld [tilespmem:s30+$0x11140];
	v55 =	vmul.f32 v55, v32;
	v51 =	vadd.f32 v51, v52  }
0x15e: {  	v49 =	vadd.f32 v49, v50;
	v52 =	vld [tilespmem:s30+$0x11130];
	v56 =	vmul.f32 v56, v33;
	v50 =	vadd.f32 v54, v53  }
0x15f: {  	v47 =	vmul.f32 v47, v33;
	v53 =	vld [tilespmem:s30+$0x11120];
	v54 =	vmul.f32 v57, v32;
	v48 =	vadd.f32 v55, v48;
	[tilespmem:s30+$0x5530] =	vst v51  }
0x160: {  	v46 =	vmul.f32 v46, v33;
	v51 =	vld [tilespmem:s30+$0x11110];
	v55 =	vmul.f32 v58, v32;
	[tilespmem:s30+$0x5520] =	vst v50  }
0x161: {  	v45 =	vmul.f32 v45, v33;
	v50 =	vld [tilespmem:s30+$0x11100];
	v57 =	vmul.f32 v59, v32;
	v54 =	vadd.f32 v54, v56;
	[tilespmem:s30+$0x5510] =	vst v49  }
0x162: {  	v44 =	vmul.f32 v44, v33;
	v49 =	vld [tilespmem:s30+$0x10D70];
	v56 =	vmul.f32 v60, v32;
	v47 =	vadd.f32 v55, v47;
	[tilespmem:s30+$0x5500] =	vst v48  }
0x163: {  	v43 =	vmul.f32 v43, v33;
	v48 =	vld [tilespmem:s30+$0x10D60];
	v52 =	vmul.f32 v52, v32;
	v46 =	vadd.f32 v57, v46;
	[tilespmem:s30+$0x5170] =	vst v54  }
0x164: {  	v42 =	vmul.f32 v42, v33;
	v54 =	vld [tilespmem:s30+$0x10D50];
	v53 =	vmul.f32 v53, v32;
	v45 =	vadd.f32 v56, v45;
	[tilespmem:s30+$0x5160] =	vst v47  }
0x165: {  	v41 =	vmul.f32 v41, v33;
	v47 =	vld [tilespmem:s30+$0x10D40];
	v51 =	vmul.f32 v51, v32;
	v44 =	vadd.f32 v52, v44;
	[tilespmem:s30+$0x5150] =	vst v46  }
0x166: {  	v40 =	vmul.f32 v40, v33;
	v46 =	vld [tilespmem:s30+$0x10D30];
	v50 =	vmul.f32 v50, v32;
	v43 =	vadd.f32 v53, v43;
	[tilespmem:s30+$0x5140] =	vst v45  }
0x167: {  	v39 =	vmul.f32 v39, v33;
	v45 =	vld [tilespmem:s30+$0x10D20];
	v49 =	vmul.f32 v49, v32;
	v42 =	vadd.f32 v51, v42;
	[tilespmem:s30+$0x5130] =	vst v44  }
0x168: {  	v38 =	vmul.f32 v38, v33;
	v44 =	vld [tilespmem:s30+$0x10D10];
	v48 =	vmul.f32 v48, v32;
	v41 =	vadd.f32 v50, v41;
	[tilespmem:s30+$0x5120] =	vst v43  }
0x169: {  	v37 =	vmul.f32 v37, v33;
	v43 =	vld [tilespmem:s30+$0x10D00];
	v50 =	vmul.f32 v54, v32;
	v40 =	vadd.f32 v49, v40;
	[tilespmem:s30+$0x5110] =	vst v42  }
0x16a: {  	v36 =	vmul.f32 v36, v33;
	v42 =	vld [tilespmem:s30+$0x10970];
	v47 =	vmul.f32 v47, v32;
	v39 =	vadd.f32 v48, v39;
	[tilespmem:s30+$0x5100] =	vst v41  }
0x16b: {  	v35 =	vmul.f32 v35, v33;
	v41 =	vld [tilespmem:s30+$0x10960];
	v46 =	vmul.f32 v46, v32;
	v38 =	vadd.f32 v50, v38;
	[tilespmem:s30+$0x4D70] =	vst v40  }
0x16c: {  	v34 =	vmul.f32 v34, v33;
	v40 =	vld [tilespmem:s30+$0x10950];
	v45 =	vmul.f32 v45, v32;
	v37 =	vadd.f32 v47, v37;
	[tilespmem:s30+$0x4D60] =	vst v39  }
0x16d: {  	v31 =	vmul.f32 v31, v33;
	v39 =	vld [tilespmem:s30+$0x10940];
	v44 =	vmul.f32 v44, v32;
	v36 =	vadd.f32 v46, v36;
	[tilespmem:s30+$0x4D50] =	vst v38  }
0x16e: {  	v30 =	vmul.f32 v30, v33;
	v38 =	vld [tilespmem:s30+$0x10930];
	v43 =	vmul.f32 v43, v32;
	v35 =	vadd.f32 v45, v35;
	[tilespmem:s30+$0x4D40] =	vst v37  }
0x16f: {  	v29 =	vmul.f32 v29, v33;
	v37 =	vld [tilespmem:s30+$0x10920];
	v42 =	vmul.f32 v42, v32;
	v34 =	vadd.f32 v44, v34;
	[tilespmem:s30+$0x4D30] =	vst v36  }
0x170: {  	v28 =	vmul.f32 v28, v33;
	v36 =	vld [tilespmem:s30+$0x10910];
	v41 =	vmul.f32 v41, v32;
	v31 =	vadd.f32 v43, v31;
	[tilespmem:s30+$0x4D20] =	vst v35  }
0x171: {  	v27 =	vmul.f32 v27, v33;
	v35 =	vld [tilespmem:s30+$0x10900];
	v40 =	vmul.f32 v40, v32;
	v30 =	vadd.f32 v42, v30;
	[tilespmem:s30+$0x4D10] =	vst v34  }
0x172: {  	v26 =	vmul.f32 v26, v33;
	v34 =	vld [tilespmem:s30+$0x10570];
	v39 =	vmul.f32 v39, v32;
	v29 =	vadd.f32 v41, v29;
	[tilespmem:s30+$0x4D00] =	vst v31  }
0x173: {  	v25 =	vmul.f32 v25, v33;
	v31 =	vld [tilespmem:s30+$0x10560];
	v38 =	vmul.f32 v38, v32;
	v28 =	vadd.f32 v40, v28;
	[tilespmem:s30+$0x4970] =	vst v30  }
0x174: {  	v24 =	vmul.f32 v24, v33;
	v30 =	vld [tilespmem:s30+$0x10550];
	v37 =	vmul.f32 v37, v32;
	v27 =	vadd.f32 v39, v27;
	[tilespmem:s30+$0x4960] =	vst v29  }
0x175: {  	v23 =	vmul.f32 v23, v33;
	v29 =	vld [tilespmem:s30+$0x10540];
	v36 =	vmul.f32 v36, v32;
	v26 =	vadd.f32 v38, v26;
	[tilespmem:s30+$0x4950] =	vst v28  }
0x176: {  	v22 =	vmul.f32 v22, v33;
	v28 =	vld [tilespmem:s30+$0x10530];
	v35 =	vmul.f32 v35, v32;
	v25 =	vadd.f32 v37, v25;
	[tilespmem:s30+$0x4940] =	vst v27  }
0x177: {  	v21 =	vmul.f32 v21, v33;
	v27 =	vld [tilespmem:s30+$0x10520];
	v34 =	vmul.f32 v34, v32;
	v24 =	vadd.f32 v36, v24;
	[tilespmem:s30+$0x4930] =	vst v26  }
0x178: {  	v20 =	vmul.f32 v20, v33;
	v26 =	vld [tilespmem:s30+$0x10510];
	v31 =	vmul.f32 v31, v32;
	v23 =	vadd.f32 v35, v23;
	[tilespmem:s30+$0x4920] =	vst v25  }
0x179: {  	v19 =	vmul.f32 v19, v33;
	v25 =	vld [tilespmem:s30+$0x10500];
	v30 =	vmul.f32 v30, v32;
	v22 =	vadd.f32 v34, v22;
	[tilespmem:s30+$0x4910] =	vst v24  }
0x17a: {  	v18 =	vmul.f32 v18, v33;
	v24 =	vld [tilespmem:s30+$0x10170];
	v29 =	vmul.f32 v29, v32;
	v21 =	vadd.f32 v31, v21;
	[tilespmem:s30+$0x4900] =	vst v23  }
0x17b: {  	v17 =	vmul.f32 v17, v33;
	v23 =	vld [tilespmem:s30+$0x10160];
	v28 =	vmul.f32 v28, v32;
	v20 =	vadd.f32 v30, v20;
	[tilespmem:s30+$0x4570] =	vst v22  }
0x17c: {  	v16 =	vmul.f32 v16, v33;
	v22 =	vmul.f32 v27, v32;
	v19 =	vadd.f32 v29, v19;
	[tilespmem:s30+$0x4560] =	vst v21;
	v21 =	vld [tilespmem:s30+$0x11540]  }
0x17d: {  	v15 =	vmul.f32 v15, v33;
	v26 =	vmul.f32 v26, v32;
	v18 =	vadd.f32 v28, v18;
	[tilespmem:s30+$0x4550] =	vst v20;
	v20 =	vld [tilespmem:s30+$0x11550]  }
0x17e: {  	v14 =	vmul.f32 v14, v33;
	v25 =	vmul.f32 v25, v32;
	v17 =	vadd.f32 v22, v17;
	[tilespmem:s30+$0x4540] =	vst v19;
	v19 =	vld [tilespmem:s30+$0x11560]  }
0x17f: {  	v13 =	vmul.f32 v13, v33;
	v22 =	vmul.f32 v24, v32;
	v16 =	vadd.f32 v26, v16;
	[tilespmem:s30+$0x4530] =	vst v18;
	v18 =	vld [tilespmem:s30+$0x11570]  }
0x180: {  	v12 =	vmul.f32 v12, v33;
	v23 =	vmul.f32 v23, v32;
	v15 =	vadd.f32 v25, v15;
	[tilespmem:s30+$0x4520] =	vst v17;
	v17 =	vld [tilespmem:s30+$0x5540]  }
0x181: {  	v10 =	vmul.f32 v10, v33;
	v11 =	vmul.f32 v11, v32;
	v14 =	vadd.f32 v22, v14;
	[tilespmem:s30+$0x4510] =	vst v16;
	v16 =	vld [tilespmem:s30+$0x5550]  }
0x182: {  	v8 =	vmul.f32 v8, v33;
	v9 =	vmul.f32 v9, v32;
	v13 =	vadd.f32 v23, v13;
	[tilespmem:s30+$0x4500] =	vst v15;
	v15 =	vld [tilespmem:s30+$0x5560]  }
0x183: {  	v6 =	vmul.f32 v6, v33;
	v7 =	vmul.f32 v7, v32;
	v11 =	vadd.f32 v11, v12;
	[tilespmem:s30+$0x4170] =	vst v14;
	v12 =	vld [tilespmem:s30+$0x5570]  }
0x184: {  	v3 =	vmul.f32 v3, v33;
	v5 =	vmul.f32 v5, v32;
	v9 =	vadd.f32 v9, v10;
	v14 =	vld [tilespmem:s30+$0x4100];
	[tilespmem:s30+$0x4160] =	vst v13  }
0x185: {  	v4 =	vmul.f32 v4, v32;
	v7 =	vadd.f32 v7, v8;
	v10 =	vld [tilespmem:s30+$0x10100];
	[tilespmem:s30+$0x4150] =	vst v11;
	v8 =	vmul.f32 v17, v33  }
0x186: {  	s2 =	sshrl.u32 s0, $0x3;
	v5 =	vadd.f32 v5, v6;
	v6 =	vmul.f32 v21, v32;
	[tilespmem:s30+$0x4140] =	vst v9;
	v9 =	vmul.f32 v16, v33  }
0x187: {  	s31 =	sadd.s32 $0x80, s31;
	s2 =	smul.u32 $0x1800, s2;
	v3 =	vadd.f32 v4, v3;
	v4 =	vmul.f32 v20, v32;
	[tilespmem:s30+$0x4130] =	vst v7;
	v7 =	vmul.f32 v15, v33  }
0x188: {  	s13 =	sand.u32 $0x380, s31;
	[tilespmem:s30+$0x4120] =	vst v5;
	v5 =	vadd.f32 v6, v8;
	v6 =	vmul.f32 v19, v32;
	v8 =	vmul.f32 v12, v33  }
0x189: {  	s2 =	sor.u32 s13, s2;
	v9 =	vadd.f32 v4, v9;
	v12 =	vmul.f32 v18, v32;
	v11 =	vmul.f32 v14, v33;
	[tilespmem:s30+$0x4110] =	vst v3  }
0x18a: {  	v3 =	vld [tilespmem:s2+$0x4110];
	v10 =	vmul.f32 v10, v32;
	[tilespmem:s30+$0x5540] =	vst v5;
	v5 =	vadd.f32 v6, v7  }
0x18b: {  	v7 =	vadd.f32 v12, v8;
	v4 =	vld [tilespmem:s2+$0x10110];
	[tilespmem:s30+$0x5550] =	vst v9  }
0x18c: {  	v6 =	vld [tilespmem:s2+$0x4120];
	v9 =	vadd.f32 v10, v11;
	[tilespmem:s30+$0x5560] =	vst v5  }
0x18d: {  	v5 =	vld [tilespmem:s2+$0x10120];
	[tilespmem:s30+$0x5570] =	vst v7  }
0x18e: {  	v8 =	vld [tilespmem:s2+$0x4130];
	[tilespmem:s30+$0x4100] =	vst v9;
	s30 =	smov.u32 s2  }
0x18f: {  	v7 =	vld [tilespmem:s30+$0x10130]  }
0x190: {  	v10 =	vld [tilespmem:s30+$0x4140]  }
0x191: {  	v9 =	vld [tilespmem:s30+$0x10140]  }
0x192: {  	v12 =	vld [tilespmem:s30+$0x4150]  }
0x193: {  	v11 =	vld [tilespmem:s30+$0x10150]  }
0x194: {  	v13 =	vld [tilespmem:s30+$0x4160]  }
0x195: {  	v14 =	vld [tilespmem:s30+$0x4170]  }
0x196: {  	v15 =	vld [tilespmem:s30+$0x4500]  }
0x197: {  	v16 =	vld [tilespmem:s30+$0x4510]  }
0x198: {  	v17 =	vld [tilespmem:s30+$0x4520]  }
0x199: {  	v18 =	vld [tilespmem:s30+$0x4530]  }
0x19a: {  	v19 =	vld [tilespmem:s30+$0x4540]  }
0x19b: {  	v20 =	vld [tilespmem:s30+$0x4550]  }
0x19c: {  	v21 =	vld [tilespmem:s30+$0x4560]  }
0x19d: {  	v22 =	vld [tilespmem:s30+$0x4570]  }
0x19e: {  	v23 =	vld [tilespmem:s30+$0x4900]  }
0x19f: {  	v24 =	vld [tilespmem:s30+$0x4910]  }
0x1a0: {  	v25 =	vld [tilespmem:s30+$0x4920]  }
0x1a1: {  	v26 =	vld [tilespmem:s30+$0x4930]  }
0x1a2: {  	v27 =	vld [tilespmem:s30+$0x4940]  }
0x1a3: {  	v28 =	vld [tilespmem:s30+$0x4950]  }
0x1a4: {  	v29 =	vld [tilespmem:s30+$0x4960]  }
0x1a5: {  	v30 =	vld [tilespmem:s30+$0x4970]  }
0x1a6: {  	v31 =	vld [tilespmem:s30+$0x4D00]  }
0x1a7: {  	v34 =	vld [tilespmem:s30+$0x4D10]  }
0x1a8: {  	v35 =	vld [tilespmem:s30+$0x4D20]  }
0x1a9: {  	v36 =	vld [tilespmem:s30+$0x4D30]  }
0x1aa: {  	v37 =	vld [tilespmem:s30+$0x4D40]  }
0x1ab: {  	v38 =	vld [tilespmem:s30+$0x4D50]  }
0x1ac: {  	v39 =	vld [tilespmem:s30+$0x4D60]  }
0x1ad: {  	v40 =	vld [tilespmem:s30+$0x4D70]  }
0x1ae: {  	v41 =	vld [tilespmem:s30+$0x5100]  }
0x1af: {  	v42 =	vld [tilespmem:s30+$0x5110]  }
0x1b0: {  	v43 =	vld [tilespmem:s30+$0x5120]  }
0x1b1: {  	v44 =	vld [tilespmem:s30+$0x5130]  }
0x1b2: {  	v45 =	vld [tilespmem:s30+$0x5140]  }
0x1b3: {  	v46 =	vld [tilespmem:s30+$0x5150]  }
.Ltmp0:
0x1b4: {  	v47 =	vld [tilespmem:s30+$0x5160];
	(pc) =	sbr.rel @p0 .LBB2_2-.Ltmp0, $4  }
0x1b5: {  	v48 =	vld [tilespmem:s30+$0x5500]  }
0x1b6: {  	v50 =	vld [tilespmem:s30+$0x5510]  }
0x1b7: {  	v49 =	vld [tilespmem:s30+$0x11510]  }
0x1b8: {  	s0 =	sadd.s32 $0x1, s0;
	v51 =	vld [tilespmem:s30+$0x11530]  }
0x1b9: {  	v52 =	vld [tilespmem:s30+$0x5530]  }
0x1ba: {  	v53 =	vld [tilespmem:s30+$0x5520];
	s0 =	sadd.s32 $0x80, s28  }
0x1bb: {  	s31 =	sadd.s32 $0x80, s29;
	v32 =	vld [tilespmem:s0+$0x0]  }
0x1bc: {  	v33 =	vld [tilespmem:s31+$0x0]  }
0x1bd: {  	v54 =	vld [tilespmem:s30+$0x11520];
	_ =	sdelay $0x1  }
0x1be: {  	v55 =	vld [tilespmem:s30+$0x11500]  }
0x1bf: {  	v56 =	vld [tilespmem:s30+$0x5170]  }
0x1c0: {  	v58 =	vld [tilespmem:s30+$0x11160];
	v52 =	vmul.f32 v52, v32;
	v51 =	vmul.f32 v51, v33  }
0x1c1: {  	v57 =	vld [tilespmem:s30+$0x11170];
	v53 =	vmul.f32 v53, v32;
	v54 =	vmul.f32 v54, v33  }
0x1c2: {  	v59 =	vld [tilespmem:s30+$0x11150];
	v50 =	vmul.f32 v50, v32;
	v49 =	vmul.f32 v49, v33  }
0x1c3: {  	v60 =	vld [tilespmem:s30+$0x11140];
	v48 =	vmul.f32 v48, v32;
	v62 =	vmul.f32 v55, v33;
	v51 =	vadd.f32 v51, v52  }
0x1c4: {  	v61 =	vld [tilespmem:s30+$0x11120];
	v63 =	vmul.f32 v56, v32;
	v47 =	vmul.f32 v47, v32;
	v53 =	vadd.f32 v54, v53  }
0x1c5: {  	v58 =	vmul.f32 v58, v33;
	v55 =	vld [tilespmem:s30+$0x10560];
	v12 =	vmul.f32 v12, v32;
	v49 =	vadd.f32 v49, v50;
	[tilespmem:s30+$0x5530] =	vst v51  }
0x1c6: {  	v56 =	vld [tilespmem:s30+$0x10550];
	v11 =	vmul.f32 v11, v33;
	v10 =	vmul.f32 v10, v32;
	v48 =	vadd.f32 v62, v48;
	[tilespmem:s30+$0x5520] =	vst v53  }
0x1c7: {  	v9 =	vmul.f32 v9, v33;
	v8 =	vmul.f32 v8, v32;
	v52 =	vld [tilespmem:s30+$0x11130];
	v47 =	vadd.f32 v58, v47;
	[tilespmem:s30+$0x5510] =	vst v49  }
0x1c8: {  	v7 =	vmul.f32 v7, v33;
	v6 =	vmul.f32 v6, v32;
	v50 =	vld [tilespmem:s30+$0x11100];
	v11 =	vadd.f32 v11, v12;
	[tilespmem:s30+$0x5500] =	vst v48  }
0x1c9: {  	v5 =	vmul.f32 v5, v33;
	v3 =	vmul.f32 v3, v32;
	v58 =	vld [tilespmem:s30+$0x10D20];
	v9 =	vadd.f32 v9, v10;
	[tilespmem:s30+$0x5160] =	vst v47  }
0x1ca: {  	v4 =	vmul.f32 v4, v33;
	v62 =	vmul.f32 v59, v33;
	v59 =	vld [tilespmem:s30+$0x10D10];
	v7 =	vadd.f32 v7, v8;
	[tilespmem:s30+$0x4150] =	vst v11  }
0x1cb: {  	v57 =	vmul.f32 v57, v33;
	v54 =	vld [tilespmem:s30+$0x10570];
	v5 =	vadd.f32 v5, v6;
	[tilespmem:s30+$0x4140] =	vst v9  }
0x1cc: {  	v46 =	vmul.f32 v46, v32;
	v3 =	vadd.f32 v4, v3;
	v51 =	vld [tilespmem:s30+$0x11110];
	[tilespmem:s30+$0x4130] =	vst v7  }
0x1cd: {  	v45 =	vmul.f32 v45, v32;
	v49 =	vld [tilespmem:s30+$0x10D70];
	v53 =	vadd.f32 v57, v63;
	v63 =	vmul.f32 v60, v33;
	[tilespmem:s30+$0x4120] =	vst v5  }
0x1ce: {  	v43 =	vmul.f32 v43, v32;
	v48 =	vld [tilespmem:s30+$0x10D60];
	v46 =	vadd.f32 v62, v46;
	v57 =	vmul.f32 v61, v33;
	[tilespmem:s30+$0x4110] =	vst v3  }
0x1cf: {  	v44 =	vmul.f32 v44, v32;
	v47 =	vld [tilespmem:s30+$0x10D40];
	[tilespmem:s30+$0x5170] =	vst v53;
	v45 =	vadd.f32 v63, v45;
	v52 =	vmul.f32 v52, v33  }
0x1d0: {  	v41 =	vmul.f32 v41, v32;
	v60 =	vld [tilespmem:s30+$0x10D00];
	[tilespmem:s30+$0x5150] =	vst v46;
	v43 =	vadd.f32 v57, v43;
	v50 =	vmul.f32 v50, v33  }
0x1d1: {  	v35 =	vmul.f32 v35, v32;
	v61 =	vld [tilespmem:s30+$0x10970];
	[tilespmem:s30+$0x5140] =	vst v45;
	v45 =	vmul.f32 v58, v33;
	v44 =	vadd.f32 v52, v44  }
0x1d2: {  	v42 =	vmul.f32 v42, v32;
	v53 =	vld [tilespmem:s30+$0x10D50];
	[tilespmem:s30+$0x5120] =	vst v43;
	v51 =	vmul.f32 v51, v33;
	v41 =	vadd.f32 v50, v41  }
0x1d3: {  	v40 =	vmul.f32 v40, v32;
	v46 =	vld [tilespmem:s30+$0x10D30];
	v49 =	vmul.f32 v49, v33;
	v35 =	vadd.f32 v45, v35;
	[tilespmem:s30+$0x5130] =	vst v44  }
0x1d4: {  	v39 =	vmul.f32 v39, v32;
	v62 =	vld [tilespmem:s30+$0x10960];
	v48 =	vmul.f32 v48, v33;
	v42 =	vadd.f32 v51, v42;
	[tilespmem:s30+$0x5100] =	vst v41  }
0x1d5: {  	v37 =	vmul.f32 v37, v32;
	v57 =	vld [tilespmem:s30+$0x10540];
	v47 =	vmul.f32 v47, v33;
	v40 =	vadd.f32 v49, v40;
	[tilespmem:s30+$0x4D20] =	vst v35  }
0x1d6: {  	v31 =	vmul.f32 v31, v32;
	v58 =	vld [tilespmem:s30+$0x10530];
	v43 =	vmul.f32 v60, v33;
	v39 =	vadd.f32 v48, v39;
	[tilespmem:s30+$0x5110] =	vst v42  }
0x1d7: {  	v38 =	vmul.f32 v38, v32;
	v50 =	vld [tilespmem:s30+$0x10930];
	v63 =	vmul.f32 v53, v33;
	v37 =	vadd.f32 v47, v37;
	[tilespmem:s30+$0x4D70] =	vst v40  }
0x1d8: {  	v36 =	vmul.f32 v36, v32;
	v60 =	vld [tilespmem:s30+$0x10510];
	v46 =	vmul.f32 v46, v33;
	v31 =	vadd.f32 v43, v31;
	[tilespmem:s30+$0x4D60] =	vst v39  }
0x1d9: {  	v34 =	vmul.f32 v34, v32;
	v52 =	vld [tilespmem:s30+$0x10910];
	v44 =	vmul.f32 v59, v33;
	v38 =	vadd.f32 v63, v38;
	[tilespmem:s30+$0x4D40] =	vst v37  }
0x1da: {  	v29 =	vmul.f32 v29, v32;
	v45 =	vld [tilespmem:s30+$0x5540];
	v41 =	vmul.f32 v62, v33;
	v36 =	vadd.f32 v46, v36;
	[tilespmem:s30+$0x4D00] =	vst v31  }
0x1db: {  	v21 =	vmul.f32 v21, v32;
	v48 =	vld [tilespmem:s30+$0x10950];
	v62 =	vmul.f32 v55, v33;
	v34 =	vadd.f32 v44, v34;
	[tilespmem:s30+$0x4D50] =	vst v38  }
0x1dc: {  	v30 =	vmul.f32 v30, v32;
	v49 =	vld [tilespmem:s30+$0x10940];
	v42 =	vmul.f32 v61, v33;
	v29 =	vadd.f32 v41, v29;
	[tilespmem:s30+$0x4D30] =	vst v36  }
0x1dd: {  	v16 =	vmul.f32 v16, v32;
	v51 =	vld [tilespmem:s30+$0x10920];
	v21 =	vadd.f32 v62, v21;
	v41 =	vmul.f32 v60, v33;
	[tilespmem:s30+$0x4D10] =	vst v34  }
0x1de: {  	v26 =	vmul.f32 v26, v32;
	v53 =	vld [tilespmem:s30+$0x10900];
	v30 =	vadd.f32 v42, v30;
	[tilespmem:s30+$0x4960] =	vst v29;
	v38 =	vmul.f32 v50, v33  }
0x1df: {  	v24 =	vmul.f32 v24, v32;
	v59 =	vld [tilespmem:s30+$0x10520];
	v36 =	vmul.f32 v52, v33;
	[tilespmem:s30+$0x4560] =	vst v21;
	v16 =	vadd.f32 v41, v16  }
0x1e0: {  	v22 =	vmul.f32 v22, v32;
	v43 =	vld [tilespmem:s30+$0x11570];
	v34 =	vmul.f32 v54, v33;
	[tilespmem:s30+$0x4970] =	vst v30;
	v26 =	vadd.f32 v38, v26  }
0x1e1: {  	v28 =	vmul.f32 v28, v32;
	v61 =	vld [tilespmem:s30+$0x10500];
	v40 =	vmul.f32 v48, v33;
	v24 =	vadd.f32 v36, v24;
	[tilespmem:s30+$0x4510] =	vst v16  }
0x1e2: {  	v27 =	vmul.f32 v27, v32;
	v63 =	vld [tilespmem:s30+$0x10170];
	v39 =	vmul.f32 v49, v33;
	v22 =	vadd.f32 v34, v22;
	[tilespmem:s30+$0x4930] =	vst v26  }
0x1e3: {  	v25 =	vmul.f32 v25, v32;
	v46 =	vld [tilespmem:s30+$0x5550];
	v37 =	vmul.f32 v51, v33;
	v28 =	vadd.f32 v40, v28;
	[tilespmem:s30+$0x4910] =	vst v24  }
0x1e4: {  	v23 =	vmul.f32 v23, v32;
	v50 =	vld [tilespmem:s30+$0x10100];
	v35 =	vmul.f32 v53, v33;
	v27 =	vadd.f32 v39, v27;
	[tilespmem:s30+$0x4570] =	vst v22  }
0x1e5: {  	v20 =	vmul.f32 v20, v32;
	v48 =	vld [tilespmem:s30+$0x5560];
	v30 =	vmul.f32 v56, v33;
	v25 =	vadd.f32 v37, v25;
	[tilespmem:s30+$0x4950] =	vst v28  }
0x1e6: {  	v19 =	vmul.f32 v19, v32;
	v51 =	vld [tilespmem:s30+$0x4100];
	v23 =	vadd.f32 v35, v23;
	v35 =	vmul.f32 v57, v33;
	[tilespmem:s30+$0x4940] =	vst v27  }
0x1e7: {  	v18 =	vmul.f32 v18, v32;
	v34 =	vld [tilespmem:s30+$0x10160];
	v37 =	vmul.f32 v58, v33;
	v20 =	vadd.f32 v30, v20;
	[tilespmem:s30+$0x4920] =	vst v25  }
0x1e8: {  	v17 =	vmul.f32 v17, v32;
	v36 =	vld [tilespmem:s30+$0x11540];
	v39 =	vmul.f32 v59, v33;
	[tilespmem:s30+$0x4900] =	vst v23;
	v19 =	vadd.f32 v35, v19  }
0x1e9: {  	v15 =	vmul.f32 v15, v32;
	v38 =	vld [tilespmem:s30+$0x11550];
	v42 =	vmul.f32 v61, v33;
	v18 =	vadd.f32 v37, v18;
	[tilespmem:s30+$0x4550] =	vst v20  }
0x1ea: {  	v14 =	vmul.f32 v14, v32;
	v40 =	vld [tilespmem:s30+$0x11560];
	v44 =	vmul.f32 v63, v33;
	v17 =	vadd.f32 v39, v17;
	[tilespmem:s30+$0x4540] =	vst v19  }
0x1eb: {  	v49 =	vld [tilespmem:s30+$0x5570];
	v15 =	vadd.f32 v42, v15;
	v10 =	vmul.f32 v50, v33;
	v61 =	vmul.f32 v51, v32;
	[tilespmem:s30+$0x4530] =	vst v18  }
0x1ec: {  	v13 =	vmul.f32 v13, v32;
	v14 =	vadd.f32 v44, v14;
	[tilespmem:s30+$0x4520] =	vst v17;
	v47 =	vmul.f32 v34, v33  }
0x1ed: {  	v52 =	vmul.f32 v45, v32;
	[tilespmem:s30+$0x4500] =	vst v15;
	v53 =	vmul.f32 v36, v33;
	v63 =	vadd.f32 v10, v61  }
0x1ee: {  	v54 =	vmul.f32 v46, v32;
	[tilespmem:s30+$0x4170] =	vst v14;
	v55 =	vmul.f32 v38, v33;
	v13 =	vadd.f32 v47, v13  }
0x1ef: {  	v56 =	vmul.f32 v48, v32;
	v58 =	vmul.f32 v40, v33;
	v57 =	vadd.f32 v53, v52;
	[tilespmem:s30+$0x4100] =	vst v63  }
0x1f0: {  	v60 =	vmul.f32 v43, v33;
	v59 =	vmul.f32 v49, v32;
	v3 =	vadd.f32 v55, v54;
	[tilespmem:s30+$0x4160] =	vst v13  }
0x1f1: {  	v62 =	vadd.f32 v58, v56;
	[tilespmem:s30+$0x5540] =	vst v57  }
0x1f2: {  	s26 =	sadd.s32 $0x1, s26;
	[tilespmem:s30+$0x5550] =	vst v3;
	v3 =	vadd.f32 v60, v59  }
0x1f3: {  	p0 =	sne.s32 s26, s11;
	[tilespmem:s30+$0x5560] =	vst v62  }
.Ltmp1:
0x1f4: {  	[tilespmem:s30+$0x5570] =	vst v3;
	(pc) =	sbr.rel @p0 .LBB2_1-.Ltmp1, $4  }
0x1f5: {  	[hbm4b:s10+s1] =	stream.linear.scatter [tilespmem:s14], [sflag:$0x3], $0xC000, $0x38;
	[tilespmem:$0x1C100] =	vst v63  }
0x1f6: {  	_ =	swait.ge [sflag:s12], $0xC000  }
0x1f7: {  	[sflag:s12] =	ssyncset.done $0x0  }
0x1f8: {  	[sflag:s12] =	ssyncadd.s32 $0xFFFF4000  }
0x1f9: {  	_ =	sfence.sel $0x180000  }
0x1fa: {  	[bflag:$0x0] =	sbarrier.arrive $0xFFFF  }
0x1fb: {  	_ =	strace $0x9000004A  }
0x1fc: {  	s0 =	stileid.u32;
	[bflag:$0x2] =	sbarrier.arrive $0xFFFF  }
0x1fd: {  	p0 =	sne.s32 s0, $0x0;
	s0 =	rddreg [dreg:$0x2]  }
0x1fe: {  	s0 =	sadd.s32 @!p0 $0x100000, s0  }
0x1ff: {  	[sflag:s0] =	ssyncadd.tile.s32 @!p0 $0x1;
	_ =	shalt  }
.Lfunc_end2:
_tile_overlayer_lowered:
.L_overlay_start_2:
0x200: {  	(tag) =	ssettag $0x2  }
0x201: {  	s0 =	rddreg [dreg:$0x0];
	s2 =	stileid.u32  }
0x202: {  	s1 =	rddreg [dreg:$0x1];
	p0 =	sne.s32 s2, $0x0  }
0x203: {  	s3 =	rddreg [dreg:$0x2];
	[bflag:$0x3] =	sbarrier.arrive $0xFFFF;
	s2 =	simm.s32 @!p0 $0x1C03  }
0x204: {  	[timem:s3], [sflag:s2] =	dma.local @!p0 [hbm:s0], s1  }
0x205: {  	s0 =	simm.s32 @!p0 $0x3  }
0x206: {  	_ =	swait.ge @!p0 [sflag:s0], s1  }
0x207: {  	s1 =	ssub.s32 @!p0 $0x0, s1;
	[sflag:s0] =	ssyncset.done @!p0 $0x0  }
0x208: {  	[sflag:s0] =	ssyncadd.s32 @!p0 s1  }
0x209: {  	[bflag:$0x3] =	sbarrier.arrive $0xFFFF  }
0x20a: {  	_ =	shalt  }

</sc_bundles>
